<compile_context>
chip_gen: v7x
topology: tpu7x:2x2x1
jax: 0.10.2.dev20260603
libtpu: 0.0.44.dev20260713+nightly
codegen_flags: <defaults>
</compile_context>

<pallas_src>
import functools

import jax
import jax.numpy as jnp
from jax import lax
from jax.experimental import pallas as pl
from jax.experimental.pallas import tpu as pltpu
from jax.experimental.pallas import tpu_sc as plsc

_N = 10000
_D = 128
_BR = 1000
_BC = 2048
_NCB = 5

_WK = 25
_RPW = 400
_CH = 200

_BR1 = 2000
_BR2 = 2000


def _top2_body(a_ref, out_ref, rv1, ri1, rv2, ri2):
    j = pl.program_id(1)
    nj = pl.num_programs(1)
    v = a_ref[...]
    colf = lax.broadcasted_iota(jnp.int32, v.shape, 1).astype(jnp.float32)
    limit = (_N - j * _BC).astype(jnp.float32)
    v = jnp.where(colf < limit, v, -jnp.inf)
    bigf = jnp.float32(4096.0)
    m1 = jnp.max(v, axis=1, keepdims=True)
    i1f = jnp.min(jnp.where(v == m1, colf, bigf), axis=1, keepdims=True)
    v2 = jnp.where(colf == i1f, -jnp.inf, v)
    m2 = jnp.max(v2, axis=1, keepdims=True)
    i2f = jnp.min(jnp.where(v2 == m2, colf, bigf), axis=1, keepdims=True)
    off = j * _BC
    i1 = i1f.astype(jnp.int32) + off
    i2 = i2f.astype(jnp.int32) + off

    @pl.when(j == 0)
    def _init():
        rv1[...] = m1
        ri1[...] = i1
        rv2[...] = m2
        ri2[...] = i2

    @pl.when(j > 0)
    def _merge():
        pv1, pi1 = rv1[...], ri1[...]
        pv2, pi2 = rv2[...], ri2[...]
        b1 = m1 > pv1
        cav = jnp.where(b1, pv1, pv2)
        cai = jnp.where(b1, pi1, pi2)
        cbv = jnp.where(b1, m2, m1)
        cbi = jnp.where(b1, i2, i1)
        b2 = cbv > cav
        rv1[...] = jnp.where(b1, m1, pv1)
        ri1[...] = jnp.where(b1, i1, pi1)
        rv2[...] = jnp.where(b2, cbv, cav)
        ri2[...] = jnp.where(b2, cbi, cai)

    @pl.when(j == nj - 1)
    def _write():
        lane = lax.broadcasted_iota(jnp.int32, (out_ref.shape[0], 8), 1)
        out_ref[...] = jnp.where(lane == 0, ri1[...],
                                 jnp.where(lane == 1, ri2[...], 0))


def _top2(adjacency):
    return pl.pallas_call(
        _top2_body,
        grid=(_N // _BR, _NCB),
        in_specs=[pl.BlockSpec((_BR, _BC), lambda i, j: (i, j))],
        out_specs=pl.BlockSpec((_BR, 8), lambda i, j: (i, 0)),
        out_shape=jax.ShapeDtypeStruct((_N, 8), jnp.int32),
        scratch_shapes=[
            pltpu.VMEM((_BR, 1), jnp.float32),
            pltpu.VMEM((_BR, 1), jnp.int32),
            pltpu.VMEM((_BR, 1), jnp.float32),
            pltpu.VMEM((_BR, 1), jnp.int32),
        ],
        compiler_params=pltpu.CompilerParams(
            dimension_semantics=("parallel", "arbitrary")),
    )(adjacency)


def _sc_combine_body(table_hbm, i0_hbm, i1_hbm, out_hbm,
                     i0_v, i1_v, self_v, g0_v, g1_v, sem0, sem1, sem2):
    wid = lax.axis_index("s") * 2 + lax.axis_index("c")

    @pl.when(wid < _WK)
    def _work():
        for s in range(_RPW // _CH):
            b = wid * _RPW + s * _CH
            cp0 = pltpu.async_copy(i0_hbm.at[pl.ds(b, _CH)], i0_v, sem0)
            cp1 = pltpu.async_copy(i1_hbm.at[pl.ds(b, _CH)], i1_v, sem1)
            cps = pltpu.async_copy(table_hbm.at[pl.ds(b, _CH)], self_v, sem2)
            cp0.wait()
            cp1.wait()
            g0c = pltpu.async_copy(table_hbm.at[i0_v], g0_v, sem0)
            g1c = pltpu.async_copy(table_hbm.at[i1_v], g1_v, sem1)
            cps.wait()
            g0c.wait()
            g1c.wait()

            def row(r, _):
                for c in range(_D // 16):
                    sl = pl.ds(c * 16, 16)
                    agg = (g0_v[r, sl] + g1_v[r, sl]) * 0.5
                    self_v[r, sl] = (self_v[r, sl] + agg) * 0.5
                return 0

            lax.fori_loop(0, _CH, row, 0)
            pltpu.sync_copy(self_v, out_hbm.at[pl.ds(b, _CH)])


def _sc_combine(table, i0, i1):
    mesh = plsc.VectorSubcoreMesh(core_axis_name="c", subcore_axis_name="s")
    fn = functools.partial(
        pl.kernel,
        out_type=jax.ShapeDtypeStruct((_N, _D), jnp.float32),
        mesh=mesh,
        scratch_types=[
            pltpu.VMEM((_CH,), jnp.int32),
            pltpu.VMEM((_CH,), jnp.int32),
            pltpu.VMEM((_CH, _D), jnp.float32),
            pltpu.VMEM((_CH, _D), jnp.float32),
            pltpu.VMEM((_CH, _D), jnp.float32),
            pltpu.SemaphoreType.DMA,
            pltpu.SemaphoreType.DMA,
            pltpu.SemaphoreType.DMA,
        ],
    )(_sc_combine_body)
    return fn(table, i0, i1)


def _ens_logits(f, wih_ref, bh_ref, who_ref, bo_ref, m):
    hid = jnp.maximum(
        jnp.dot(f, wih_ref[m], preferred_element_type=jnp.float32)
        + bh_ref[m][None, :], 0.0)
    return (jnp.dot(hid, who_ref[m], preferred_element_type=jnp.float32)
            + bo_ref[m][None, :])


def _mlp1_body(f_ref, wih_ref, bh_ref, who_ref, bo_ref, mx_ref):
    f = f_ref[...]
    bms = []
    for m in range(4):
        lg = _ens_logits(f, wih_ref, bh_ref, who_ref, bo_ref, m)
        bms.append(jnp.max(lg, axis=0))
    mx_ref[0] = jnp.stack(bms, axis=0)


def _mlp1(f2, wih, bh, who, bo):
    c = who.shape[2]
    nb = _N // _BR1
    return pl.pallas_call(
        _mlp1_body,
        grid=(nb,),
        in_specs=[
            pl.BlockSpec((_BR1, _D), lambda i: (i, 0)),
            pl.BlockSpec(wih.shape, lambda i: (0, 0, 0)),
            pl.BlockSpec(bh.shape, lambda i: (0, 0)),
            pl.BlockSpec(who.shape, lambda i: (0, 0, 0)),
            pl.BlockSpec(bo.shape, lambda i: (0, 0)),
        ],
        out_specs=pl.BlockSpec((1, 4, c), lambda i: (i, 0, 0)),
        out_shape=jax.ShapeDtypeStruct((nb, 4, c), jnp.float32),
        compiler_params=pltpu.CompilerParams(
            dimension_semantics=("parallel",)),
    )(f2, wih, bh, who, bo)


def _mlp2a_body(mx_ref, f_ref, ewih_ref, ebh_ref, ewho_ref, ebo_ref,
                wih_ref, bh_ref, who_ref, bo_ref, o_ref, gm_ref):
    c = mx_ref.shape[2]
    mxv = jnp.max(mx_ref[...], axis=0)
    f = f_ref[...]
    preds_sum = jnp.zeros((f_ref.shape[0], 1), jnp.float32)
    for m in range(4):
        lg = _ens_logits(f, ewih_ref, ebh_ref, ewho_ref, ebo_ref, m)
        e = jnp.exp(lg - jnp.max(mxv[m]))
        p = e / jnp.sum(e, axis=1, keepdims=True)
        pm = jnp.max(p, axis=1, keepdims=True)
        colc = lax.broadcasted_iota(jnp.int32, p.shape, 1)
        am = jnp.min(jnp.where(p == pm, colc, jnp.int32(c)), axis=1,
                     keepdims=True)
        am = jnp.where(jnp.isnan(pm), jnp.int32(0), am)
        preds_sum = preds_sum + am.astype(jnp.float32)
    agg = preds_sum * 0.25
    w = f * agg
    h2 = jnp.maximum(
        jnp.dot(w, wih_ref[...], preferred_element_type=jnp.float32)
        + bh_ref[...][None, :], 0.0)
    o = (jnp.dot(h2, who_ref[...], preferred_element_type=jnp.float32)
         + bo_ref[...][None, :])
    o_ref[...] = o
    gm_ref[...] = jnp.broadcast_to(jnp.max(o), gm_ref.shape)


def _mlp2a(mx, f2, ewih, ebh, ewho, ebo, wih, bh, who, bo):
    c = mx.shape[2]
    nb = _N // _BR2
    return pl.pallas_call(
        _mlp2a_body,
        grid=(nb,),
        in_specs=[
            pl.BlockSpec(mx.shape, lambda i: (0, 0, 0)),
            pl.BlockSpec((_BR2, _D), lambda i: (i, 0)),
            pl.BlockSpec(ewih.shape, lambda i: (0, 0, 0)),
            pl.BlockSpec(ebh.shape, lambda i: (0, 0)),
            pl.BlockSpec(ewho.shape, lambda i: (0, 0, 0)),
            pl.BlockSpec(ebo.shape, lambda i: (0, 0)),
            pl.BlockSpec(wih.shape, lambda i: (0, 0)),
            pl.BlockSpec(bh.shape, lambda i: (0,)),
            pl.BlockSpec(who.shape, lambda i: (0, 0)),
            pl.BlockSpec(bo.shape, lambda i: (0,)),
        ],
        out_specs=[
            pl.BlockSpec((_BR2, c), lambda i: (i, 0)),
            pl.BlockSpec((1, 8, 128), lambda i: (i, 0, 0)),
        ],
        out_shape=[
            jax.ShapeDtypeStruct((_N, c), jnp.float32),
            jax.ShapeDtypeStruct((nb, 8, 128), jnp.float32),
        ],
        compiler_params=pltpu.CompilerParams(
            dimension_semantics=("parallel",)),
    )(mx, f2, ewih, ebh, ewho, ebo, wih, bh, who, bo)


def _mlp2b_body(o_ref, gm_ref, out_ref):
    g = jnp.max(gm_ref[...])
    e2 = jnp.exp(o_ref[...] - g)
    out_ref[...] = e2 / jnp.sum(e2, axis=1, keepdims=True)


def _mlp2b(o, gm):
    c = o.shape[1]
    return pl.pallas_call(
        _mlp2b_body,
        grid=(_N // _BR2,),
        in_specs=[
            pl.BlockSpec((_BR2, c), lambda i: (i, 0)),
            pl.BlockSpec(gm.shape, lambda i: (0, 0, 0)),
        ],
        out_specs=pl.BlockSpec((_BR2, c), lambda i: (i, 0)),
        out_shape=jax.ShapeDtypeStruct((_N, c), jnp.float32),
        compiler_params=pltpu.CompilerParams(
            dimension_semantics=("parallel",)),
    )(o, gm)


def kernel(adjacency_matrix, node_features, ens_W_ih, ens_b_h, ens_W_ho,
           ens_b_o, clf_W_ih, clf_b_h, clf_W_ho, clf_b_o):
    idx8 = _top2(adjacency_matrix)
    i0 = idx8[:, 0]
    i1 = idx8[:, 1]
    f1 = _sc_combine(node_features, i0, i1)
    f2 = _sc_combine(f1, i0, i1)
    mx = _mlp1(f2, ens_W_ih, ens_b_h, ens_W_ho, ens_b_o)
    o, gm = _mlp2a(mx, f2, ens_W_ih, ens_b_h, ens_W_ho, ens_b_o,
                   clf_W_ih, clf_b_h, clf_W_ho, clf_b_o)
    return _mlp2b(o, gm)

# --- scband reference (transcript-rebuilt; emitter-appended) ---
"""Pipeline reference for scband-gatesage-73289321939107 (READ-ONLY COPY).

The authoritative reference and input builder live on the scoring server;
editing this copy changes nothing except your own understanding.
"""

import jax, jax.numpy as jnp
import numpy as np

NUM_LAYERS = 2
NUM_SAMPLES = 2


def setup_inputs(seed: int = 0) -> dict:
    key = jax.random.key(seed)
    ks = jax.random.split(key, 8)
    N, D, H, C, M = 10000, 128, 64, 64, 4
    adjacency_matrix = jax.random.uniform(ks[0], (N, N), dtype=jnp.float32)
    node_features = jax.random.normal(ks[1], (N, D), dtype=jnp.float32)
    ens_W_ih = jax.random.uniform(ks[2], (M, D, H), dtype=jnp.float32)
    ens_b_h = jnp.zeros((M, H), dtype=jnp.float32)
    ens_W_ho = jax.random.uniform(ks[3], (M, H, C), dtype=jnp.float32)
    ens_b_o = jnp.zeros((M, C), dtype=jnp.float32)
    clf_W_ih = jax.random.uniform(ks[4], (D, H), dtype=jnp.float32)
    clf_b_h = jnp.zeros((H,), dtype=jnp.float32)
    clf_W_ho = jax.random.uniform(ks[5], (H, C), dtype=jnp.float32)
    clf_b_o = jnp.zeros((C,), dtype=jnp.float32)
    return {
        'adjacency_matrix': adjacency_matrix,
        'node_features': node_features,
        'ens_W_ih': ens_W_ih, 'ens_b_h': ens_b_h,
        'ens_W_ho': ens_W_ho, 'ens_b_o': ens_b_o,
        'clf_W_ih': clf_W_ih, 'clf_b_h': clf_b_h,
        'clf_W_ho': clf_W_ho, 'clf_b_o': clf_b_o,
    }


def _softmax_global_max(x):
    # Classifier.softmax: exp(x - global max), row-normalized
    e = jnp.exp(x - jnp.max(x))
    return e / jnp.sum(e, axis=1, keepdims=True)


def _extract_features(adjacency_matrix, node_features):
    # GraphNodeFeaturesExtraction: per layer, sample NUM_SAMPLES neighbors per node,
    # mean-aggregate neighbor features and combine with self features.
    # (Deterministic top-k neighbor selection replaces np.random.choice; the
    # broken concat-into-same-width assignment is realized as a self/agg mean.)
    feats = node_features
    for _ in range(NUM_LAYERS):
        _, idx = jax.lax.top_k(adjacency_matrix, NUM_SAMPLES)  # [N, k] neighbor indices
        neigh = feats[idx]                                      # gather [N, k, D]
        agg = jnp.mean(neigh, axis=1)                           # [N, D]
        feats = 0.5 * (feats + agg)
    return feats


def reference(adjacency_matrix, node_features, ens_W_ih, ens_b_h, ens_W_ho, ens_b_o,
              clf_W_ih, clf_b_h, clf_W_ho, clf_b_o):
    # GATESAGE.predict path extended through fit's weighting + classifier forward
    feats = _extract_features(adjacency_matrix, node_features)          # [N, D]
    # NodeEnsembleTransferLearning.ensemble_predictions
    hid = jnp.maximum(0.0, jnp.einsum('nd,mdh->mnh', feats, ens_W_ih) + ens_b_h[:, None, :])
    logits = jnp.einsum('mnh,mhc->mnc', hid, ens_W_ho) + ens_b_o[:, None, :]
    e = jnp.exp(logits - jnp.max(logits, axis=(1, 2), keepdims=True))   # per-model global max
    probs = e / jnp.sum(e, axis=2, keepdims=True)
    preds = jnp.argmax(probs, axis=2).astype(jnp.float32)               # [M, N]
    agg_pred = jnp.mean(preds, axis=0)                                  # [N]
    # GraphWeightEnsemble.apply_weights
    weighted = feats * agg_pred[:, None]                                # [N, D]
    # Classifier.forward
    h2 = jnp.maximum(0.0, weighted @ clf_W_ih + clf_b_h)
    out = h2 @ clf_W_ho + clf_b_o
    return _softmax_global_max(out)                                     # [N, C]

if __name__ == "__main__":
    import jax
    _d = setup_inputs()
    print(jax.jit(kernel)(*tuple(_d.values())))

</pallas_src>

<mosaic_0001>
#map = affine_map<(d0, d1) -> (0, 0)>
#map1 = affine_map<(d0, d1) -> (0)>
module attributes {stable_mosaic.version = 14 : i64} {
  func.func @_sc_combine_body(%arg0: i32, %arg1: i32, %arg2: memref<10000x128xf32, #tpu.memory_space<hbm>>, %arg3: memref<10000xi32, #tpu.memory_space<hbm>>, %arg4: memref<10000xi32, #tpu.memory_space<hbm>>, %arg5: memref<10000x128xf32, #tpu.memory_space<hbm>>, %arg6: memref<200xi32, #tpu.memory_space<vmem>>, %arg7: memref<200xi32, #tpu.memory_space<vmem>>, %arg8: memref<200x128xf32, #tpu.memory_space<vmem>>, %arg9: memref<200x128xf32, #tpu.memory_space<vmem>>, %arg10: memref<200x128xf32, #tpu.memory_space<vmem>>, %arg11: memref<!tpu.dma_semaphore, #tpu.memory_space<semaphore_mem>>, %arg12: memref<!tpu.dma_semaphore, #tpu.memory_space<semaphore_mem>>, %arg13: memref<!tpu.dma_semaphore, #tpu.memory_space<semaphore_mem>>) attributes {dimension_semantics = [#tpu.dimension_semantics<core_parallel>, #tpu.dimension_semantics<subcore_parallel>], iteration_bounds = array<i64: 2, 16>, scalar_prefetch = 0 : i64, scratch_operands = 8 : i64, tpu.core_type = #tpu.core_type<sc_vector_subcore>, window_params = [{transform_indices = #map}, {transform_indices = #map1}, {transform_indices = #map1}, {transform_indices = #map}]} {
    %mul3A = arith.constant 2 : i32
    %mul3A_0 = arith.muli %arg1, %mul3A : i32
    %add3A = arith.addi %mul3A_0, %arg0 : i32
    %lt3A = arith.constant 25 : i32
    %lt3A_1 = arith.cmpi slt, %add3A, %lt3A : i32
    %convert_element_type3A = arith.extui %lt3A_1 : i1 to i32
    %cond3A = arith.constant 0 : i32
    %cond3A_2 = arith.cmpi ne, %convert_element_type3A, %cond3A : i32
    scf.if %cond3A_2 {
      %mul3A_3 = arith.constant 400 : i32
      %mul3A_4 = arith.muli %add3A, %mul3A_3 : i32
      %add3A_5 = arith.constant 0 : i32
      %add3A_6 = arith.addi %mul3A_4, %add3A_5 : i32
      %dma_start3A = tpu.memref_slice %arg3[%add3A_6] : memref<10000xi32, #tpu.memory_space<hbm>> -> memref<200xi32, #tpu.memory_space<hbm>>
      %dma_start3A_7 = tpu.memref_slice %arg3[%add3A_6] : memref<10000xi32, #tpu.memory_space<hbm>> -> memref<200xi32, #tpu.memory_space<hbm>>
      tpu.enqueue_dma source(%dma_start3A_7 : memref<200xi32, #tpu.memory_space<hbm>>) target(%arg6 : memref<200xi32, #tpu.memory_space<vmem>>) target_semaphore(%arg11 : memref<!tpu.dma_semaphore, #tpu.memory_space<semaphore_mem>>)
      %dma_start3A_8 = tpu.memref_slice %arg4[%add3A_6] : memref<10000xi32, #tpu.memory_space<hbm>> -> memref<200xi32, #tpu.memory_space<hbm>>
      %dma_start3A_9 = tpu.memref_slice %arg4[%add3A_6] : memref<10000xi32, #tpu.memory_space<hbm>> -> memref<200xi32, #tpu.memory_space<hbm>>
      tpu.enqueue_dma source(%dma_start3A_9 : memref<200xi32, #tpu.memory_space<hbm>>) target(%arg7 : memref<200xi32, #tpu.memory_space<vmem>>) target_semaphore(%arg12 : memref<!tpu.dma_semaphore, #tpu.memory_space<semaphore_mem>>)
      %dma_start3A_10 = arith.constant 0 : i32
      %dma_start3A_11 = tpu.memref_slice %arg2[%add3A_6, %dma_start3A_10] : memref<10000x128xf32, #tpu.memory_space<hbm>> -> memref<200x128xf32, #tpu.memory_space<hbm>>
      %dma_start3A_12 = arith.constant 0 : i32
      %dma_start3A_13 = tpu.memref_slice %arg2[%add3A_6, %dma_start3A_12] : memref<10000x128xf32, #tpu.memory_space<hbm>> -> memref<200x128xf32, #tpu.memory_space<hbm>>
      tpu.enqueue_dma source(%dma_start3A_13 : memref<200x128xf32, #tpu.memory_space<hbm>>) target(%arg8 : memref<200x128xf32, #tpu.memory_space<vmem>>) target_semaphore(%arg13 : memref<!tpu.dma_semaphore, #tpu.memory_space<semaphore_mem>>)
      %dma_wait3A = tpu.memref_slice %arg3[%add3A_6] : memref<10000xi32, #tpu.memory_space<hbm>> -> memref<200xi32, #tpu.memory_space<hbm>>
      %dma_wait3A_14 = tpu.memref_slice %arg3[%add3A_6] : memref<10000xi32, #tpu.memory_space<hbm>> -> memref<200xi32, #tpu.memory_space<hbm>>
      tpu.wait_dma2 semaphore(%arg11 : memref<!tpu.dma_semaphore, #tpu.memory_space<semaphore_mem>>) src(%dma_wait3A_14 : memref<200xi32, #tpu.memory_space<hbm>>) dst(%arg6 : memref<200xi32, #tpu.memory_space<vmem>>)
      %dma_wait3A_15 = tpu.memref_slice %arg4[%add3A_6] : memref<10000xi32, #tpu.memory_space<hbm>> -> memref<200xi32, #tpu.memory_space<hbm>>
      %dma_wait3A_16 = tpu.memref_slice %arg4[%add3A_6] : memref<10000xi32, #tpu.memory_space<hbm>> -> memref<200xi32, #tpu.memory_space<hbm>>
      tpu.wait_dma2 semaphore(%arg12 : memref<!tpu.dma_semaphore, #tpu.memory_space<semaphore_mem>>) src(%dma_wait3A_16 : memref<200xi32, #tpu.memory_space<hbm>>) dst(%arg7 : memref<200xi32, #tpu.memory_space<vmem>>)
      %dma_start3A_17 = arith.constant 0 : i32
      %dma_start3A_18 = arith.constant 0 : i32
      %dma_start3A_19 = tpu.memref_slice %arg2[%dma_start3A_17, %dma_start3A_18] : memref<10000x128xf32, #tpu.memory_space<hbm>> -> memref<10000x128xf32, #tpu.memory_space<hbm>>
      tpu.enqueue_indirect_dma source(%dma_start3A_19 : memref<10000x128xf32, #tpu.memory_space<hbm>>) target(%arg9 : memref<200x128xf32, #tpu.memory_space<vmem>>) offsets(%arg6 : memref<200xi32, #tpu.memory_space<vmem>>) semaphore(%arg11 : memref<!tpu.dma_semaphore, #tpu.memory_space<semaphore_mem>>)
      %dma_start3A_20 = arith.constant 0 : i32
      %dma_start3A_21 = arith.constant 0 : i32
      %dma_start3A_22 = tpu.memref_slice %arg2[%dma_start3A_20, %dma_start3A_21] : memref<10000x128xf32, #tpu.memory_space<hbm>> -> memref<10000x128xf32, #tpu.memory_space<hbm>>
      tpu.enqueue_indirect_dma source(%dma_start3A_22 : memref<10000x128xf32, #tpu.memory_space<hbm>>) target(%arg10 : memref<200x128xf32, #tpu.memory_space<vmem>>) offsets(%arg7 : memref<200xi32, #tpu.memory_space<vmem>>) semaphore(%arg12 : memref<!tpu.dma_semaphore, #tpu.memory_space<semaphore_mem>>)
      %dma_wait3A_23 = arith.constant 0 : i32
      %dma_wait3A_24 = tpu.memref_slice %arg2[%add3A_6, %dma_wait3A_23] : memref<10000x128xf32, #tpu.memory_space<hbm>> -> memref<200x128xf32, #tpu.memory_space<hbm>>
      %dma_wait3A_25 = arith.constant 0 : i32
      %dma_wait3A_26 = tpu.memref_slice %arg2[%add3A_6, %dma_wait3A_25] : memref<10000x128xf32, #tpu.memory_space<hbm>> -> memref<200x128xf32, #tpu.memory_space<hbm>>
      tpu.wait_dma2 semaphore(%arg13 : memref<!tpu.dma_semaphore, #tpu.memory_space<semaphore_mem>>) src(%dma_wait3A_26 : memref<200x128xf32, #tpu.memory_space<hbm>>) dst(%arg8 : memref<200x128xf32, #tpu.memory_space<vmem>>)
      %dma_wait3A_27 = arith.constant 0 : i32
      %dma_wait3A_28 = arith.constant 0 : i32
      %dma_wait3A_29 = tpu.memref_slice %arg2[%dma_wait3A_27, %dma_wait3A_28] : memref<10000x128xf32, #tpu.memory_space<hbm>> -> memref<10000x128xf32, #tpu.memory_space<hbm>>
      tpu.wait_indirect_dma semaphore(%arg11 : memref<!tpu.dma_semaphore, #tpu.memory_space<semaphore_mem>>) src(%dma_wait3A_29 : memref<10000x128xf32, #tpu.memory_space<hbm>>) dst(%arg9 : memref<200x128xf32, #tpu.memory_space<vmem>>)
      %dma_wait3A_30 = arith.constant 0 : i32
      %dma_wait3A_31 = arith.constant 0 : i32
      %dma_wait3A_32 = tpu.memref_slice %arg2[%dma_wait3A_30, %dma_wait3A_31] : memref<10000x128xf32, #tpu.memory_space<hbm>> -> memref<10000x128xf32, #tpu.memory_space<hbm>>
      tpu.wait_indirect_dma semaphore(%arg12 : memref<!tpu.dma_semaphore, #tpu.memory_space<semaphore_mem>>) src(%dma_wait3A_32 : memref<10000x128xf32, #tpu.memory_space<hbm>>) dst(%arg10 : memref<200x128xf32, #tpu.memory_space<vmem>>)
      %scan3A = arith.constant 0 : i32
      %scan3A_33 = arith.constant 0 : i32
      %scan3A_34 = arith.constant 200 : i32
      %scan3A_35 = arith.addi %scan3A_33, %scan3A_34 : i32
      %scan3A_36 = arith.constant 1 : i32
      %scan3A_37 = scf.for %scan3A_78 = %scan3A_33 to %scan3A_35 step %scan3A_36 iter_args(%scan3A_79 = %scan3A) -> (i32)  : i32 {
        %get3A = arith.index_cast %scan3A_78 : i32 to index
        %get3A_80 = arith.constant 0 : index
        %get3A_81 = tpu.vector_load %arg9[%get3A, %get3A_80] {strides = array<i32>} : memref<200x128xf32, #tpu.memory_space<vmem>>, vector<1x16xf32>,
        %get3A_82 = vector.shape_cast %get3A_81 : vector<1x16xf32> to vector<16xf32>
        %get3A_83 = arith.index_cast %scan3A_78 : i32 to index
        %get3A_84 = arith.constant 0 : index
        %get3A_85 = tpu.vector_load %arg10[%get3A_83, %get3A_84] {strides = array<i32>} : memref<200x128xf32, #tpu.memory_space<vmem>>, vector<1x16xf32>,
        %get3A_86 = vector.shape_cast %get3A_85 : vector<1x16xf32> to vector<16xf32>
        %add3A_87 = arith.addf %get3A_82, %get3A_86 : vector<16xf32>
        %mul3A_88 = arith.constant 5.000000e-01 : f32
        %mul3A_89 = vector.broadcast %mul3A_88 : f32 to vector<16xf32>
        %mul3A_90 = arith.mulf %add3A_87, %mul3A_89 : vector<16xf32>
        %get3A_91 = arith.index_cast %scan3A_78 : i32 to index
        %get3A_92 = arith.constant 0 : index
        %get3A_93 = tpu.vector_load %arg8[%get3A_91, %get3A_92] {strides = array<i32>} : memref<200x128xf32, #tpu.memory_space<vmem>>, vector<1x16xf32>,
        %get3A_94 = vector.shape_cast %get3A_93 : vector<1x16xf32> to vector<16xf32>
        %add3A_95 = arith.addf %get3A_94, %mul3A_90 : vector<16xf32>
        %mul3A_96 = arith.constant 5.000000e-01 : f32
        %mul3A_97 = vector.broadcast %mul3A_96 : f32 to vector<16xf32>
        %mul3A_98 = arith.mulf %add3A_95, %mul3A_97 : vector<16xf32>
        %swap3A = arith.index_cast %scan3A_78 : i32 to index
        %swap3A_99 = arith.constant 0 : index
        %swap3A_100 = tpu.vector_load %arg8[%swap3A, %swap3A_99] {strides = array<i32>} : memref<200x128xf32, #tpu.memory_space<vmem>>, vector<1x16xf32>,
        %swap3A_101 = vector.shape_cast %swap3A_100 : vector<1x16xf32> to vector<16xf32>
        %swap3A_102 = vector.shape_cast %mul3A_98 : vector<16xf32> to vector<1x16xf32>
        tpu.vector_store %arg8[%swap3A, %swap3A_99], %swap3A_102 {strides = array<i32>} : memref<200x128xf32, #tpu.memory_space<vmem>>, vector<1x16xf32>,
        %get3A_103 = arith.index_cast %scan3A_78 : i32 to index
        %get3A_104 = arith.constant 16 : index
        %get3A_105 = tpu.vector_load %arg9[%get3A_103, %get3A_104] {strides = array<i32>} : memref<200x128xf32, #tpu.memory_space<vmem>>, vector<1x16xf32>,
        %get3A_106 = vector.shape_cast %get3A_105 : vector<1x16xf32> to vector<16xf32>
        %get3A_107 = arith.index_cast %scan3A_78 : i32 to index
        %get3A_108 = arith.constant 16 : index
        %get3A_109 = tpu.vector_load %arg10[%get3A_107, %get3A_108] {strides = array<i32>} : memref<200x128xf32, #tpu.memory_space<vmem>>, vector<1x16xf32>,
        %get3A_110 = vector.shape_cast %get3A_109 : vector<1x16xf32> to vector<16xf32>
        %add3A_111 = arith.addf %get3A_106, %get3A_110 : vector<16xf32>
        %mul3A_112 = arith.constant 5.000000e-01 : f32
        %mul3A_113 = vector.broadcast %mul3A_112 : f32 to vector<16xf32>
        %mul3A_114 = arith.mulf %add3A_111, %mul3A_113 : vector<16xf32>
        %get3A_115 = arith.index_cast %scan3A_78 : i32 to index
        %get3A_116 = arith.constant 16 : index
        %get3A_117 = tpu.vector_load %arg8[%get3A_115, %get3A_116] {strides = array<i32>} : memref<200x128xf32, #tpu.memory_space<vmem>>, vector<1x16xf32>,
        %get3A_118 = vector.shape_cast %get3A_117 : vector<1x16xf32> to vector<16xf32>
        %add3A_119 = arith.addf %get3A_118, %mul3A_114 : vector<16xf32>
        %mul3A_120 = arith.constant 5.000000e-01 : f32
        %mul3A_121 = vector.broadcast %mul3A_120 : f32 to vector<16xf32>
        %mul3A_122 = arith.mulf %add3A_119, %mul3A_121 : vector<16xf32>
        %swap3A_123 = arith.index_cast %scan3A_78 : i32 to index
        %swap3A_124 = arith.constant 16 : index
        %swap3A_125 = tpu.vector_load %arg8[%swap3A_123, %swap3A_124] {strides = array<i32>} : memref<200x128xf32, #tpu.memory_space<vmem>>, vector<1x16xf32>,
        %swap3A_126 = vector.shape_cast %swap3A_125 : vector<1x16xf32> to vector<16xf32>
        %swap3A_127 = vector.shape_cast %mul3A_122 : vector<16xf32> to vector<1x16xf32>
        tpu.vector_store %arg8[%swap3A_123, %swap3A_124], %swap3A_127 {strides = array<i32>} : memref<200x128xf32, #tpu.memory_space<vmem>>, vector<1x16xf32>,
        %get3A_128 = arith.index_cast %scan3A_78 : i32 to index
        %get3A_129 = arith.constant 32 : index
        %get3A_130 = tpu.vector_load %arg9[%get3A_128, %get3A_129] {strides = array<i32>} : memref<200x128xf32, #tpu.memory_space<vmem>>, vector<1x16xf32>,
        %get3A_131 = vector.shape_cast %get3A_130 : vector<1x16xf32> to vector<16xf32>
        %get3A_132 = arith.index_cast %scan3A_78 : i32 to index
        %get3A_133 = arith.constant 32 : index
        %get3A_134 = tpu.vector_load %arg10[%get3A_132, %get3A_133] {strides = array<i32>} : memref<200x128xf32, #tpu.memory_space<vmem>>, vector<1x16xf32>,
        %get3A_135 = vector.shape_cast %get3A_134 : vector<1x16xf32> to vector<16xf32>
        %add3A_136 = arith.addf %get3A_131, %get3A_135 : vector<16xf32>
        %mul3A_137 = arith.constant 5.000000e-01 : f32
        %mul3A_138 = vector.broadcast %mul3A_137 : f32 to vector<16xf32>
        %mul3A_139 = arith.mulf %add3A_136, %mul3A_138 : vector<16xf32>
        %get3A_140 = arith.index_cast %scan3A_78 : i32 to index
        %get3A_141 = arith.constant 32 : index
        %get3A_142 = tpu.vector_load %arg8[%get3A_140, %get3A_141] {strides = array<i32>} : memref<200x128xf32, #tpu.memory_space<vmem>>, vector<1x16xf32>,
        %get3A_143 = vector.shape_cast %get3A_142 : vector<1x16xf32> to vector<16xf32>
        %add3A_144 = arith.addf %get3A_143, %mul3A_139 : vector<16xf32>
        %mul3A_145 = arith.constant 5.000000e-01 : f32
        %mul3A_146 = vector.broadcast %mul3A_145 : f32 to vector<16xf32>
        %mul3A_147 = arith.mulf %add3A_144, %mul3A_146 : vector<16xf32>
        %swap3A_148 = arith.index_cast %scan3A_78 : i32 to index
        %swap3A_149 = arith.constant 32 : index
        %swap3A_150 = tpu.vector_load %arg8[%swap3A_148, %swap3A_149] {strides = array<i32>} : memref<200x128xf32, #tpu.memory_space<vmem>>, vector<1x16xf32>,
        %swap3A_151 = vector.shape_cast %swap3A_150 : vector<1x16xf32> to vector<16xf32>
        %swap3A_152 = vector.shape_cast %mul3A_147 : vector<16xf32> to vector<1x16xf32>
        tpu.vector_store %arg8[%swap3A_148, %swap3A_149], %swap3A_152 {strides = array<i32>} : memref<200x128xf32, #tpu.memory_space<vmem>>, vector<1x16xf32>,
        %get3A_153 = arith.index_cast %scan3A_78 : i32 to index
        %get3A_154 = arith.constant 48 : index
        %get3A_155 = tpu.vector_load %arg9[%get3A_153, %get3A_154] {strides = array<i32>} : memref<200x128xf32, #tpu.memory_space<vmem>>, vector<1x16xf32>,
        %get3A_156 = vector.shape_cast %get3A_155 : vector<1x16xf32> to vector<16xf32>
        %get3A_157 = arith.index_cast %scan3A_78 : i32 to index
        %get3A_158 = arith.constant 48 : index
        %get3A_159 = tpu.vector_load %arg10[%get3A_157, %get3A_158] {strides = array<i32>} : memref<200x128xf32, #tpu.memory_space<vmem>>, vector<1x16xf32>,
        %get3A_160 = vector.shape_cast %get3A_159 : vector<1x16xf32> to vector<16xf32>
        %add3A_161 = arith.addf %get3A_156, %get3A_160 : vector<16xf32>
        %mul3A_162 = arith.constant 5.000000e-01 : f32
        %mul3A_163 = vector.broadcast %mul3A_162 : f32 to vector<16xf32>
        %mul3A_164 = arith.mulf %add3A_161, %mul3A_163 : vector<16xf32>
        %get3A_165 = arith.index_cast %scan3A_78 : i32 to index
        %get3A_166 = arith.constant 48 : index
        %get3A_167 = tpu.vector_load %arg8[%get3A_165, %get3A_166] {strides = array<i32>} : memref<200x128xf32, #tpu.memory_space<vmem>>, vector<1x16xf32>,
        %get3A_168 = vector.shape_cast %get3A_167 : vector<1x16xf32> to vector<16xf32>
        %add3A_169 = arith.addf %get3A_168, %mul3A_164 : vector<16xf32>
        %mul3A_170 = arith.constant 5.000000e-01 : f32
        %mul3A_171 = vector.broadcast %mul3A_170 : f32 to vector<16xf32>
        %mul3A_172 = arith.mulf %add3A_169, %mul3A_171 : vector<16xf32>
        %swap3A_173 = arith.index_cast %scan3A_78 : i32 to index
        %swap3A_174 = arith.constant 48 : index
        %swap3A_175 = tpu.vector_load %arg8[%swap3A_173, %swap3A_174] {strides = array<i32>} : memref<200x128xf32, #tpu.memory_space<vmem>>, vector<1x16xf32>,
        %swap3A_176 = vector.shape_cast %swap3A_175 : vector<1x16xf32> to vector<16xf32>
        %swap3A_177 = vector.shape_cast %mul3A_172 : vector<16xf32> to vector<1x16xf32>
        tpu.vector_store %arg8[%swap3A_173, %swap3A_174], %swap3A_177 {strides = array<i32>} : memref<200x128xf32, #tpu.memory_space<vmem>>, vector<1x16xf32>,
        %get3A_178 = arith.index_cast %scan3A_78 : i32 to index
        %get3A_179 = arith.constant 64 : index
        %get3A_180 = tpu.vector_load %arg9[%get3A_178, %get3A_179] {strides = array<i32>} : memref<200x128xf32, #tpu.memory_space<vmem>>, vector<1x16xf32>,
        %get3A_181 = vector.shape_cast %get3A_180 : vector<1x16xf32> to vector<16xf32>
        %get3A_182 = arith.index_cast %scan3A_78 : i32 to index
        %get3A_183 = arith.constant 64 : index
        %get3A_184 = tpu.vector_load %arg10[%get3A_182, %get3A_183] {strides = array<i32>} : memref<200x128xf32, #tpu.memory_space<vmem>>, vector<1x16xf32>,
        %get3A_185 = vector.shape_cast %get3A_184 : vector<1x16xf32> to vector<16xf32>
        %add3A_186 = arith.addf %get3A_181, %get3A_185 : vector<16xf32>
        %mul3A_187 = arith.constant 5.000000e-01 : f32
        %mul3A_188 = vector.broadcast %mul3A_187 : f32 to vector<16xf32>
        %mul3A_189 = arith.mulf %add3A_186, %mul3A_188 : vector<16xf32>
        %get3A_190 = arith.index_cast %scan3A_78 : i32 to index
        %get3A_191 = arith.constant 64 : index
        %get3A_192 = tpu.vector_load %arg8[%get3A_190, %get3A_191] {strides = array<i32>} : memref<200x128xf32, #tpu.memory_space<vmem>>, vector<1x16xf32>,
        %get3A_193 = vector.shape_cast %get3A_192 : vector<1x16xf32> to vector<16xf32>
        %add3A_194 = arith.addf %get3A_193, %mul3A_189 : vector<16xf32>
        %mul3A_195 = arith.constant 5.000000e-01 : f32
        %mul3A_196 = vector.broadcast %mul3A_195 : f32 to vector<16xf32>
        %mul3A_197 = arith.mulf %add3A_194, %mul3A_196 : vector<16xf32>
        %swap3A_198 = arith.index_cast %scan3A_78 : i32 to index
        %swap3A_199 = arith.constant 64 : index
        %swap3A_200 = tpu.vector_load %arg8[%swap3A_198, %swap3A_199] {strides = array<i32>} : memref<200x128xf32, #tpu.memory_space<vmem>>, vector<1x16xf32>,
        %swap3A_201 = vector.shape_cast %swap3A_200 : vector<1x16xf32> to vector<16xf32>
        %swap3A_202 = vector.shape_cast %mul3A_197 : vector<16xf32> to vector<1x16xf32>
        tpu.vector_store %arg8[%swap3A_198, %swap3A_199], %swap3A_202 {strides = array<i32>} : memref<200x128xf32, #tpu.memory_space<vmem>>, vector<1x16xf32>,
        %get3A_203 = arith.index_cast %scan3A_78 : i32 to index
        %get3A_204 = arith.constant 80 : index
        %get3A_205 = tpu.vector_load %arg9[%get3A_203, %get3A_204] {strides = array<i32>} : memref<200x128xf32, #tpu.memory_space<vmem>>, vector<1x16xf32>,
        %get3A_206 = vector.shape_cast %get3A_205 : vector<1x16xf32> to vector<16xf32>
        %get3A_207 = arith.index_cast %scan3A_78 : i32 to index
        %get3A_208 = arith.constant 80 : index
        %get3A_209 = tpu.vector_load %arg10[%get3A_207, %get3A_208] {strides = array<i32>} : memref<200x128xf32, #tpu.memory_space<vmem>>, vector<1x16xf32>,
        %get3A_210 = vector.shape_cast %get3A_209 : vector<1x16xf32> to vector<16xf32>
        %add3A_211 = arith.addf %get3A_206, %get3A_210 : vector<16xf32>
        %mul3A_212 = arith.constant 5.000000e-01 : f32
        %mul3A_213 = vector.broadcast %mul3A_212 : f32 to vector<16xf32>
        %mul3A_214 = arith.mulf %add3A_211, %mul3A_213 : vector<16xf32>
        %get3A_215 = arith.index_cast %scan3A_78 : i32 to index
        %get3A_216 = arith.constant 80 : index
        %get3A_217 = tpu.vector_load %arg8[%get3A_215, %get3A_216] {strides = array<i32>} : memref<200x128xf32, #tpu.memory_space<vmem>>, vector<1x16xf32>,
        %get3A_218 = vector.shape_cast %get3A_217 : vector<1x16xf32> to vector<16xf32>
        %add3A_219 = arith.addf %get3A_218, %mul3A_214 : vector<16xf32>
        %mul3A_220 = arith.constant 5.000000e-01 : f32
        %mul3A_221 = vector.broadcast %mul3A_220 : f32 to vector<16xf32>
        %mul3A_222 = arith.mulf %add3A_219, %mul3A_221 : vector<16xf32>
        %swap3A_223 = arith.index_cast %scan3A_78 : i32 to index
        %swap3A_224 = arith.constant 80 : index
        %swap3A_225 = tpu.vector_load %arg8[%swap3A_223, %swap3A_224] {strides = array<i32>} : memref<200x128xf32, #tpu.memory_space<vmem>>, vector<1x16xf32>,
        %swap3A_226 = vector.shape_cast %swap3A_225 : vector<1x16xf32> to vector<16xf32>
        %swap3A_227 = vector.shape_cast %mul3A_222 : vector<16xf32> to vector<1x16xf32>
        tpu.vector_store %arg8[%swap3A_223, %swap3A_224], %swap3A_227 {strides = array<i32>} : memref<200x128xf32, #tpu.memory_space<vmem>>, vector<1x16xf32>,
        %get3A_228 = arith.index_cast %scan3A_78 : i32 to index
        %get3A_229 = arith.constant 96 : index
        %get3A_230 = tpu.vector_load %arg9[%get3A_228, %get3A_229] {strides = array<i32>} : memref<200x128xf32, #tpu.memory_space<vmem>>, vector<1x16xf32>,
        %get3A_231 = vector.shape_cast %get3A_230 : vector<1x16xf32> to vector<16xf32>
        %get3A_232 = arith.index_cast %scan3A_78 : i32 to index
        %get3A_233 = arith.constant 96 : index
        %get3A_234 = tpu.vector_load %arg10[%get3A_232, %get3A_233] {strides = array<i32>} : memref<200x128xf32, #tpu.memory_space<vmem>>, vector<1x16xf32>,
        %get3A_235 = vector.shape_cast %get3A_234 : vector<1x16xf32> to vector<16xf32>
        %add3A_236 = arith.addf %get3A_231, %get3A_235 : vector<16xf32>
        %mul3A_237 = arith.constant 5.000000e-01 : f32
        %mul3A_238 = vector.broadcast %mul3A_237 : f32 to vector<16xf32>
        %mul3A_239 = arith.mulf %add3A_236, %mul3A_238 : vector<16xf32>
        %get3A_240 = arith.index_cast %scan3A_78 : i32 to index
        %get3A_241 = arith.constant 96 : index
        %get3A_242 = tpu.vector_load %arg8[%get3A_240, %get3A_241] {strides = array<i32>} : memref<200x128xf32, #tpu.memory_space<vmem>>, vector<1x16xf32>,
        %get3A_243 = vector.shape_cast %get3A_242 : vector<1x16xf32> to vector<16xf32>
        %add3A_244 = arith.addf %get3A_243, %mul3A_239 : vector<16xf32>
        %mul3A_245 = arith.constant 5.000000e-01 : f32
        %mul3A_246 = vector.broadcast %mul3A_245 : f32 to vector<16xf32>
        %mul3A_247 = arith.mulf %add3A_244, %mul3A_246 : vector<16xf32>
        %swap3A_248 = arith.index_cast %scan3A_78 : i32 to index
        %swap3A_249 = arith.constant 96 : index
        %swap3A_250 = tpu.vector_load %arg8[%swap3A_248, %swap3A_249] {strides = array<i32>} : memref<200x128xf32, #tpu.memory_space<vmem>>, vector<1x16xf32>,
        %swap3A_251 = vector.shape_cast %swap3A_250 : vector<1x16xf32> to vector<16xf32>
        %swap3A_252 = vector.shape_cast %mul3A_247 : vector<16xf32> to vector<1x16xf32>
        tpu.vector_store %arg8[%swap3A_248, %swap3A_249], %swap3A_252 {strides = array<i32>} : memref<200x128xf32, #tpu.memory_space<vmem>>, vector<1x16xf32>,
        %get3A_253 = arith.index_cast %scan3A_78 : i32 to index
        %get3A_254 = arith.constant 112 : index
        %get3A_255 = tpu.vector_load %arg9[%get3A_253, %get3A_254] {strides = array<i32>} : memref<200x128xf32, #tpu.memory_space<vmem>>, vector<1x16xf32>,
        %get3A_256 = vector.shape_cast %get3A_255 : vector<1x16xf32> to vector<16xf32>
        %get3A_257 = arith.index_cast %scan3A_78 : i32 to index
        %get3A_258 = arith.constant 112 : index
        %get3A_259 = tpu.vector_load %arg10[%get3A_257, %get3A_258] {strides = array<i32>} : memref<200x128xf32, #tpu.memory_space<vmem>>, vector<1x16xf32>,
        %get3A_260 = vector.shape_cast %get3A_259 : vector<1x16xf32> to vector<16xf32>
        %add3A_261 = arith.addf %get3A_256, %get3A_260 : vector<16xf32>
        %mul3A_262 = arith.constant 5.000000e-01 : f32
        %mul3A_263 = vector.broadcast %mul3A_262 : f32 to vector<16xf32>
        %mul3A_264 = arith.mulf %add3A_261, %mul3A_263 : vector<16xf32>
        %get3A_265 = arith.index_cast %scan3A_78 : i32 to index
        %get3A_266 = arith.constant 112 : index
        %get3A_267 = tpu.vector_load %arg8[%get3A_265, %get3A_266] {strides = array<i32>} : memref<200x128xf32, #tpu.memory_space<vmem>>, vector<1x16xf32>,
        %get3A_268 = vector.shape_cast %get3A_267 : vector<1x16xf32> to vector<16xf32>
        %add3A_269 = arith.addf %get3A_268, %mul3A_264 : vector<16xf32>
        %mul3A_270 = arith.constant 5.000000e-01 : f32
        %mul3A_271 = vector.broadcast %mul3A_270 : f32 to vector<16xf32>
        %mul3A_272 = arith.mulf %add3A_269, %mul3A_271 : vector<16xf32>
        %swap3A_273 = arith.index_cast %scan3A_78 : i32 to index
        %swap3A_274 = arith.constant 112 : index
        %swap3A_275 = tpu.vector_load %arg8[%swap3A_273, %swap3A_274] {strides = array<i32>} : memref<200x128xf32, #tpu.memory_space<vmem>>, vector<1x16xf32>,
        %swap3A_276 = vector.shape_cast %swap3A_275 : vector<1x16xf32> to vector<16xf32>
        %swap3A_277 = vector.shape_cast %mul3A_272 : vector<16xf32> to vector<1x16xf32>
        tpu.vector_store %arg8[%swap3A_273, %swap3A_274], %swap3A_277 {strides = array<i32>} : memref<200x128xf32, #tpu.memory_space<vmem>>, vector<1x16xf32>,
        %scan3A_278 = arith.constant 0 : i32
        scf.yield %scan3A_278 : i32
      }
      %scan3A_38 = arith.constant 200 : i32
      "tpu.region"() ({
        %run_scoped3A = tpu.sem_alloc : memref<!tpu.dma_semaphore, #tpu.memory_space<semaphore_mem>>
        %dma_start3A_78 = arith.constant 0 : i32
        %dma_start3A_79 = tpu.memref_slice %arg5[%add3A_6, %dma_start3A_78] : memref<10000x128xf32, #tpu.memory_space<hbm>> -> memref<200x128xf32, #tpu.memory_space<hbm>>
        %dma_start3A_80 = arith.constant 0 : i32
        %dma_start3A_81 = tpu.memref_slice %arg5[%add3A_6, %dma_start3A_80] : memref<10000x128xf32, #tpu.memory_space<hbm>> -> memref<200x128xf32, #tpu.memory_space<hbm>>
        tpu.enqueue_dma source(%arg8 : memref<200x128xf32, #tpu.memory_space<vmem>>) target(%dma_start3A_81 : memref<200x128xf32, #tpu.memory_space<hbm>>) target_semaphore(%run_scoped3A : memref<!tpu.dma_semaphore, #tpu.memory_space<semaphore_mem>>)
        %dma_wait3A_82 = arith.constant 0 : i32
        %dma_wait3A_83 = tpu.memref_slice %arg5[%add3A_6, %dma_wait3A_82] : memref<10000x128xf32, #tpu.memory_space<hbm>> -> memref<200x128xf32, #tpu.memory_space<hbm>>
        %dma_wait3A_84 = arith.constant 0 : i32
        %dma_wait3A_85 = tpu.memref_slice %arg5[%add3A_6, %dma_wait3A_84] : memref<10000x128xf32, #tpu.memory_space<hbm>> -> memref<200x128xf32, #tpu.memory_space<hbm>>
        tpu.wait_dma2 semaphore(%run_scoped3A : memref<!tpu.dma_semaphore, #tpu.memory_space<semaphore_mem>>) src(%arg8 : memref<200x128xf32, #tpu.memory_space<vmem>>) dst(%dma_wait3A_85 : memref<200x128xf32, #tpu.memory_space<hbm>>)
        tpu.yield
      }) : () -> ()
      %mul3A_39 = arith.constant 400 : i32
      %mul3A_40 = arith.muli %add3A, %mul3A_39 : i32
      %add3A_41 = arith.constant 200 : i32
      %add3A_42 = arith.addi %mul3A_40, %add3A_41 : i32
      %dma_start3A_43 = tpu.memref_slice %arg3[%add3A_42] : memref<10000xi32, #tpu.memory_space<hbm>> -> memref<200xi32, #tpu.memory_space<hbm>>
      %dma_start3A_44 = tpu.memref_slice %arg3[%add3A_42] : memref<10000xi32, #tpu.memory_space<hbm>> -> memref<200xi32, #tpu.memory_space<hbm>>
      tpu.enqueue_dma source(%dma_start3A_44 : memref<200xi32, #tpu.memory_space<hbm>>) target(%arg6 : memref<200xi32, #tpu.memory_space<vmem>>) target_semaphore(%arg11 : memref<!tpu.dma_semaphore, #tpu.memory_space<semaphore_mem>>)
      %dma_start3A_45 = tpu.memref_slice %arg4[%add3A_42] : memref<10000xi32, #tpu.memory_space<hbm>> -> memref<200xi32, #tpu.memory_space<hbm>>
      %dma_start3A_46 = tpu.memref_slice %arg4[%add3A_42] : memref<10000xi32, #tpu.memory_space<hbm>> -> memref<200xi32, #tpu.memory_space<hbm>>
      tpu.enqueue_dma source(%dma_start3A_46 : memref<200xi32, #tpu.memory_space<hbm>>) target(%arg7 : memref<200xi32, #tpu.memory_space<vmem>>) target_semaphore(%arg12 : memref<!tpu.dma_semaphore, #tpu.memory_space<semaphore_mem>>)
      %dma_start3A_47 = arith.constant 0 : i32
      %dma_start3A_48 = tpu.memref_slice %arg2[%add3A_42, %dma_start3A_47] : memref<10000x128xf32, #tpu.memory_space<hbm>> -> memref<200x128xf32, #tpu.memory_space<hbm>>
      %dma_start3A_49 = arith.constant 0 : i32
      %dma_start3A_50 = tpu.memref_slice %arg2[%add3A_42, %dma_start3A_49] : memref<10000x128xf32, #tpu.memory_space<hbm>> -> memref<200x128xf32, #tpu.memory_space<hbm>>
      tpu.enqueue_dma source(%dma_start3A_50 : memref<200x128xf32, #tpu.memory_space<hbm>>) target(%arg8 : memref<200x128xf32, #tpu.memory_space<vmem>>) target_semaphore(%arg13 : memref<!tpu.dma_semaphore, #tpu.memory_space<semaphore_mem>>)
      %dma_wait3A_51 = tpu.memref_slice %arg3[%add3A_42] : memref<10000xi32, #tpu.memory_space<hbm>> -> memref<200xi32, #tpu.memory_space<hbm>>
      %dma_wait3A_52 = tpu.memref_slice %arg3[%add3A_42] : memref<10000xi32, #tpu.memory_space<hbm>> -> memref<200xi32, #tpu.memory_space<hbm>>
      tpu.wait_dma2 semaphore(%arg11 : memref<!tpu.dma_semaphore, #tpu.memory_space<semaphore_mem>>) src(%dma_wait3A_52 : memref<200xi32, #tpu.memory_space<hbm>>) dst(%arg6 : memref<200xi32, #tpu.memory_space<vmem>>)
      %dma_wait3A_53 = tpu.memref_slice %arg4[%add3A_42] : memref<10000xi32, #tpu.memory_space<hbm>> -> memref<200xi32, #tpu.memory_space<hbm>>
      %dma_wait3A_54 = tpu.memref_slice %arg4[%add3A_42] : memref<10000xi32, #tpu.memory_space<hbm>> -> memref<200xi32, #tpu.memory_space<hbm>>
      tpu.wait_dma2 semaphore(%arg12 : memref<!tpu.dma_semaphore, #tpu.memory_space<semaphore_mem>>) src(%dma_wait3A_54 : memref<200xi32, #tpu.memory_space<hbm>>) dst(%arg7 : memref<200xi32, #tpu.memory_space<vmem>>)
      %dma_start3A_55 = arith.constant 0 : i32
      %dma_start3A_56 = arith.constant 0 : i32
      %dma_start3A_57 = tpu.memref_slice %arg2[%dma_start3A_55, %dma_start3A_56] : memref<10000x128xf32, #tpu.memory_space<hbm>> -> memref<10000x128xf32, #tpu.memory_space<hbm>>
      tpu.enqueue_indirect_dma source(%dma_start3A_57 : memref<10000x128xf32, #tpu.memory_space<hbm>>) target(%arg9 : memref<200x128xf32, #tpu.memory_space<vmem>>) offsets(%arg6 : memref<200xi32, #tpu.memory_space<vmem>>) semaphore(%arg11 : memref<!tpu.dma_semaphore, #tpu.memory_space<semaphore_mem>>)
      %dma_start3A_58 = arith.constant 0 : i32
      %dma_start3A_59 = arith.constant 0 : i32
      %dma_start3A_60 = tpu.memref_slice %arg2[%dma_start3A_58, %dma_start3A_59] : memref<10000x128xf32, #tpu.memory_space<hbm>> -> memref<10000x128xf32, #tpu.memory_space<hbm>>
      tpu.enqueue_indirect_dma source(%dma_start3A_60 : memref<10000x128xf32, #tpu.memory_space<hbm>>) target(%arg10 : memref<200x128xf32, #tpu.memory_space<vmem>>) offsets(%arg7 : memref<200xi32, #tpu.memory_space<vmem>>) semaphore(%arg12 : memref<!tpu.dma_semaphore, #tpu.memory_space<semaphore_mem>>)
      %dma_wait3A_61 = arith.constant 0 : i32
      %dma_wait3A_62 = tpu.memref_slice %arg2[%add3A_42, %dma_wait3A_61] : memref<10000x128xf32, #tpu.memory_space<hbm>> -> memref<200x128xf32, #tpu.memory_space<hbm>>
      %dma_wait3A_63 = arith.constant 0 : i32
      %dma_wait3A_64 = tpu.memref_slice %arg2[%add3A_42, %dma_wait3A_63] : memref<10000x128xf32, #tpu.memory_space<hbm>> -> memref<200x128xf32, #tpu.memory_space<hbm>>
      tpu.wait_dma2 semaphore(%arg13 : memref<!tpu.dma_semaphore, #tpu.memory_space<semaphore_mem>>) src(%dma_wait3A_64 : memref<200x128xf32, #tpu.memory_space<hbm>>) dst(%arg8 : memref<200x128xf32, #tpu.memory_space<vmem>>)
      %dma_wait3A_65 = arith.constant 0 : i32
      %dma_wait3A_66 = arith.constant 0 : i32
      %dma_wait3A_67 = tpu.memref_slice %arg2[%dma_wait3A_65, %dma_wait3A_66] : memref<10000x128xf32, #tpu.memory_space<hbm>> -> memref<10000x128xf32, #tpu.memory_space<hbm>>
      tpu.wait_indirect_dma semaphore(%arg11 : memref<!tpu.dma_semaphore, #tpu.memory_space<semaphore_mem>>) src(%dma_wait3A_67 : memref<10000x128xf32, #tpu.memory_space<hbm>>) dst(%arg9 : memref<200x128xf32, #tpu.memory_space<vmem>>)
      %dma_wait3A_68 = arith.constant 0 : i32
      %dma_wait3A_69 = arith.constant 0 : i32
      %dma_wait3A_70 = tpu.memref_slice %arg2[%dma_wait3A_68, %dma_wait3A_69] : memref<10000x128xf32, #tpu.memory_space<hbm>> -> memref<10000x128xf32, #tpu.memory_space<hbm>>
      tpu.wait_indirect_dma semaphore(%arg12 : memref<!tpu.dma_semaphore, #tpu.memory_space<semaphore_mem>>) src(%dma_wait3A_70 : memref<10000x128xf32, #tpu.memory_space<hbm>>) dst(%arg10 : memref<200x128xf32, #tpu.memory_space<vmem>>)
      %scan3A_71 = arith.constant 0 : i32
      %scan3A_72 = arith.constant 0 : i32
      %scan3A_73 = arith.constant 200 : i32
      %scan3A_74 = arith.addi %scan3A_72, %scan3A_73 : i32
      %scan3A_75 = arith.constant 1 : i32
      %scan3A_76 = scf.for %scan3A_78 = %scan3A_72 to %scan3A_74 step %scan3A_75 iter_args(%scan3A_79 = %scan3A_71) -> (i32)  : i32 {
        %get3A = arith.index_cast %scan3A_78 : i32 to index
        %get3A_80 = arith.constant 0 : index
        %get3A_81 = tpu.vector_load %arg9[%get3A, %get3A_80] {strides = array<i32>} : memref<200x128xf32, #tpu.memory_space<vmem>>, vector<1x16xf32>,
        %get3A_82 = vector.shape_cast %get3A_81 : vector<1x16xf32> to vector<16xf32>
        %get3A_83 = arith.index_cast %scan3A_78 : i32 to index
        %get3A_84 = arith.constant 0 : index
        %get3A_85 = tpu.vector_load %arg10[%get3A_83, %get3A_84] {strides = array<i32>} : memref<200x128xf32, #tpu.memory_space<vmem>>, vector<1x16xf32>,
        %get3A_86 = vector.shape_cast %get3A_85 : vector<1x16xf32> to vector<16xf32>
        %add3A_87 = arith.addf %get3A_82, %get3A_86 : vector<16xf32>
        %mul3A_88 = arith.constant 5.000000e-01 : f32
        %mul3A_89 = vector.broadcast %mul3A_88 : f32 to vector<16xf32>
        %mul3A_90 = arith.mulf %add3A_87, %mul3A_89 : vector<16xf32>
        %get3A_91 = arith.index_cast %scan3A_78 : i32 to index
        %get3A_92 = arith.constant 0 : index
        %get3A_93 = tpu.vector_load %arg8[%get3A_91, %get3A_92] {strides = array<i32>} : memref<200x128xf32, #tpu.memory_space<vmem>>, vector<1x16xf32>,
        %get3A_94 = vector.shape_cast %get3A_93 : vector<1x16xf32> to vector<16xf32>
        %add3A_95 = arith.addf %get3A_94, %mul3A_90 : vector<16xf32>
        %mul3A_96 = arith.constant 5.000000e-01 : f32
        %mul3A_97 = vector.broadcast %mul3A_96 : f32 to vector<16xf32>
        %mul3A_98 = arith.mulf %add3A_95, %mul3A_97 : vector<16xf32>
        %swap3A = arith.index_cast %scan3A_78 : i32 to index
        %swap3A_99 = arith.constant 0 : index
        %swap3A_100 = tpu.vector_load %arg8[%swap3A, %swap3A_99] {strides = array<i32>} : memref<200x128xf32, #tpu.memory_space<vmem>>, vector<1x16xf32>,
        %swap3A_101 = vector.shape_cast %swap3A_100 : vector<1x16xf32> to vector<16xf32>
        %swap3A_102 = vector.shape_cast %mul3A_98 : vector<16xf32> to vector<1x16xf32>
        tpu.vector_store %arg8[%swap3A, %swap3A_99], %swap3A_102 {strides = array<i32>} : memref<200x128xf32, #tpu.memory_space<vmem>>, vector<1x16xf32>,
        %get3A_103 = arith.index_cast %scan3A_78 : i32 to index
        %get3A_104 = arith.constant 16 : index
        %get3A_105 = tpu.vector_load %arg9[%get3A_103, %get3A_104] {strides = array<i32>} : memref<200x128xf32, #tpu.memory_space<vmem>>, vector<1x16xf32>,
        %get3A_106 = vector.shape_cast %get3A_105 : vector<1x16xf32> to vector<16xf32>
        %get3A_107 = arith.index_cast %scan3A_78 : i32 to index
        %get3A_108 = arith.constant 16 : index
        %get3A_109 = tpu.vector_load %arg10[%get3A_107, %get3A_108] {strides = array<i32>} : memref<200x128xf32, #tpu.memory_space<vmem>>, vector<1x16xf32>,
        %get3A_110 = vector.shape_cast %get3A_109 : vector<1x16xf32> to vector<16xf32>
        %add3A_111 = arith.addf %get3A_106, %get3A_110 : vector<16xf32>
        %mul3A_112 = arith.constant 5.000000e-01 : f32
        %mul3A_113 = vector.broadcast %mul3A_112 : f32 to vector<16xf32>
        %mul3A_114 = arith.mulf %add3A_111, %mul3A_113 : vector<16xf32>
        %get3A_115 = arith.index_cast %scan3A_78 : i32 to index
        %get3A_116 = arith.constant 16 : index
        %get3A_117 = tpu.vector_load %arg8[%get3A_115, %get3A_116] {strides = array<i32>} : memref<200x128xf32, #tpu.memory_space<vmem>>, vector<1x16xf32>,
        %get3A_118 = vector.shape_cast %get3A_117 : vector<1x16xf32> to vector<16xf32>
        %add3A_119 = arith.addf %get3A_118, %mul3A_114 : vector<16xf32>
        %mul3A_120 = arith.constant 5.000000e-01 : f32
        %mul3A_121 = vector.broadcast %mul3A_120 : f32 to vector<16xf32>
        %mul3A_122 = arith.mulf %add3A_119, %mul3A_121 : vector<16xf32>
        %swap3A_123 = arith.index_cast %scan3A_78 : i32 to index
        %swap3A_124 = arith.constant 16 : index
        %swap3A_125 = tpu.vector_load %arg8[%swap3A_123, %swap3A_124] {strides = array<i32>} : memref<200x128xf32, #tpu.memory_space<vmem>>, vector<1x16xf32>,
        %swap3A_126 = vector.shape_cast %swap3A_125 : vector<1x16xf32> to vector<16xf32>
        %swap3A_127 = vector.shape_cast %mul3A_122 : vector<16xf32> to vector<1x16xf32>
        tpu.vector_store %arg8[%swap3A_123, %swap3A_124], %swap3A_127 {strides = array<i32>} : memref<200x128xf32, #tpu.memory_space<vmem>>, vector<1x16xf32>,
        %get3A_128 = arith.index_cast %scan3A_78 : i32 to index
        %get3A_129 = arith.constant 32 : index
        %get3A_130 = tpu.vector_load %arg9[%get3A_128, %get3A_129] {strides = array<i32>} : memref<200x128xf32, #tpu.memory_space<vmem>>, vector<1x16xf32>,
        %get3A_131 = vector.shape_cast %get3A_130 : vector<1x16xf32> to vector<16xf32>
        %get3A_132 = arith.index_cast %scan3A_78 : i32 to index
        %get3A_133 = arith.constant 32 : index
        %get3A_134 = tpu.vector_load %arg10[%get3A_132, %get3A_133] {strides = array<i32>} : memref<200x128xf32, #tpu.memory_space<vmem>>, vector<1x16xf32>,
        %get3A_135 = vector.shape_cast %get3A_134 : vector<1x16xf32> to vector<16xf32>
        %add3A_136 = arith.addf %get3A_131, %get3A_135 : vector<16xf32>
        %mul3A_137 = arith.constant 5.000000e-01 : f32
        %mul3A_138 = vector.broadcast %mul3A_137 : f32 to vector<16xf32>
        %mul3A_139 = arith.mulf %add3A_136, %mul3A_138 : vector<16xf32>
        %get3A_140 = arith.index_cast %scan3A_78 : i32 to index
        %get3A_141 = arith.constant 32 : index
        %get3A_142 = tpu.vector_load %arg8[%get3A_140, %get3A_141] {strides = array<i32>} : memref<200x128xf32, #tpu.memory_space<vmem>>, vector<1x16xf32>,
        %get3A_143 = vector.shape_cast %get3A_142 : vector<1x16xf32> to vector<16xf32>
        %add3A_144 = arith.addf %get3A_143, %mul3A_139 : vector<16xf32>
        %mul3A_145 = arith.constant 5.000000e-01 : f32
        %mul3A_146 = vector.broadcast %mul3A_145 : f32 to vector<16xf32>
        %mul3A_147 = arith.mulf %add3A_144, %mul3A_146 : vector<16xf32>
        %swap3A_148 = arith.index_cast %scan3A_78 : i32 to index
        %swap3A_149 = arith.constant 32 : index
        %swap3A_150 = tpu.vector_load %arg8[%swap3A_148, %swap3A_149] {strides = array<i32>} : memref<200x128xf32, #tpu.memory_space<vmem>>, vector<1x16xf32>,
        %swap3A_151 = vector.shape_cast %swap3A_150 : vector<1x16xf32> to vector<16xf32>
        %swap3A_152 = vector.shape_cast %mul3A_147 : vector<16xf32> to vector<1x16xf32>
        tpu.vector_store %arg8[%swap3A_148, %swap3A_149], %swap3A_152 {strides = array<i32>} : memref<200x128xf32, #tpu.memory_space<vmem>>, vector<1x16xf32>,
        %get3A_153 = arith.index_cast %scan3A_78 : i32 to index
        %get3A_154 = arith.constant 48 : index
        %get3A_155 = tpu.vector_load %arg9[%get3A_153, %get3A_154] {strides = array<i32>} : memref<200x128xf32, #tpu.memory_space<vmem>>, vector<1x16xf32>,
        %get3A_156 = vector.shape_cast %get3A_155 : vector<1x16xf32> to vector<16xf32>
        %get3A_157 = arith.index_cast %scan3A_78 : i32 to index
        %get3A_158 = arith.constant 48 : index
        %get3A_159 = tpu.vector_load %arg10[%get3A_157, %get3A_158] {strides = array<i32>} : memref<200x128xf32, #tpu.memory_space<vmem>>, vector<1x16xf32>,
        %get3A_160 = vector.shape_cast %get3A_159 : vector<1x16xf32> to vector<16xf32>
        %add3A_161 = arith.addf %get3A_156, %get3A_160 : vector<16xf32>
        %mul3A_162 = arith.constant 5.000000e-01 : f32
        %mul3A_163 = vector.broadcast %mul3A_162 : f32 to vector<16xf32>
        %mul3A_164 = arith.mulf %add3A_161, %mul3A_163 : vector<16xf32>
        %get3A_165 = arith.index_cast %scan3A_78 : i32 to index
        %get3A_166 = arith.constant 48 : index
        %get3A_167 = tpu.vector_load %arg8[%get3A_165, %get3A_166] {strides = array<i32>} : memref<200x128xf32, #tpu.memory_space<vmem>>, vector<1x16xf32>,
        %get3A_168 = vector.shape_cast %get3A_167 : vector<1x16xf32> to vector<16xf32>
        %add3A_169 = arith.addf %get3A_168, %mul3A_164 : vector<16xf32>
        %mul3A_170 = arith.constant 5.000000e-01 : f32
        %mul3A_171 = vector.broadcast %mul3A_170 : f32 to vector<16xf32>
        %mul3A_172 = arith.mulf %add3A_169, %mul3A_171 : vector<16xf32>
        %swap3A_173 = arith.index_cast %scan3A_78 : i32 to index
        %swap3A_174 = arith.constant 48 : index
        %swap3A_175 = tpu.vector_load %arg8[%swap3A_173, %swap3A_174] {strides = array<i32>} : memref<200x128xf32, #tpu.memory_space<vmem>>, vector<1x16xf32>,
        %swap3A_176 = vector.shape_cast %swap3A_175 : vector<1x16xf32> to vector<16xf32>
        %swap3A_177 = vector.shape_cast %mul3A_172 : vector<16xf32> to vector<1x16xf32>
        tpu.vector_store %arg8[%swap3A_173, %swap3A_174], %swap3A_177 {strides = array<i32>} : memref<200x128xf32, #tpu.memory_space<vmem>>, vector<1x16xf32>,
        %get3A_178 = arith.index_cast %scan3A_78 : i32 to index
        %get3A_179 = arith.constant 64 : index
        %get3A_180 = tpu.vector_load %arg9[%get3A_178, %get3A_179] {strides = array<i32>} : memref<200x128xf32, #tpu.memory_space<vmem>>, vector<1x16xf32>,
        %get3A_181 = vector.shape_cast %get3A_180 : vector<1x16xf32> to vector<16xf32>
        %get3A_182 = arith.index_cast %scan3A_78 : i32 to index
        %get3A_183 = arith.constant 64 : index
        %get3A_184 = tpu.vector_load %arg10[%get3A_182, %get3A_183] {strides = array<i32>} : memref<200x128xf32, #tpu.memory_space<vmem>>, vector<1x16xf32>,
        %get3A_185 = vector.shape_cast %get3A_184 : vector<1x16xf32> to vector<16xf32>
        %add3A_186 = arith.addf %get3A_181, %get3A_185 : vector<16xf32>
        %mul3A_187 = arith.constant 5.000000e-01 : f32
        %mul3A_188 = vector.broadcast %mul3A_187 : f32 to vector<16xf32>
        %mul3A_189 = arith.mulf %add3A_186, %mul3A_188 : vector<16xf32>
        %get3A_190 = arith.index_cast %scan3A_78 : i32 to index
        %get3A_191 = arith.constant 64 : index
        %get3A_192 = tpu.vector_load %arg8[%get3A_190, %get3A_191] {strides = array<i32>} : memref<200x128xf32, #tpu.memory_space<vmem>>, vector<1x16xf32>,
        %get3A_193 = vector.shape_cast %get3A_192 : vector<1x16xf32> to vector<16xf32>
        %add3A_194 = arith.addf %get3A_193, %mul3A_189 : vector<16xf32>
        %mul3A_195 = arith.constant 5.000000e-01 : f32
        %mul3A_196 = vector.broadcast %mul3A_195 : f32 to vector<16xf32>
        %mul3A_197 = arith.mulf %add3A_194, %mul3A_196 : vector<16xf32>
        %swap3A_198 = arith.index_cast %scan3A_78 : i32 to index
        %swap3A_199 = arith.constant 64 : index
        %swap3A_200 = tpu.vector_load %arg8[%swap3A_198, %swap3A_199] {strides = array<i32>} : memref<200x128xf32, #tpu.memory_space<vmem>>, vector<1x16xf32>,
        %swap3A_201 = vector.shape_cast %swap3A_200 : vector<1x16xf32> to vector<16xf32>
        %swap3A_202 = vector.shape_cast %mul3A_197 : vector<16xf32> to vector<1x16xf32>
        tpu.vector_store %arg8[%swap3A_198, %swap3A_199], %swap3A_202 {strides = array<i32>} : memref<200x128xf32, #tpu.memory_space<vmem>>, vector<1x16xf32>,
        %get3A_203 = arith.index_cast %scan3A_78 : i32 to index
        %get3A_204 = arith.constant 80 : index
        %get3A_205 = tpu.vector_load %arg9[%get3A_203, %get3A_204] {strides = array<i32>} : memref<200x128xf32, #tpu.memory_space<vmem>>, vector<1x16xf32>,
        %get3A_206 = vector.shape_cast %get3A_205 : vector<1x16xf32> to vector<16xf32>
        %get3A_207 = arith.index_cast %scan3A_78 : i32 to index
        %get3A_208 = arith.constant 80 : index
        %get3A_209 = tpu.vector_load %arg10[%get3A_207, %get3A_208] {strides = array<i32>} : memref<200x128xf32, #tpu.memory_space<vmem>>, vector<1x16xf32>,
        %get3A_210 = vector.shape_cast %get3A_209 : vector<1x16xf32> to vector<16xf32>
        %add3A_211 = arith.addf %get3A_206, %get3A_210 : vector<16xf32>
        %mul3A_212 = arith.constant 5.000000e-01 : f32
        %mul3A_213 = vector.broadcast %mul3A_212 : f32 to vector<16xf32>
        %mul3A_214 = arith.mulf %add3A_211, %mul3A_213 : vector<16xf32>
        %get3A_215 = arith.index_cast %scan3A_78 : i32 to index
        %get3A_216 = arith.constant 80 : index
        %get3A_217 = tpu.vector_load %arg8[%get3A_215, %get3A_216] {strides = array<i32>} : memref<200x128xf32, #tpu.memory_space<vmem>>, vector<1x16xf32>,
        %get3A_218 = vector.shape_cast %get3A_217 : vector<1x16xf32> to vector<16xf32>
        %add3A_219 = arith.addf %get3A_218, %mul3A_214 : vector<16xf32>
        %mul3A_220 = arith.constant 5.000000e-01 : f32
        %mul3A_221 = vector.broadcast %mul3A_220 : f32 to vector<16xf32>
        %mul3A_222 = arith.mulf %add3A_219, %mul3A_221 : vector<16xf32>
        %swap3A_223 = arith.index_cast %scan3A_78 : i32 to index
        %swap3A_224 = arith.constant 80 : index
        %swap3A_225 = tpu.vector_load %arg8[%swap3A_223, %swap3A_224] {strides = array<i32>} : memref<200x128xf32, #tpu.memory_space<vmem>>, vector<1x16xf32>,
        %swap3A_226 = vector.shape_cast %swap3A_225 : vector<1x16xf32> to vector<16xf32>
        %swap3A_227 = vector.shape_cast %mul3A_222 : vector<16xf32> to vector<1x16xf32>
        tpu.vector_store %arg8[%swap3A_223, %swap3A_224], %swap3A_227 {strides = array<i32>} : memref<200x128xf32, #tpu.memory_space<vmem>>, vector<1x16xf32>,
        %get3A_228 = arith.index_cast %scan3A_78 : i32 to index
        %get3A_229 = arith.constant 96 : index
        %get3A_230 = tpu.vector_load %arg9[%get3A_228, %get3A_229] {strides = array<i32>} : memref<200x128xf32, #tpu.memory_space<vmem>>, vector<1x16xf32>,
        %get3A_231 = vector.shape_cast %get3A_230 : vector<1x16xf32> to vector<16xf32>
        %get3A_232 = arith.index_cast %scan3A_78 : i32 to index
        %get3A_233 = arith.constant 96 : index
        %get3A_234 = tpu.vector_load %arg10[%get3A_232, %get3A_233] {strides = array<i32>} : memref<200x128xf32, #tpu.memory_space<vmem>>, vector<1x16xf32>,
        %get3A_235 = vector.shape_cast %get3A_234 : vector<1x16xf32> to vector<16xf32>
        %add3A_236 = arith.addf %get3A_231, %get3A_235 : vector<16xf32>
        %mul3A_237 = arith.constant 5.000000e-01 : f32
        %mul3A_238 = vector.broadcast %mul3A_237 : f32 to vector<16xf32>
        %mul3A_239 = arith.mulf %add3A_236, %mul3A_238 : vector<16xf32>
        %get3A_240 = arith.index_cast %scan3A_78 : i32 to index
        %get3A_241 = arith.constant 96 : index
        %get3A_242 = tpu.vector_load %arg8[%get3A_240, %get3A_241] {strides = array<i32>} : memref<200x128xf32, #tpu.memory_space<vmem>>, vector<1x16xf32>,
        %get3A_243 = vector.shape_cast %get3A_242 : vector<1x16xf32> to vector<16xf32>
        %add3A_244 = arith.addf %get3A_243, %mul3A_239 : vector<16xf32>
        %mul3A_245 = arith.constant 5.000000e-01 : f32
        %mul3A_246 = vector.broadcast %mul3A_245 : f32 to vector<16xf32>
        %mul3A_247 = arith.mulf %add3A_244, %mul3A_246 : vector<16xf32>
        %swap3A_248 = arith.index_cast %scan3A_78 : i32 to index
        %swap3A_249 = arith.constant 96 : index
        %swap3A_250 = tpu.vector_load %arg8[%swap3A_248, %swap3A_249] {strides = array<i32>} : memref<200x128xf32, #tpu.memory_space<vmem>>, vector<1x16xf32>,
        %swap3A_251 = vector.shape_cast %swap3A_250 : vector<1x16xf32> to vector<16xf32>
        %swap3A_252 = vector.shape_cast %mul3A_247 : vector<16xf32> to vector<1x16xf32>
        tpu.vector_store %arg8[%swap3A_248, %swap3A_249], %swap3A_252 {strides = array<i32>} : memref<200x128xf32, #tpu.memory_space<vmem>>, vector<1x16xf32>,
        %get3A_253 = arith.index_cast %scan3A_78 : i32 to index
        %get3A_254 = arith.constant 112 : index
        %get3A_255 = tpu.vector_load %arg9[%get3A_253, %get3A_254] {strides = array<i32>} : memref<200x128xf32, #tpu.memory_space<vmem>>, vector<1x16xf32>,
        %get3A_256 = vector.shape_cast %get3A_255 : vector<1x16xf32> to vector<16xf32>
        %get3A_257 = arith.index_cast %scan3A_78 : i32 to index
        %get3A_258 = arith.constant 112 : index
        %get3A_259 = tpu.vector_load %arg10[%get3A_257, %get3A_258] {strides = array<i32>} : memref<200x128xf32, #tpu.memory_space<vmem>>, vector<1x16xf32>,
        %get3A_260 = vector.shape_cast %get3A_259 : vector<1x16xf32> to vector<16xf32>
        %add3A_261 = arith.addf %get3A_256, %get3A_260 : vector<16xf32>
        %mul3A_262 = arith.constant 5.000000e-01 : f32
        %mul3A_263 = vector.broadcast %mul3A_262 : f32 to vector<16xf32>
        %mul3A_264 = arith.mulf %add3A_261, %mul3A_263 : vector<16xf32>
        %get3A_265 = arith.index_cast %scan3A_78 : i32 to index
        %get3A_266 = arith.constant 112 : index
        %get3A_267 = tpu.vector_load %arg8[%get3A_265, %get3A_266] {strides = array<i32>} : memref<200x128xf32, #tpu.memory_space<vmem>>, vector<1x16xf32>,
        %get3A_268 = vector.shape_cast %get3A_267 : vector<1x16xf32> to vector<16xf32>
        %add3A_269 = arith.addf %get3A_268, %mul3A_264 : vector<16xf32>
        %mul3A_270 = arith.constant 5.000000e-01 : f32
        %mul3A_271 = vector.broadcast %mul3A_270 : f32 to vector<16xf32>
        %mul3A_272 = arith.mulf %add3A_269, %mul3A_271 : vector<16xf32>
        %swap3A_273 = arith.index_cast %scan3A_78 : i32 to index
        %swap3A_274 = arith.constant 112 : index
        %swap3A_275 = tpu.vector_load %arg8[%swap3A_273, %swap3A_274] {strides = array<i32>} : memref<200x128xf32, #tpu.memory_space<vmem>>, vector<1x16xf32>,
        %swap3A_276 = vector.shape_cast %swap3A_275 : vector<1x16xf32> to vector<16xf32>
        %swap3A_277 = vector.shape_cast %mul3A_272 : vector<16xf32> to vector<1x16xf32>
        tpu.vector_store %arg8[%swap3A_273, %swap3A_274], %swap3A_277 {strides = array<i32>} : memref<200x128xf32, #tpu.memory_space<vmem>>, vector<1x16xf32>,
        %scan3A_278 = arith.constant 0 : i32
        scf.yield %scan3A_278 : i32
      }
      %scan3A_77 = arith.constant 200 : i32
      "tpu.region"() ({
        %run_scoped3A = tpu.sem_alloc : memref<!tpu.dma_semaphore, #tpu.memory_space<semaphore_mem>>
        %dma_start3A_78 = arith.constant 0 : i32
        %dma_start3A_79 = tpu.memref_slice %arg5[%add3A_42, %dma_start3A_78] : memref<10000x128xf32, #tpu.memory_space<hbm>> -> memref<200x128xf32, #tpu.memory_space<hbm>>
        %dma_start3A_80 = arith.constant 0 : i32
        %dma_start3A_81 = tpu.memref_slice %arg5[%add3A_42, %dma_start3A_80] : memref<10000x128xf32, #tpu.memory_space<hbm>> -> memref<200x128xf32, #tpu.memory_space<hbm>>
        tpu.enqueue_dma source(%arg8 : memref<200x128xf32, #tpu.memory_space<vmem>>) target(%dma_start3A_81 : memref<200x128xf32, #tpu.memory_space<hbm>>) target_semaphore(%run_scoped3A : memref<!tpu.dma_semaphore, #tpu.memory_space<semaphore_mem>>)
        %dma_wait3A_82 = arith.constant 0 : i32
        %dma_wait3A_83 = tpu.memref_slice %arg5[%add3A_42, %dma_wait3A_82] : memref<10000x128xf32, #tpu.memory_space<hbm>> -> memref<200x128xf32, #tpu.memory_space<hbm>>
        %dma_wait3A_84 = arith.constant 0 : i32
        %dma_wait3A_85 = tpu.memref_slice %arg5[%add3A_42, %dma_wait3A_84] : memref<10000x128xf32, #tpu.memory_space<hbm>> -> memref<200x128xf32, #tpu.memory_space<hbm>>
        tpu.wait_dma2 semaphore(%run_scoped3A : memref<!tpu.dma_semaphore, #tpu.memory_space<semaphore_mem>>) src(%arg8 : memref<200x128xf32, #tpu.memory_space<vmem>>) dst(%dma_wait3A_85 : memref<200x128xf32, #tpu.memory_space<hbm>>)
        tpu.yield
      }) : () -> ()
    } else {
    }
    return
  }
}

#map = affine_map<(d0, d1) -> (0, 0)>
#map1 = affine_map<(d0, d1) -> (0)>
module attributes {stable_mosaic.version = 14 : i64} {
  func.func @_sc_combine_body(%arg0: i32, %arg1: i32, %arg2: memref<10000x128xf32, #tpu.memory_space<hbm>>, %arg3: memref<10000xi32, #tpu.memory_space<hbm>>, %arg4: memref<10000xi32, #tpu.memory_space<hbm>>, %arg5: memref<10000x128xf32, #tpu.memory_space<hbm>>, %arg6: memref<200xi32, #tpu.memory_space<vmem>>, %arg7: memref<200xi32, #tpu.memory_space<vmem>>, %arg8: memref<200x128xf32, #tpu.memory_space<vmem>>, %arg9: memref<200x128xf32, #tpu.memory_space<vmem>>, %arg10: memref<200x128xf32, #tpu.memory_space<vmem>>, %arg11: memref<!tpu.dma_semaphore, #tpu.memory_space<semaphore_mem>>, %arg12: memref<!tpu.dma_semaphore, #tpu.memory_space<semaphore_mem>>, %arg13: memref<!tpu.dma_semaphore, #tpu.memory_space<semaphore_mem>>) attributes {dimension_semantics = [#tpu.dimension_semantics<core_parallel>, #tpu.dimension_semantics<subcore_parallel>], iteration_bounds = array<i64: 2, 16>, scalar_prefetch = 0 : i64, scratch_operands = 8 : i64, tpu.core_type = #tpu.core_type<sc_vector_subcore>, window_params = [{transform_indices = #map}, {transform_indices = #map1}, {transform_indices = #map1}, {transform_indices = #map}]} {
    %mul3A = arith.constant 2 : i32
    %mul3A_0 = arith.muli %arg1, %mul3A : i32
    %add3A = arith.addi %mul3A_0, %arg0 : i32
    %lt3A = arith.constant 25 : i32
    %lt3A_1 = arith.cmpi slt, %add3A, %lt3A : i32
    %convert_element_type3A = arith.extui %lt3A_1 : i1 to i32
    %cond3A = arith.constant 0 : i32
    %cond3A_2 = arith.cmpi ne, %convert_element_type3A, %cond3A : i32
    scf.if %cond3A_2 {
      %mul3A_3 = arith.constant 400 : i32
      %mul3A_4 = arith.muli %add3A, %mul3A_3 : i32
      %add3A_5 = arith.constant 0 : i32
      %add3A_6 = arith.addi %mul3A_4, %add3A_5 : i32
      %dma_start3A = tpu.memref_slice %arg3[%add3A_6] : memref<10000xi32, #tpu.memory_space<hbm>> -> memref<200xi32, #tpu.memory_space<hbm>>
      %dma_start3A_7 = tpu.memref_slice %arg3[%add3A_6] : memref<10000xi32, #tpu.memory_space<hbm>> -> memref<200xi32, #tpu.memory_space<hbm>>
      tpu.enqueue_dma source(%dma_start3A_7 : memref<200xi32, #tpu.memory_space<hbm>>) target(%arg6 : memref<200xi32, #tpu.memory_space<vmem>>) target_semaphore(%arg11 : memref<!tpu.dma_semaphore, #tpu.memory_space<semaphore_mem>>)
      %dma_start3A_8 = tpu.memref_slice %arg4[%add3A_6] : memref<10000xi32, #tpu.memory_space<hbm>> -> memref<200xi32, #tpu.memory_space<hbm>>
      %dma_start3A_9 = tpu.memref_slice %arg4[%add3A_6] : memref<10000xi32, #tpu.memory_space<hbm>> -> memref<200xi32, #tpu.memory_space<hbm>>
      tpu.enqueue_dma source(%dma_start3A_9 : memref<200xi32, #tpu.memory_space<hbm>>) target(%arg7 : memref<200xi32, #tpu.memory_space<vmem>>) target_semaphore(%arg12 : memref<!tpu.dma_semaphore, #tpu.memory_space<semaphore_mem>>)
      %dma_start3A_10 = arith.constant 0 : i32
      %dma_start3A_11 = tpu.memref_slice %arg2[%add3A_6, %dma_start3A_10] : memref<10000x128xf32, #tpu.memory_space<hbm>> -> memref<200x128xf32, #tpu.memory_space<hbm>>
      %dma_start3A_12 = arith.constant 0 : i32
      %dma_start3A_13 = tpu.memref_slice %arg2[%add3A_6, %dma_start3A_12] : memref<10000x128xf32, #tpu.memory_space<hbm>> -> memref<200x128xf32, #tpu.memory_space<hbm>>
      tpu.enqueue_dma source(%dma_start3A_13 : memref<200x128xf32, #tpu.memory_space<hbm>>) target(%arg8 : memref<200x128xf32, #tpu.memory_space<vmem>>) target_semaphore(%arg13 : memref<!tpu.dma_semaphore, #tpu.memory_space<semaphore_mem>>)
      %dma_wait3A = tpu.memref_slice %arg3[%add3A_6] : memref<10000xi32, #tpu.memory_space<hbm>> -> memref<200xi32, #tpu.memory_space<hbm>>
      %dma_wait3A_14 = tpu.memref_slice %arg3[%add3A_6] : memref<10000xi32, #tpu.memory_space<hbm>> -> memref<200xi32, #tpu.memory_space<hbm>>
      tpu.wait_dma2 semaphore(%arg11 : memref<!tpu.dma_semaphore, #tpu.memory_space<semaphore_mem>>) src(%dma_wait3A_14 : memref<200xi32, #tpu.memory_space<hbm>>) dst(%arg6 : memref<200xi32, #tpu.memory_space<vmem>>)
      %dma_wait3A_15 = tpu.memref_slice %arg4[%add3A_6] : memref<10000xi32, #tpu.memory_space<hbm>> -> memref<200xi32, #tpu.memory_space<hbm>>
      %dma_wait3A_16 = tpu.memref_slice %arg4[%add3A_6] : memref<10000xi32, #tpu.memory_space<hbm>> -> memref<200xi32, #tpu.memory_space<hbm>>
      tpu.wait_dma2 semaphore(%arg12 : memref<!tpu.dma_semaphore, #tpu.memory_space<semaphore_mem>>) src(%dma_wait3A_16 : memref<200xi32, #tpu.memory_space<hbm>>) dst(%arg7 : memref<200xi32, #tpu.memory_space<vmem>>)
      %dma_start3A_17 = arith.constant 0 : i32
      %dma_start3A_18 = arith.constant 0 : i32
      %dma_start3A_19 = tpu.memref_slice %arg2[%dma_start3A_17, %dma_start3A_18] : memref<10000x128xf32, #tpu.memory_space<hbm>> -> memref<10000x128xf32, #tpu.memory_space<hbm>>
      tpu.enqueue_indirect_dma source(%dma_start3A_19 : memref<10000x128xf32, #tpu.memory_space<hbm>>) target(%arg9 : memref<200x128xf32, #tpu.memory_space<vmem>>) offsets(%arg6 : memref<200xi32, #tpu.memory_space<vmem>>) semaphore(%arg11 : memref<!tpu.dma_semaphore, #tpu.memory_space<semaphore_mem>>)
      %dma_start3A_20 = arith.constant 0 : i32
      %dma_start3A_21 = arith.constant 0 : i32
      %dma_start3A_22 = tpu.memref_slice %arg2[%dma_start3A_20, %dma_start3A_21] : memref<10000x128xf32, #tpu.memory_space<hbm>> -> memref<10000x128xf32, #tpu.memory_space<hbm>>
      tpu.enqueue_indirect_dma source(%dma_start3A_22 : memref<10000x128xf32, #tpu.memory_space<hbm>>) target(%arg10 : memref<200x128xf32, #tpu.memory_space<vmem>>) offsets(%arg7 : memref<200xi32, #tpu.memory_space<vmem>>) semaphore(%arg12 : memref<!tpu.dma_semaphore, #tpu.memory_space<semaphore_mem>>)
      %dma_wait3A_23 = arith.constant 0 : i32
      %dma_wait3A_24 = tpu.memref_slice %arg2[%add3A_6, %dma_wait3A_23] : memref<10000x128xf32, #tpu.memory_space<hbm>> -> memref<200x128xf32, #tpu.memory_space<hbm>>
      %dma_wait3A_25 = arith.constant 0 : i32
      %dma_wait3A_26 = tpu.memref_slice %arg2[%add3A_6, %dma_wait3A_25] : memref<10000x128xf32, #tpu.memory_space<hbm>> -> memref<200x128xf32, #tpu.memory_space<hbm>>
      tpu.wait_dma2 semaphore(%arg13 : memref<!tpu.dma_semaphore, #tpu.memory_space<semaphore_mem>>) src(%dma_wait3A_26 : memref<200x128xf32, #tpu.memory_space<hbm>>) dst(%arg8 : memref<200x128xf32, #tpu.memory_space<vmem>>)
      %dma_wait3A_27 = arith.constant 0 : i32
      %dma_wait3A_28 = arith.constant 0 : i32
      %dma_wait3A_29 = tpu.memref_slice %arg2[%dma_wait3A_27, %dma_wait3A_28] : memref<10000x128xf32, #tpu.memory_space<hbm>> -> memref<10000x128xf32, #tpu.memory_space<hbm>>
      tpu.wait_indirect_dma semaphore(%arg11 : memref<!tpu.dma_semaphore, #tpu.memory_space<semaphore_mem>>) src(%dma_wait3A_29 : memref<10000x128xf32, #tpu.memory_space<hbm>>) dst(%arg9 : memref<200x128xf32, #tpu.memory_space<vmem>>)
      %dma_wait3A_30 = arith.constant 0 : i32
      %dma_wait3A_31 = arith.constant 0 : i32
      %dma_wait3A_32 = tpu.memref_slice %arg2[%dma_wait3A_30, %dma_wait3A_31] : memref<10000x128xf32, #tpu.memory_space<hbm>> -> memref<10000x128xf32, #tpu.memory_space<hbm>>
      tpu.wait_indirect_dma semaphore(%arg12 : memref<!tpu.dma_semaphore, #tpu.memory_space<semaphore_mem>>) src(%dma_wait3A_32 : memref<10000x128xf32, #tpu.memory_space<hbm>>) dst(%arg10 : memref<200x128xf32, #tpu.memory_space<vmem>>)
      %scan3A = arith.constant 0 : i32
      %scan3A_33 = arith.constant 0 : i32
      %scan3A_34 = arith.constant 200 : i32
      %scan3A_35 = arith.addi %scan3A_33, %scan3A_34 : i32
      %scan3A_36 = arith.constant 1 : i32
      %scan3A_37 = scf.for %scan3A_78 = %scan3A_33 to %scan3A_35 step %scan3A_36 iter_args(%scan3A_79 = %scan3A) -> (i32)  : i32 {
        %get3A = arith.index_cast %scan3A_78 : i32 to index
        %get3A_80 = arith.constant 0 : index
        %get3A_81 = tpu.vector_load %arg9[%get3A, %get3A_80] {strides = array<i32>} : memref<200x128xf32, #tpu.memory_space<vmem>>, vector<1x16xf32>,
        %get3A_82 = vector.shape_cast %get3A_81 : vector<1x16xf32> to vector<16xf32>
        %get3A_83 = arith.index_cast %scan3A_78 : i32 to index
        %get3A_84 = arith.constant 0 : index
        %get3A_85 = tpu.vector_load %arg10[%get3A_83, %get3A_84] {strides = array<i32>} : memref<200x128xf32, #tpu.memory_space<vmem>>, vector<1x16xf32>,
        %get3A_86 = vector.shape_cast %get3A_85 : vector<1x16xf32> to vector<16xf32>
        %add3A_87 = arith.addf %get3A_82, %get3A_86 : vector<16xf32>
        %mul3A_88 = arith.constant 5.000000e-01 : f32
        %mul3A_89 = vector.broadcast %mul3A_88 : f32 to vector<16xf32>
        %mul3A_90 = arith.mulf %add3A_87, %mul3A_89 : vector<16xf32>
        %get3A_91 = arith.index_cast %scan3A_78 : i32 to index
        %get3A_92 = arith.constant 0 : index
        %get3A_93 = tpu.vector_load %arg8[%get3A_91, %get3A_92] {strides = array<i32>} : memref<200x128xf32, #tpu.memory_space<vmem>>, vector<1x16xf32>,
        %get3A_94 = vector.shape_cast %get3A_93 : vector<1x16xf32> to vector<16xf32>
        %add3A_95 = arith.addf %get3A_94, %mul3A_90 : vector<16xf32>
        %mul3A_96 = arith.constant 5.000000e-01 : f32
        %mul3A_97 = vector.broadcast %mul3A_96 : f32 to vector<16xf32>
        %mul3A_98 = arith.mulf %add3A_95, %mul3A_97 : vector<16xf32>
        %swap3A = arith.index_cast %scan3A_78 : i32 to index
        %swap3A_99 = arith.constant 0 : index
        %swap3A_100 = tpu.vector_load %arg8[%swap3A, %swap3A_99] {strides = array<i32>} : memref<200x128xf32, #tpu.memory_space<vmem>>, vector<1x16xf32>,
        %swap3A_101 = vector.shape_cast %swap3A_100 : vector<1x16xf32> to vector<16xf32>
        %swap3A_102 = vector.shape_cast %mul3A_98 : vector<16xf32> to vector<1x16xf32>
        tpu.vector_store %arg8[%swap3A, %swap3A_99], %swap3A_102 {strides = array<i32>} : memref<200x128xf32, #tpu.memory_space<vmem>>, vector<1x16xf32>,
        %get3A_103 = arith.index_cast %scan3A_78 : i32 to index
        %get3A_104 = arith.constant 16 : index
        %get3A_105 = tpu.vector_load %arg9[%get3A_103, %get3A_104] {strides = array<i32>} : memref<200x128xf32, #tpu.memory_space<vmem>>, vector<1x16xf32>,
        %get3A_106 = vector.shape_cast %get3A_105 : vector<1x16xf32> to vector<16xf32>
        %get3A_107 = arith.index_cast %scan3A_78 : i32 to index
        %get3A_108 = arith.constant 16 : index
        %get3A_109 = tpu.vector_load %arg10[%get3A_107, %get3A_108] {strides = array<i32>} : memref<200x128xf32, #tpu.memory_space<vmem>>, vector<1x16xf32>,
        %get3A_110 = vector.shape_cast %get3A_109 : vector<1x16xf32> to vector<16xf32>
        %add3A_111 = arith.addf %get3A_106, %get3A_110 : vector<16xf32>
        %mul3A_112 = arith.constant 5.000000e-01 : f32
        %mul3A_113 = vector.broadcast %mul3A_112 : f32 to vector<16xf32>
        %mul3A_114 = arith.mulf %add3A_111, %mul3A_113 : vector<16xf32>
        %get3A_115 = arith.index_cast %scan3A_78 : i32 to index
        %get3A_116 = arith.constant 16 : index
        %get3A_117 = tpu.vector_load %arg8[%get3A_115, %get3A_116] {strides = array<i32>} : memref<200x128xf32, #tpu.memory_space<vmem>>, vector<1x16xf32>,
        %get3A_118 = vector.shape_cast %get3A_117 : vector<1x16xf32> to vector<16xf32>
        %add3A_119 = arith.addf %get3A_118, %mul3A_114 : vector<16xf32>
        %mul3A_120 = arith.constant 5.000000e-01 : f32
        %mul3A_121 = vector.broadcast %mul3A_120 : f32 to vector<16xf32>
        %mul3A_122 = arith.mulf %add3A_119, %mul3A_121 : vector<16xf32>
        %swap3A_123 = arith.index_cast %scan3A_78 : i32 to index
        %swap3A_124 = arith.constant 16 : index
        %swap3A_125 = tpu.vector_load %arg8[%swap3A_123, %swap3A_124] {strides = array<i32>} : memref<200x128xf32, #tpu.memory_space<vmem>>, vector<1x16xf32>,
        %swap3A_126 = vector.shape_cast %swap3A_125 : vector<1x16xf32> to vector<16xf32>
        %swap3A_127 = vector.shape_cast %mul3A_122 : vector<16xf32> to vector<1x16xf32>
        tpu.vector_store %arg8[%swap3A_123, %swap3A_124], %swap3A_127 {strides = array<i32>} : memref<200x128xf32, #tpu.memory_space<vmem>>, vector<1x16xf32>,
        %get3A_128 = arith.index_cast %scan3A_78 : i32 to index
        %get3A_129 = arith.constant 32 : index
        %get3A_130 = tpu.vector_load %arg9[%get3A_128, %get3A_129] {strides = array<i32>} : memref<200x128xf32, #tpu.memory_space<vmem>>, vector<1x16xf32>,
        %get3A_131 = vector.shape_cast %get3A_130 : vector<1x16xf32> to vector<16xf32>
        %get3A_132 = arith.index_cast %scan3A_78 : i32 to index
        %get3A_133 = arith.constant 32 : index
        %get3A_134 = tpu.vector_load %arg10[%get3A_132, %get3A_133] {strides = array<i32>} : memref<200x128xf32, #tpu.memory_space<vmem>>, vector<1x16xf32>,
        %get3A_135 = vector.shape_cast %get3A_134 : vector<1x16xf32> to vector<16xf32>
        %add3A_136 = arith.addf %get3A_131, %get3A_135 : vector<16xf32>
        %mul3A_137 = arith.constant 5.000000e-01 : f32
        %mul3A_138 = vector.broadcast %mul3A_137 : f32 to vector<16xf32>
        %mul3A_139 = arith.mulf %add3A_136, %mul3A_138 : vector<16xf32>
        %get3A_140 = arith.index_cast %scan3A_78 : i32 to index
        %get3A_141 = arith.constant 32 : index
        %get3A_142 = tpu.vector_load %arg8[%get3A_140, %get3A_141] {strides = array<i32>} : memref<200x128xf32, #tpu.memory_space<vmem>>, vector<1x16xf32>,
        %get3A_143 = vector.shape_cast %get3A_142 : vector<1x16xf32> to vector<16xf32>
        %add3A_144 = arith.addf %get3A_143, %mul3A_139 : vector<16xf32>
        %mul3A_145 = arith.constant 5.000000e-01 : f32
        %mul3A_146 = vector.broadcast %mul3A_145 : f32 to vector<16xf32>
        %mul3A_147 = arith.mulf %add3A_144, %mul3A_146 : vector<16xf32>
        %swap3A_148 = arith.index_cast %scan3A_78 : i32 to index
        %swap3A_149 = arith.constant 32 : index
        %swap3A_150 = tpu.vector_load %arg8[%swap3A_148, %swap3A_149] {strides = array<i32>} : memref<200x128xf32, #tpu.memory_space<vmem>>, vector<1x16xf32>,
        %swap3A_151 = vector.shape_cast %swap3A_150 : vector<1x16xf32> to vector<16xf32>
        %swap3A_152 = vector.shape_cast %mul3A_147 : vector<16xf32> to vector<1x16xf32>
        tpu.vector_store %arg8[%swap3A_148, %swap3A_149], %swap3A_152 {strides = array<i32>} : memref<200x128xf32, #tpu.memory_space<vmem>>, vector<1x16xf32>,
        %get3A_153 = arith.index_cast %scan3A_78 : i32 to index
        %get3A_154 = arith.constant 48 : index
        %get3A_155 = tpu.vector_load %arg9[%get3A_153, %get3A_154] {strides = array<i32>} : memref<200x128xf32, #tpu.memory_space<vmem>>, vector<1x16xf32>,
        %get3A_156 = vector.shape_cast %get3A_155 : vector<1x16xf32> to vector<16xf32>
        %get3A_157 = arith.index_cast %scan3A_78 : i32 to index
        %get3A_158 = arith.constant 48 : index
        %get3A_159 = tpu.vector_load %arg10[%get3A_157, %get3A_158] {strides = array<i32>} : memref<200x128xf32, #tpu.memory_space<vmem>>, vector<1x16xf32>,
        %get3A_160 = vector.shape_cast %get3A_159 : vector<1x16xf32> to vector<16xf32>
        %add3A_161 = arith.addf %get3A_156, %get3A_160 : vector<16xf32>
        %mul3A_162 = arith.constant 5.000000e-01 : f32
        %mul3A_163 = vector.broadcast %mul3A_162 : f32 to vector<16xf32>
        %mul3A_164 = arith.mulf %add3A_161, %mul3A_163 : vector<16xf32>
        %get3A_165 = arith.index_cast %scan3A_78 : i32 to index
        %get3A_166 = arith.constant 48 : index
        %get3A_167 = tpu.vector_load %arg8[%get3A_165, %get3A_166] {strides = array<i32>} : memref<200x128xf32, #tpu.memory_space<vmem>>, vector<1x16xf32>,
        %get3A_168 = vector.shape_cast %get3A_167 : vector<1x16xf32> to vector<16xf32>
        %add3A_169 = arith.addf %get3A_168, %mul3A_164 : vector<16xf32>
        %mul3A_170 = arith.constant 5.000000e-01 : f32
        %mul3A_171 = vector.broadcast %mul3A_170 : f32 to vector<16xf32>
        %mul3A_172 = arith.mulf %add3A_169, %mul3A_171 : vector<16xf32>
        %swap3A_173 = arith.index_cast %scan3A_78 : i32 to index
        %swap3A_174 = arith.constant 48 : index
        %swap3A_175 = tpu.vector_load %arg8[%swap3A_173, %swap3A_174] {strides = array<i32>} : memref<200x128xf32, #tpu.memory_space<vmem>>, vector<1x16xf32>,
        %swap3A_176 = vector.shape_cast %swap3A_175 : vector<1x16xf32> to vector<16xf32>
        %swap3A_177 = vector.shape_cast %mul3A_172 : vector<16xf32> to vector<1x16xf32>
        tpu.vector_store %arg8[%swap3A_173, %swap3A_174], %swap3A_177 {strides = array<i32>} : memref<200x128xf32, #tpu.memory_space<vmem>>, vector<1x16xf32>,
        %get3A_178 = arith.index_cast %scan3A_78 : i32 to index
        %get3A_179 = arith.constant 64 : index
        %get3A_180 = tpu.vector_load %arg9[%get3A_178, %get3A_179] {strides = array<i32>} : memref<200x128xf32, #tpu.memory_space<vmem>>, vector<1x16xf32>,
        %get3A_181 = vector.shape_cast %get3A_180 : vector<1x16xf32> to vector<16xf32>
        %get3A_182 = arith.index_cast %scan3A_78 : i32 to index
        %get3A_183 = arith.constant 64 : index
        %get3A_184 = tpu.vector_load %arg10[%get3A_182, %get3A_183] {strides = array<i32>} : memref<200x128xf32, #tpu.memory_space<vmem>>, vector<1x16xf32>,
        %get3A_185 = vector.shape_cast %get3A_184 : vector<1x16xf32> to vector<16xf32>
        %add3A_186 = arith.addf %get3A_181, %get3A_185 : vector<16xf32>
        %mul3A_187 = arith.constant 5.000000e-01 : f32
        %mul3A_188 = vector.broadcast %mul3A_187 : f32 to vector<16xf32>
        %mul3A_189 = arith.mulf %add3A_186, %mul3A_188 : vector<16xf32>
        %get3A_190 = arith.index_cast %scan3A_78 : i32 to index
        %get3A_191 = arith.constant 64 : index
        %get3A_192 = tpu.vector_load %arg8[%get3A_190, %get3A_191] {strides = array<i32>} : memref<200x128xf32, #tpu.memory_space<vmem>>, vector<1x16xf32>,
        %get3A_193 = vector.shape_cast %get3A_192 : vector<1x16xf32> to vector<16xf32>
        %add3A_194 = arith.addf %get3A_193, %mul3A_189 : vector<16xf32>
        %mul3A_195 = arith.constant 5.000000e-01 : f32
        %mul3A_196 = vector.broadcast %mul3A_195 : f32 to vector<16xf32>
        %mul3A_197 = arith.mulf %add3A_194, %mul3A_196 : vector<16xf32>
        %swap3A_198 = arith.index_cast %scan3A_78 : i32 to index
        %swap3A_199 = arith.constant 64 : index
        %swap3A_200 = tpu.vector_load %arg8[%swap3A_198, %swap3A_199] {strides = array<i32>} : memref<200x128xf32, #tpu.memory_space<vmem>>, vector<1x16xf32>,
        %swap3A_201 = vector.shape_cast %swap3A_200 : vector<1x16xf32> to vector<16xf32>
        %swap3A_202 = vector.shape_cast %mul3A_197 : vector<16xf32> to vector<1x16xf32>
        tpu.vector_store %arg8[%swap3A_198, %swap3A_199], %swap3A_202 {strides = array<i32>} : memref<200x128xf32, #tpu.memory_space<vmem>>, vector<1x16xf32>,
        %get3A_203 = arith.index_cast %scan3A_78 : i32 to index
        %get3A_204 = arith.constant 80 : index
        %get3A_205 = tpu.vector_load %arg9[%get3A_203, %get3A_204] {strides = array<i32>} : memref<200x128xf32, #tpu.memory_space<vmem>>, vector<1x16xf32>,
        %get3A_206 = vector.shape_cast %get3A_205 : vector<1x16xf32> to vector<16xf32>
        %get3A_207 = arith.index_cast %scan3A_78 : i32 to index
        %get3A_208 = arith.constant 80 : index
        %get3A_209 = tpu.vector_load %arg10[%get3A_207, %get3A_208] {strides = array<i32>} : memref<200x128xf32, #tpu.memory_space<vmem>>, vector<1x16xf32>,
        %get3A_210 = vector.shape_cast %get3A_209 : vector<1x16xf32> to vector<16xf32>
        %add3A_211 = arith.addf %get3A_206, %get3A_210 : vector<16xf32>
        %mul3A_212 = arith.constant 5.000000e-01 : f32
        %mul3A_213 = vector.broadcast %mul3A_212 : f32 to vector<16xf32>
        %mul3A_214 = arith.mulf %add3A_211, %mul3A_213 : vector<16xf32>
        %get3A_215 = arith.index_cast %scan3A_78 : i32 to index
        %get3A_216 = arith.constant 80 : index
        %get3A_217 = tpu.vector_load %arg8[%get3A_215, %get3A_216] {strides = array<i32>} : memref<200x128xf32, #tpu.memory_space<vmem>>, vector<1x16xf32>,
        %get3A_218 = vector.shape_cast %get3A_217 : vector<1x16xf32> to vector<16xf32>
        %add3A_219 = arith.addf %get3A_218, %mul3A_214 : vector<16xf32>
        %mul3A_220 = arith.constant 5.000000e-01 : f32
        %mul3A_221 = vector.broadcast %mul3A_220 : f32 to vector<16xf32>
        %mul3A_222 = arith.mulf %add3A_219, %mul3A_221 : vector<16xf32>
        %swap3A_223 = arith.index_cast %scan3A_78 : i32 to index
        %swap3A_224 = arith.constant 80 : index
        %swap3A_225 = tpu.vector_load %arg8[%swap3A_223, %swap3A_224] {strides = array<i32>} : memref<200x128xf32, #tpu.memory_space<vmem>>, vector<1x16xf32>,
        %swap3A_226 = vector.shape_cast %swap3A_225 : vector<1x16xf32> to vector<16xf32>
        %swap3A_227 = vector.shape_cast %mul3A_222 : vector<16xf32> to vector<1x16xf32>
        tpu.vector_store %arg8[%swap3A_223, %swap3A_224], %swap3A_227 {strides = array<i32>} : memref<200x128xf32, #tpu.memory_space<vmem>>, vector<1x16xf32>,
        %get3A_228 = arith.index_cast %scan3A_78 : i32 to index
        %get3A_229 = arith.constant 96 : index
        %get3A_230 = tpu.vector_load %arg9[%get3A_228, %get3A_229] {strides = array<i32>} : memref<200x128xf32, #tpu.memory_space<vmem>>, vector<1x16xf32>,
        %get3A_231 = vector.shape_cast %get3A_230 : vector<1x16xf32> to vector<16xf32>
        %get3A_232 = arith.index_cast %scan3A_78 : i32 to index
        %get3A_233 = arith.constant 96 : index
        %get3A_234 = tpu.vector_load %arg10[%get3A_232, %get3A_233] {strides = array<i32>} : memref<200x128xf32, #tpu.memory_space<vmem>>, vector<1x16xf32>,
        %get3A_235 = vector.shape_cast %get3A_234 : vector<1x16xf32> to vector<16xf32>
        %add3A_236 = arith.addf %get3A_231, %get3A_235 : vector<16xf32>
        %mul3A_237 = arith.constant 5.000000e-01 : f32
        %mul3A_238 = vector.broadcast %mul3A_237 : f32 to vector<16xf32>
        %mul3A_239 = arith.mulf %add3A_236, %mul3A_238 : vector<16xf32>
        %get3A_240 = arith.index_cast %scan3A_78 : i32 to index
        %get3A_241 = arith.constant 96 : index
        %get3A_242 = tpu.vector_load %arg8[%get3A_240, %get3A_241] {strides = array<i32>} : memref<200x128xf32, #tpu.memory_space<vmem>>, vector<1x16xf32>,
        %get3A_243 = vector.shape_cast %get3A_242 : vector<1x16xf32> to vector<16xf32>
        %add3A_244 = arith.addf %get3A_243, %mul3A_239 : vector<16xf32>
        %mul3A_245 = arith.constant 5.000000e-01 : f32
        %mul3A_246 = vector.broadcast %mul3A_245 : f32 to vector<16xf32>
        %mul3A_247 = arith.mulf %add3A_244, %mul3A_246 : vector<16xf32>
        %swap3A_248 = arith.index_cast %scan3A_78 : i32 to index
        %swap3A_249 = arith.constant 96 : index
        %swap3A_250 = tpu.vector_load %arg8[%swap3A_248, %swap3A_249] {strides = array<i32>} : memref<200x128xf32, #tpu.memory_space<vmem>>, vector<1x16xf32>,
        %swap3A_251 = vector.shape_cast %swap3A_250 : vector<1x16xf32> to vector<16xf32>
        %swap3A_252 = vector.shape_cast %mul3A_247 : vector<16xf32> to vector<1x16xf32>
        tpu.vector_store %arg8[%swap3A_248, %swap3A_249], %swap3A_252 {strides = array<i32>} : memref<200x128xf32, #tpu.memory_space<vmem>>, vector<1x16xf32>,
        %get3A_253 = arith.index_cast %scan3A_78 : i32 to index
        %get3A_254 = arith.constant 112 : index
        %get3A_255 = tpu.vector_load %arg9[%get3A_253, %get3A_254] {strides = array<i32>} : memref<200x128xf32, #tpu.memory_space<vmem>>, vector<1x16xf32>,
        %get3A_256 = vector.shape_cast %get3A_255 : vector<1x16xf32> to vector<16xf32>
        %get3A_257 = arith.index_cast %scan3A_78 : i32 to index
        %get3A_258 = arith.constant 112 : index
        %get3A_259 = tpu.vector_load %arg10[%get3A_257, %get3A_258] {strides = array<i32>} : memref<200x128xf32, #tpu.memory_space<vmem>>, vector<1x16xf32>,
        %get3A_260 = vector.shape_cast %get3A_259 : vector<1x16xf32> to vector<16xf32>
        %add3A_261 = arith.addf %get3A_256, %get3A_260 : vector<16xf32>
        %mul3A_262 = arith.constant 5.000000e-01 : f32
        %mul3A_263 = vector.broadcast %mul3A_262 : f32 to vector<16xf32>
        %mul3A_264 = arith.mulf %add3A_261, %mul3A_263 : vector<16xf32>
        %get3A_265 = arith.index_cast %scan3A_78 : i32 to index
        %get3A_266 = arith.constant 112 : index
        %get3A_267 = tpu.vector_load %arg8[%get3A_265, %get3A_266] {strides = array<i32>} : memref<200x128xf32, #tpu.memory_space<vmem>>, vector<1x16xf32>,
        %get3A_268 = vector.shape_cast %get3A_267 : vector<1x16xf32> to vector<16xf32>
        %add3A_269 = arith.addf %get3A_268, %mul3A_264 : vector<16xf32>
        %mul3A_270 = arith.constant 5.000000e-01 : f32
        %mul3A_271 = vector.broadcast %mul3A_270 : f32 to vector<16xf32>
        %mul3A_272 = arith.mulf %add3A_269, %mul3A_271 : vector<16xf32>
        %swap3A_273 = arith.index_cast %scan3A_78 : i32 to index
        %swap3A_274 = arith.constant 112 : index
        %swap3A_275 = tpu.vector_load %arg8[%swap3A_273, %swap3A_274] {strides = array<i32>} : memref<200x128xf32, #tpu.memory_space<vmem>>, vector<1x16xf32>,
        %swap3A_276 = vector.shape_cast %swap3A_275 : vector<1x16xf32> to vector<16xf32>
        %swap3A_277 = vector.shape_cast %mul3A_272 : vector<16xf32> to vector<1x16xf32>
        tpu.vector_store %arg8[%swap3A_273, %swap3A_274], %swap3A_277 {strides = array<i32>} : memref<200x128xf32, #tpu.memory_space<vmem>>, vector<1x16xf32>,
        %scan3A_278 = arith.constant 0 : i32
        scf.yield %scan3A_278 : i32
      }
      %scan3A_38 = arith.constant 200 : i32
      "tpu.region"() ({
        %run_scoped3A = tpu.sem_alloc : memref<!tpu.dma_semaphore, #tpu.memory_space<semaphore_mem>>
        %dma_start3A_78 = arith.constant 0 : i32
        %dma_start3A_79 = tpu.memref_slice %arg5[%add3A_6, %dma_start3A_78] : memref<10000x128xf32, #tpu.memory_space<hbm>> -> memref<200x128xf32, #tpu.memory_space<hbm>>
        %dma_start3A_80 = arith.constant 0 : i32
        %dma_start3A_81 = tpu.memref_slice %arg5[%add3A_6, %dma_start3A_80] : memref<10000x128xf32, #tpu.memory_space<hbm>> -> memref<200x128xf32, #tpu.memory_space<hbm>>
        tpu.enqueue_dma source(%arg8 : memref<200x128xf32, #tpu.memory_space<vmem>>) target(%dma_start3A_81 : memref<200x128xf32, #tpu.memory_space<hbm>>) target_semaphore(%run_scoped3A : memref<!tpu.dma_semaphore, #tpu.memory_space<semaphore_mem>>)
        %dma_wait3A_82 = arith.constant 0 : i32
        %dma_wait3A_83 = tpu.memref_slice %arg5[%add3A_6, %dma_wait3A_82] : memref<10000x128xf32, #tpu.memory_space<hbm>> -> memref<200x128xf32, #tpu.memory_space<hbm>>
        %dma_wait3A_84 = arith.constant 0 : i32
        %dma_wait3A_85 = tpu.memref_slice %arg5[%add3A_6, %dma_wait3A_84] : memref<10000x128xf32, #tpu.memory_space<hbm>> -> memref<200x128xf32, #tpu.memory_space<hbm>>
        tpu.wait_dma2 semaphore(%run_scoped3A : memref<!tpu.dma_semaphore, #tpu.memory_space<semaphore_mem>>) src(%arg8 : memref<200x128xf32, #tpu.memory_space<vmem>>) dst(%dma_wait3A_85 : memref<200x128xf32, #tpu.memory_space<hbm>>)
        tpu.yield
      }) : () -> ()
      %mul3A_39 = arith.constant 400 : i32
      %mul3A_40 = arith.muli %add3A, %mul3A_39 : i32
      %add3A_41 = arith.constant 200 : i32
      %add3A_42 = arith.addi %mul3A_40, %add3A_41 : i32
      %dma_start3A_43 = tpu.memref_slice %arg3[%add3A_42] : memref<10000xi32, #tpu.memory_space<hbm>> -> memref<200xi32, #tpu.memory_space<hbm>>
      %dma_start3A_44 = tpu.memref_slice %arg3[%add3A_42] : memref<10000xi32, #tpu.memory_space<hbm>> -> memref<200xi32, #tpu.memory_space<hbm>>
      tpu.enqueue_dma source(%dma_start3A_44 : memref<200xi32, #tpu.memory_space<hbm>>) target(%arg6 : memref<200xi32, #tpu.memory_space<vmem>>) target_semaphore(%arg11 : memref<!tpu.dma_semaphore, #tpu.memory_space<semaphore_mem>>)
      %dma_start3A_45 = tpu.memref_slice %arg4[%add3A_42] : memref<10000xi32, #tpu.memory_space<hbm>> -> memref<200xi32, #tpu.memory_space<hbm>>
      %dma_start3A_46 = tpu.memref_slice %arg4[%add3A_42] : memref<10000xi32, #tpu.memory_space<hbm>> -> memref<200xi32, #tpu.memory_space<hbm>>
      tpu.enqueue_dma source(%dma_start3A_46 : memref<200xi32, #tpu.memory_space<hbm>>) target(%arg7 : memref<200xi32, #tpu.memory_space<vmem>>) target_semaphore(%arg12 : memref<!tpu.dma_semaphore, #tpu.memory_space<semaphore_mem>>)
      %dma_start3A_47 = arith.constant 0 : i32
      %dma_start3A_48 = tpu.memref_slice %arg2[%add3A_42, %dma_start3A_47] : memref<10000x128xf32, #tpu.memory_space<hbm>> -> memref<200x128xf32, #tpu.memory_space<hbm>>
      %dma_start3A_49 = arith.constant 0 : i32
      %dma_start3A_50 = tpu.memref_slice %arg2[%add3A_42, %dma_start3A_49] : memref<10000x128xf32, #tpu.memory_space<hbm>> -> memref<200x128xf32, #tpu.memory_space<hbm>>
      tpu.enqueue_dma source(%dma_start3A_50 : memref<200x128xf32, #tpu.memory_space<hbm>>) target(%arg8 : memref<200x128xf32, #tpu.memory_space<vmem>>) target_semaphore(%arg13 : memref<!tpu.dma_semaphore, #tpu.memory_space<semaphore_mem>>)
      %dma_wait3A_51 = tpu.memref_slice %arg3[%add3A_42] : memref<10000xi32, #tpu.memory_space<hbm>> -> memref<200xi32, #tpu.memory_space<hbm>>
      %dma_wait3A_52 = tpu.memref_slice %arg3[%add3A_42] : memref<10000xi32, #tpu.memory_space<hbm>> -> memref<200xi32, #tpu.memory_space<hbm>>
      tpu.wait_dma2 semaphore(%arg11 : memref<!tpu.dma_semaphore, #tpu.memory_space<semaphore_mem>>) src(%dma_wait3A_52 : memref<200xi32, #tpu.memory_space<hbm>>) dst(%arg6 : memref<200xi32, #tpu.memory_space<vmem>>)
      %dma_wait3A_53 = tpu.memref_slice %arg4[%add3A_42] : memref<10000xi32, #tpu.memory_space<hbm>> -> memref<200xi32, #tpu.memory_space<hbm>>
      %dma_wait3A_54 = tpu.memref_slice %arg4[%add3A_42] : memref<10000xi32, #tpu.memory_space<hbm>> -> memref<200xi32, #tpu.memory_space<hbm>>
      tpu.wait_dma2 semaphore(%arg12 : memref<!tpu.dma_semaphore, #tpu.memory_space<semaphore_mem>>) src(%dma_wait3A_54 : memref<200xi32, #tpu.memory_space<hbm>>) dst(%arg7 : memref<200xi32, #tpu.memory_space<vmem>>)
      %dma_start3A_55 = arith.constant 0 : i32
      %dma_start3A_56 = arith.constant 0 : i32
      %dma_start3A_57 = tpu.memref_slice %arg2[%dma_start3A_55, %dma_start3A_56] : memref<10000x128xf32, #tpu.memory_space<hbm>> -> memref<10000x128xf32, #tpu.memory_space<hbm>>
      tpu.enqueue_indirect_dma source(%dma_start3A_57 : memref<10000x128xf32, #tpu.memory_space<hbm>>) target(%arg9 : memref<200x128xf32, #tpu.memory_space<vmem>>) offsets(%arg6 : memref<200xi32, #tpu.memory_space<vmem>>) semaphore(%arg11 : memref<!tpu.dma_semaphore, #tpu.memory_space<semaphore_mem>>)
      %dma_start3A_58 = arith.constant 0 : i32
      %dma_start3A_59 = arith.constant 0 : i32
      %dma_start3A_60 = tpu.memref_slice %arg2[%dma_start3A_58, %dma_start3A_59] : memref<10000x128xf32, #tpu.memory_space<hbm>> -> memref<10000x128xf32, #tpu.memory_space<hbm>>
      tpu.enqueue_indirect_dma source(%dma_start3A_60 : memref<10000x128xf32, #tpu.memory_space<hbm>>) target(%arg10 : memref<200x128xf32, #tpu.memory_space<vmem>>) offsets(%arg7 : memref<200xi32, #tpu.memory_space<vmem>>) semaphore(%arg12 : memref<!tpu.dma_semaphore, #tpu.memory_space<semaphore_mem>>)
      %dma_wait3A_61 = arith.constant 0 : i32
      %dma_wait3A_62 = tpu.memref_slice %arg2[%add3A_42, %dma_wait3A_61] : memref<10000x128xf32, #tpu.memory_space<hbm>> -> memref<200x128xf32, #tpu.memory_space<hbm>>
      %dma_wait3A_63 = arith.constant 0 : i32
      %dma_wait3A_64 = tpu.memref_slice %arg2[%add3A_42, %dma_wait3A_63] : memref<10000x128xf32, #tpu.memory_space<hbm>> -> memref<200x128xf32, #tpu.memory_space<hbm>>
      tpu.wait_dma2 semaphore(%arg13 : memref<!tpu.dma_semaphore, #tpu.memory_space<semaphore_mem>>) src(%dma_wait3A_64 : memref<200x128xf32, #tpu.memory_space<hbm>>) dst(%arg8 : memref<200x128xf32, #tpu.memory_space<vmem>>)
      %dma_wait3A_65 = arith.constant 0 : i32
      %dma_wait3A_66 = arith.constant 0 : i32
      %dma_wait3A_67 = tpu.memref_slice %arg2[%dma_wait3A_65, %dma_wait3A_66] : memref<10000x128xf32, #tpu.memory_space<hbm>> -> memref<10000x128xf32, #tpu.memory_space<hbm>>
      tpu.wait_indirect_dma semaphore(%arg11 : memref<!tpu.dma_semaphore, #tpu.memory_space<semaphore_mem>>) src(%dma_wait3A_67 : memref<10000x128xf32, #tpu.memory_space<hbm>>) dst(%arg9 : memref<200x128xf32, #tpu.memory_space<vmem>>)
      %dma_wait3A_68 = arith.constant 0 : i32
      %dma_wait3A_69 = arith.constant 0 : i32
      %dma_wait3A_70 = tpu.memref_slice %arg2[%dma_wait3A_68, %dma_wait3A_69] : memref<10000x128xf32, #tpu.memory_space<hbm>> -> memref<10000x128xf32, #tpu.memory_space<hbm>>
      tpu.wait_indirect_dma semaphore(%arg12 : memref<!tpu.dma_semaphore, #tpu.memory_space<semaphore_mem>>) src(%dma_wait3A_70 : memref<10000x128xf32, #tpu.memory_space<hbm>>) dst(%arg10 : memref<200x128xf32, #tpu.memory_space<vmem>>)
      %scan3A_71 = arith.constant 0 : i32
      %scan3A_72 = arith.constant 0 : i32
      %scan3A_73 = arith.constant 200 : i32
      %scan3A_74 = arith.addi %scan3A_72, %scan3A_73 : i32
      %scan3A_75 = arith.constant 1 : i32
      %scan3A_76 = scf.for %scan3A_78 = %scan3A_72 to %scan3A_74 step %scan3A_75 iter_args(%scan3A_79 = %scan3A_71) -> (i32)  : i32 {
        %get3A = arith.index_cast %scan3A_78 : i32 to index
        %get3A_80 = arith.constant 0 : index
        %get3A_81 = tpu.vector_load %arg9[%get3A, %get3A_80] {strides = array<i32>} : memref<200x128xf32, #tpu.memory_space<vmem>>, vector<1x16xf32>,
        %get3A_82 = vector.shape_cast %get3A_81 : vector<1x16xf32> to vector<16xf32>
        %get3A_83 = arith.index_cast %scan3A_78 : i32 to index
        %get3A_84 = arith.constant 0 : index
        %get3A_85 = tpu.vector_load %arg10[%get3A_83, %get3A_84] {strides = array<i32>} : memref<200x128xf32, #tpu.memory_space<vmem>>, vector<1x16xf32>,
        %get3A_86 = vector.shape_cast %get3A_85 : vector<1x16xf32> to vector<16xf32>
        %add3A_87 = arith.addf %get3A_82, %get3A_86 : vector<16xf32>
        %mul3A_88 = arith.constant 5.000000e-01 : f32
        %mul3A_89 = vector.broadcast %mul3A_88 : f32 to vector<16xf32>
        %mul3A_90 = arith.mulf %add3A_87, %mul3A_89 : vector<16xf32>
        %get3A_91 = arith.index_cast %scan3A_78 : i32 to index
        %get3A_92 = arith.constant 0 : index
        %get3A_93 = tpu.vector_load %arg8[%get3A_91, %get3A_92] {strides = array<i32>} : memref<200x128xf32, #tpu.memory_space<vmem>>, vector<1x16xf32>,
        %get3A_94 = vector.shape_cast %get3A_93 : vector<1x16xf32> to vector<16xf32>
        %add3A_95 = arith.addf %get3A_94, %mul3A_90 : vector<16xf32>
        %mul3A_96 = arith.constant 5.000000e-01 : f32
        %mul3A_97 = vector.broadcast %mul3A_96 : f32 to vector<16xf32>
        %mul3A_98 = arith.mulf %add3A_95, %mul3A_97 : vector<16xf32>
        %swap3A = arith.index_cast %scan3A_78 : i32 to index
        %swap3A_99 = arith.constant 0 : index
        %swap3A_100 = tpu.vector_load %arg8[%swap3A, %swap3A_99] {strides = array<i32>} : memref<200x128xf32, #tpu.memory_space<vmem>>, vector<1x16xf32>,
        %swap3A_101 = vector.shape_cast %swap3A_100 : vector<1x16xf32> to vector<16xf32>
        %swap3A_102 = vector.shape_cast %mul3A_98 : vector<16xf32> to vector<1x16xf32>
        tpu.vector_store %arg8[%swap3A, %swap3A_99], %swap3A_102 {strides = array<i32>} : memref<200x128xf32, #tpu.memory_space<vmem>>, vector<1x16xf32>,
        %get3A_103 = arith.index_cast %scan3A_78 : i32 to index
        %get3A_104 = arith.constant 16 : index
        %get3A_105 = tpu.vector_load %arg9[%get3A_103, %get3A_104] {strides = array<i32>} : memref<200x128xf32, #tpu.memory_space<vmem>>, vector<1x16xf32>,
        %get3A_106 = vector.shape_cast %get3A_105 : vector<1x16xf32> to vector<16xf32>
        %get3A_107 = arith.index_cast %scan3A_78 : i32 to index
        %get3A_108 = arith.constant 16 : index
        %get3A_109 = tpu.vector_load %arg10[%get3A_107, %get3A_108] {strides = array<i32>} : memref<200x128xf32, #tpu.memory_space<vmem>>, vector<1x16xf32>,
        %get3A_110 = vector.shape_cast %get3A_109 : vector<1x16xf32> to vector<16xf32>
        %add3A_111 = arith.addf %get3A_106, %get3A_110 : vector<16xf32>
        %mul3A_112 = arith.constant 5.000000e-01 : f32
        %mul3A_113 = vector.broadcast %mul3A_112 : f32 to vector<16xf32>
        %mul3A_114 = arith.mulf %add3A_111, %mul3A_113 : vector<16xf32>
        %get3A_115 = arith.index_cast %scan3A_78 : i32 to index
        %get3A_116 = arith.constant 16 : index
        %get3A_117 = tpu.vector_load %arg8[%get3A_115, %get3A_116] {strides = array<i32>} : memref<200x128xf32, #tpu.memory_space<vmem>>, vector<1x16xf32>,
        %get3A_118 = vector.shape_cast %get3A_117 : vector<1x16xf32> to vector<16xf32>
        %add3A_119 = arith.addf %get3A_118, %mul3A_114 : vector<16xf32>
        %mul3A_120 = arith.constant 5.000000e-01 : f32
        %mul3A_121 = vector.broadcast %mul3A_120 : f32 to vector<16xf32>
        %mul3A_122 = arith.mulf %add3A_119, %mul3A_121 : vector<16xf32>
        %swap3A_123 = arith.index_cast %scan3A_78 : i32 to index
        %swap3A_124 = arith.constant 16 : index
        %swap3A_125 = tpu.vector_load %arg8[%swap3A_123, %swap3A_124] {strides = array<i32>} : memref<200x128xf32, #tpu.memory_space<vmem>>, vector<1x16xf32>,
        %swap3A_126 = vector.shape_cast %swap3A_125 : vector<1x16xf32> to vector<16xf32>
        %swap3A_127 = vector.shape_cast %mul3A_122 : vector<16xf32> to vector<1x16xf32>
        tpu.vector_store %arg8[%swap3A_123, %swap3A_124], %swap3A_127 {strides = array<i32>} : memref<200x128xf32, #tpu.memory_space<vmem>>, vector<1x16xf32>,
        %get3A_128 = arith.index_cast %scan3A_78 : i32 to index
        %get3A_129 = arith.constant 32 : index
        %get3A_130 = tpu.vector_load %arg9[%get3A_128, %get3A_129] {strides = array<i32>} : memref<200x128xf32, #tpu.memory_space<vmem>>, vector<1x16xf32>,
        %get3A_131 = vector.shape_cast %get3A_130 : vector<1x16xf32> to vector<16xf32>
        %get3A_132 = arith.index_cast %scan3A_78 : i32 to index
        %get3A_133 = arith.constant 32 : index
        %get3A_134 = tpu.vector_load %arg10[%get3A_132, %get3A_133] {strides = array<i32>} : memref<200x128xf32, #tpu.memory_space<vmem>>, vector<1x16xf32>,
        %get3A_135 = vector.shape_cast %get3A_134 : vector<1x16xf32> to vector<16xf32>
        %add3A_136 = arith.addf %get3A_131, %get3A_135 : vector<16xf32>
        %mul3A_137 = arith.constant 5.000000e-01 : f32
        %mul3A_138 = vector.broadcast %mul3A_137 : f32 to vector<16xf32>
        %mul3A_139 = arith.mulf %add3A_136, %mul3A_138 : vector<16xf32>
        %get3A_140 = arith.index_cast %scan3A_78 : i32 to index
        %get3A_141 = arith.constant 32 : index
        %get3A_142 = tpu.vector_load %arg8[%get3A_140, %get3A_141] {strides = array<i32>} : memref<200x128xf32, #tpu.memory_space<vmem>>, vector<1x16xf32>,
        %get3A_143 = vector.shape_cast %get3A_142 : vector<1x16xf32> to vector<16xf32>
        %add3A_144 = arith.addf %get3A_143, %mul3A_139 : vector<16xf32>
        %mul3A_145 = arith.constant 5.000000e-01 : f32
        %mul3A_146 = vector.broadcast %mul3A_145 : f32 to vector<16xf32>
        %mul3A_147 = arith.mulf %add3A_144, %mul3A_146 : vector<16xf32>
        %swap3A_148 = arith.index_cast %scan3A_78 : i32 to index
        %swap3A_149 = arith.constant 32 : index
        %swap3A_150 = tpu.vector_load %arg8[%swap3A_148, %swap3A_149] {strides = array<i32>} : memref<200x128xf32, #tpu.memory_space<vmem>>, vector<1x16xf32>,
        %swap3A_151 = vector.shape_cast %swap3A_150 : vector<1x16xf32> to vector<16xf32>
        %swap3A_152 = vector.shape_cast %mul3A_147 : vector<16xf32> to vector<1x16xf32>
        tpu.vector_store %arg8[%swap3A_148, %swap3A_149], %swap3A_152 {strides = array<i32>} : memref<200x128xf32, #tpu.memory_space<vmem>>, vector<1x16xf32>,
        %get3A_153 = arith.index_cast %scan3A_78 : i32 to index
        %get3A_154 = arith.constant 48 : index
        %get3A_155 = tpu.vector_load %arg9[%get3A_153, %get3A_154] {strides = array<i32>} : memref<200x128xf32, #tpu.memory_space<vmem>>, vector<1x16xf32>,
        %get3A_156 = vector.shape_cast %get3A_155 : vector<1x16xf32> to vector<16xf32>
        %get3A_157 = arith.index_cast %scan3A_78 : i32 to index
        %get3A_158 = arith.constant 48 : index
        %get3A_159 = tpu.vector_load %arg10[%get3A_157, %get3A_158] {strides = array<i32>} : memref<200x128xf32, #tpu.memory_space<vmem>>, vector<1x16xf32>,
        %get3A_160 = vector.shape_cast %get3A_159 : vector<1x16xf32> to vector<16xf32>
        %add3A_161 = arith.addf %get3A_156, %get3A_160 : vector<16xf32>
        %mul3A_162 = arith.constant 5.000000e-01 : f32
        %mul3A_163 = vector.broadcast %mul3A_162 : f32 to vector<16xf32>
        %mul3A_164 = arith.mulf %add3A_161, %mul3A_163 : vector<16xf32>
        %get3A_165 = arith.index_cast %scan3A_78 : i32 to index
        %get3A_166 = arith.constant 48 : index
        %get3A_167 = tpu.vector_load %arg8[%get3A_165, %get3A_166] {strides = array<i32>} : memref<200x128xf32, #tpu.memory_space<vmem>>, vector<1x16xf32>,
        %get3A_168 = vector.shape_cast %get3A_167 : vector<1x16xf32> to vector<16xf32>
        %add3A_169 = arith.addf %get3A_168, %mul3A_164 : vector<16xf32>
        %mul3A_170 = arith.constant 5.000000e-01 : f32
        %mul3A_171 = vector.broadcast %mul3A_170 : f32 to vector<16xf32>
        %mul3A_172 = arith.mulf %add3A_169, %mul3A_171 : vector<16xf32>
        %swap3A_173 = arith.index_cast %scan3A_78 : i32 to index
        %swap3A_174 = arith.constant 48 : index
        %swap3A_175 = tpu.vector_load %arg8[%swap3A_173, %swap3A_174] {strides = array<i32>} : memref<200x128xf32, #tpu.memory_space<vmem>>, vector<1x16xf32>,
        %swap3A_176 = vector.shape_cast %swap3A_175 : vector<1x16xf32> to vector<16xf32>
        %swap3A_177 = vector.shape_cast %mul3A_172 : vector<16xf32> to vector<1x16xf32>
        tpu.vector_store %arg8[%swap3A_173, %swap3A_174], %swap3A_177 {strides = array<i32>} : memref<200x128xf32, #tpu.memory_space<vmem>>, vector<1x16xf32>,
        %get3A_178 = arith.index_cast %scan3A_78 : i32 to index
        %get3A_179 = arith.constant 64 : index
        %get3A_180 = tpu.vector_load %arg9[%get3A_178, %get3A_179] {strides = array<i32>} : memref<200x128xf32, #tpu.memory_space<vmem>>, vector<1x16xf32>,
        %get3A_181 = vector.shape_cast %get3A_180 : vector<1x16xf32> to vector<16xf32>
        %get3A_182 = arith.index_cast %scan3A_78 : i32 to index
        %get3A_183 = arith.constant 64 : index
        %get3A_184 = tpu.vector_load %arg10[%get3A_182, %get3A_183] {strides = array<i32>} : memref<200x128xf32, #tpu.memory_space<vmem>>, vector<1x16xf32>,
        %get3A_185 = vector.shape_cast %get3A_184 : vector<1x16xf32> to vector<16xf32>
        %add3A_186 = arith.addf %get3A_181, %get3A_185 : vector<16xf32>
        %mul3A_187 = arith.constant 5.000000e-01 : f32
        %mul3A_188 = vector.broadcast %mul3A_187 : f32 to vector<16xf32>
        %mul3A_189 = arith.mulf %add3A_186, %mul3A_188 : vector<16xf32>
        %get3A_190 = arith.index_cast %scan3A_78 : i32 to index
        %get3A_191 = arith.constant 64 : index
        %get3A_192 = tpu.vector_load %arg8[%get3A_190, %get3A_191] {strides = array<i32>} : memref<200x128xf32, #tpu.memory_space<vmem>>, vector<1x16xf32>,
        %get3A_193 = vector.shape_cast %get3A_192 : vector<1x16xf32> to vector<16xf32>
        %add3A_194 = arith.addf %get3A_193, %mul3A_189 : vector<16xf32>
        %mul3A_195 = arith.constant 5.000000e-01 : f32
        %mul3A_196 = vector.broadcast %mul3A_195 : f32 to vector<16xf32>
        %mul3A_197 = arith.mulf %add3A_194, %mul3A_196 : vector<16xf32>
        %swap3A_198 = arith.index_cast %scan3A_78 : i32 to index
        %swap3A_199 = arith.constant 64 : index
        %swap3A_200 = tpu.vector_load %arg8[%swap3A_198, %swap3A_199] {strides = array<i32>} : memref<200x128xf32, #tpu.memory_space<vmem>>, vector<1x16xf32>,
        %swap3A_201 = vector.shape_cast %swap3A_200 : vector<1x16xf32> to vector<16xf32>
        %swap3A_202 = vector.shape_cast %mul3A_197 : vector<16xf32> to vector<1x16xf32>
        tpu.vector_store %arg8[%swap3A_198, %swap3A_199], %swap3A_202 {strides = array<i32>} : memref<200x128xf32, #tpu.memory_space<vmem>>, vector<1x16xf32>,
        %get3A_203 = arith.index_cast %scan3A_78 : i32 to index
        %get3A_204 = arith.constant 80 : index
        %get3A_205 = tpu.vector_load %arg9[%get3A_203, %get3A_204] {strides = array<i32>} : memref<200x128xf32, #tpu.memory_space<vmem>>, vector<1x16xf32>,
        %get3A_206 = vector.shape_cast %get3A_205 : vector<1x16xf32> to vector<16xf32>
        %get3A_207 = arith.index_cast %scan3A_78 : i32 to index
        %get3A_208 = arith.constant 80 : index
        %get3A_209 = tpu.vector_load %arg10[%get3A_207, %get3A_208] {strides = array<i32>} : memref<200x128xf32, #tpu.memory_space<vmem>>, vector<1x16xf32>,
        %get3A_210 = vector.shape_cast %get3A_209 : vector<1x16xf32> to vector<16xf32>
        %add3A_211 = arith.addf %get3A_206, %get3A_210 : vector<16xf32>
        %mul3A_212 = arith.constant 5.000000e-01 : f32
        %mul3A_213 = vector.broadcast %mul3A_212 : f32 to vector<16xf32>
        %mul3A_214 = arith.mulf %add3A_211, %mul3A_213 : vector<16xf32>
        %get3A_215 = arith.index_cast %scan3A_78 : i32 to index
        %get3A_216 = arith.constant 80 : index
        %get3A_217 = tpu.vector_load %arg8[%get3A_215, %get3A_216] {strides = array<i32>} : memref<200x128xf32, #tpu.memory_space<vmem>>, vector<1x16xf32>,
        %get3A_218 = vector.shape_cast %get3A_217 : vector<1x16xf32> to vector<16xf32>
        %add3A_219 = arith.addf %get3A_218, %mul3A_214 : vector<16xf32>
        %mul3A_220 = arith.constant 5.000000e-01 : f32
        %mul3A_221 = vector.broadcast %mul3A_220 : f32 to vector<16xf32>
        %mul3A_222 = arith.mulf %add3A_219, %mul3A_221 : vector<16xf32>
        %swap3A_223 = arith.index_cast %scan3A_78 : i32 to index
        %swap3A_224 = arith.constant 80 : index
        %swap3A_225 = tpu.vector_load %arg8[%swap3A_223, %swap3A_224] {strides = array<i32>} : memref<200x128xf32, #tpu.memory_space<vmem>>, vector<1x16xf32>,
        %swap3A_226 = vector.shape_cast %swap3A_225 : vector<1x16xf32> to vector<16xf32>
        %swap3A_227 = vector.shape_cast %mul3A_222 : vector<16xf32> to vector<1x16xf32>
        tpu.vector_store %arg8[%swap3A_223, %swap3A_224], %swap3A_227 {strides = array<i32>} : memref<200x128xf32, #tpu.memory_space<vmem>>, vector<1x16xf32>,
        %get3A_228 = arith.index_cast %scan3A_78 : i32 to index
        %get3A_229 = arith.constant 96 : index
        %get3A_230 = tpu.vector_load %arg9[%get3A_228, %get3A_229] {strides = array<i32>} : memref<200x128xf32, #tpu.memory_space<vmem>>, vector<1x16xf32>,
        %get3A_231 = vector.shape_cast %get3A_230 : vector<1x16xf32> to vector<16xf32>
        %get3A_232 = arith.index_cast %scan3A_78 : i32 to index
        %get3A_233 = arith.constant 96 : index
        %get3A_234 = tpu.vector_load %arg10[%get3A_232, %get3A_233] {strides = array<i32>} : memref<200x128xf32, #tpu.memory_space<vmem>>, vector<1x16xf32>,
        %get3A_235 = vector.shape_cast %get3A_234 : vector<1x16xf32> to vector<16xf32>
        %add3A_236 = arith.addf %get3A_231, %get3A_235 : vector<16xf32>
        %mul3A_237 = arith.constant 5.000000e-01 : f32
        %mul3A_238 = vector.broadcast %mul3A_237 : f32 to vector<16xf32>
        %mul3A_239 = arith.mulf %add3A_236, %mul3A_238 : vector<16xf32>
        %get3A_240 = arith.index_cast %scan3A_78 : i32 to index
        %get3A_241 = arith.constant 96 : index
        %get3A_242 = tpu.vector_load %arg8[%get3A_240, %get3A_241] {strides = array<i32>} : memref<200x128xf32, #tpu.memory_space<vmem>>, vector<1x16xf32>,
        %get3A_243 = vector.shape_cast %get3A_242 : vector<1x16xf32> to vector<16xf32>
        %add3A_244 = arith.addf %get3A_243, %mul3A_239 : vector<16xf32>
        %mul3A_245 = arith.constant 5.000000e-01 : f32
        %mul3A_246 = vector.broadcast %mul3A_245 : f32 to vector<16xf32>
        %mul3A_247 = arith.mulf %add3A_244, %mul3A_246 : vector<16xf32>
        %swap3A_248 = arith.index_cast %scan3A_78 : i32 to index
        %swap3A_249 = arith.constant 96 : index
        %swap3A_250 = tpu.vector_load %arg8[%swap3A_248, %swap3A_249] {strides = array<i32>} : memref<200x128xf32, #tpu.memory_space<vmem>>, vector<1x16xf32>,
        %swap3A_251 = vector.shape_cast %swap3A_250 : vector<1x16xf32> to vector<16xf32>
        %swap3A_252 = vector.shape_cast %mul3A_247 : vector<16xf32> to vector<1x16xf32>
        tpu.vector_store %arg8[%swap3A_248, %swap3A_249], %swap3A_252 {strides = array<i32>} : memref<200x128xf32, #tpu.memory_space<vmem>>, vector<1x16xf32>,
        %get3A_253 = arith.index_cast %scan3A_78 : i32 to index
        %get3A_254 = arith.constant 112 : index
        %get3A_255 = tpu.vector_load %arg9[%get3A_253, %get3A_254] {strides = array<i32>} : memref<200x128xf32, #tpu.memory_space<vmem>>, vector<1x16xf32>,
        %get3A_256 = vector.shape_cast %get3A_255 : vector<1x16xf32> to vector<16xf32>
        %get3A_257 = arith.index_cast %scan3A_78 : i32 to index
        %get3A_258 = arith.constant 112 : index
        %get3A_259 = tpu.vector_load %arg10[%get3A_257, %get3A_258] {strides = array<i32>} : memref<200x128xf32, #tpu.memory_space<vmem>>, vector<1x16xf32>,
        %get3A_260 = vector.shape_cast %get3A_259 : vector<1x16xf32> to vector<16xf32>
        %add3A_261 = arith.addf %get3A_256, %get3A_260 : vector<16xf32>
        %mul3A_262 = arith.constant 5.000000e-01 : f32
        %mul3A_263 = vector.broadcast %mul3A_262 : f32 to vector<16xf32>
        %mul3A_264 = arith.mulf %add3A_261, %mul3A_263 : vector<16xf32>
        %get3A_265 = arith.index_cast %scan3A_78 : i32 to index
        %get3A_266 = arith.constant 112 : index
        %get3A_267 = tpu.vector_load %arg8[%get3A_265, %get3A_266] {strides = array<i32>} : memref<200x128xf32, #tpu.memory_space<vmem>>, vector<1x16xf32>,
        %get3A_268 = vector.shape_cast %get3A_267 : vector<1x16xf32> to vector<16xf32>
        %add3A_269 = arith.addf %get3A_268, %mul3A_264 : vector<16xf32>
        %mul3A_270 = arith.constant 5.000000e-01 : f32
        %mul3A_271 = vector.broadcast %mul3A_270 : f32 to vector<16xf32>
        %mul3A_272 = arith.mulf %add3A_269, %mul3A_271 : vector<16xf32>
        %swap3A_273 = arith.index_cast %scan3A_78 : i32 to index
        %swap3A_274 = arith.constant 112 : index
        %swap3A_275 = tpu.vector_load %arg8[%swap3A_273, %swap3A_274] {strides = array<i32>} : memref<200x128xf32, #tpu.memory_space<vmem>>, vector<1x16xf32>,
        %swap3A_276 = vector.shape_cast %swap3A_275 : vector<1x16xf32> to vector<16xf32>
        %swap3A_277 = vector.shape_cast %mul3A_272 : vector<16xf32> to vector<1x16xf32>
        tpu.vector_store %arg8[%swap3A_273, %swap3A_274], %swap3A_277 {strides = array<i32>} : memref<200x128xf32, #tpu.memory_space<vmem>>, vector<1x16xf32>,
        %scan3A_278 = arith.constant 0 : i32
        scf.yield %scan3A_278 : i32
      }
      %scan3A_77 = arith.constant 200 : i32
      "tpu.region"() ({
        %run_scoped3A = tpu.sem_alloc : memref<!tpu.dma_semaphore, #tpu.memory_space<semaphore_mem>>
        %dma_start3A_78 = arith.constant 0 : i32
        %dma_start3A_79 = tpu.memref_slice %arg5[%add3A_42, %dma_start3A_78] : memref<10000x128xf32, #tpu.memory_space<hbm>> -> memref<200x128xf32, #tpu.memory_space<hbm>>
        %dma_start3A_80 = arith.constant 0 : i32
        %dma_start3A_81 = tpu.memref_slice %arg5[%add3A_42, %dma_start3A_80] : memref<10000x128xf32, #tpu.memory_space<hbm>> -> memref<200x128xf32, #tpu.memory_space<hbm>>
        tpu.enqueue_dma source(%arg8 : memref<200x128xf32, #tpu.memory_space<vmem>>) target(%dma_start3A_81 : memref<200x128xf32, #tpu.memory_space<hbm>>) target_semaphore(%run_scoped3A : memref<!tpu.dma_semaphore, #tpu.memory_space<semaphore_mem>>)
        %dma_wait3A_82 = arith.constant 0 : i32
        %dma_wait3A_83 = tpu.memref_slice %arg5[%add3A_42, %dma_wait3A_82] : memref<10000x128xf32, #tpu.memory_space<hbm>> -> memref<200x128xf32, #tpu.memory_space<hbm>>
        %dma_wait3A_84 = arith.constant 0 : i32
        %dma_wait3A_85 = tpu.memref_slice %arg5[%add3A_42, %dma_wait3A_84] : memref<10000x128xf32, #tpu.memory_space<hbm>> -> memref<200x128xf32, #tpu.memory_space<hbm>>
        tpu.wait_dma2 semaphore(%run_scoped3A : memref<!tpu.dma_semaphore, #tpu.memory_space<semaphore_mem>>) src(%arg8 : memref<200x128xf32, #tpu.memory_space<vmem>>) dst(%dma_wait3A_85 : memref<200x128xf32, #tpu.memory_space<hbm>>)
        tpu.yield
      }) : () -> ()
    } else {
    }
    return
  }
}

module attributes {stable_mosaic.version = 14 : i64} {
  func.func @_top2_body(%arg0: i32, %arg1: i32, %arg2: memref<1000x2048xf32, #tpu.memory_space<vmem>>, %arg3: memref<1000x8xi32, #tpu.memory_space<vmem>>, %arg4: memref<1000x1xf32, #tpu.memory_space<vmem>>, %arg5: memref<1000x1xi32, #tpu.memory_space<vmem>>, %arg6: memref<1000x1xf32, #tpu.memory_space<vmem>>, %arg7: memref<1000x1xi32, #tpu.memory_space<vmem>>) attributes {dimension_semantics = [#tpu.dimension_semantics<parallel>, #tpu.dimension_semantics<arbitrary>], iteration_bounds = array<i64: 10, 5>, scalar_prefetch = 0 : i64, scratch_operands = 4 : i64, tpu.core_type = #tpu.core_type<tc>, window_params = [{transform_indices = @transform_0, window_bounds = array<i64: 1000, 2048>}, {transform_indices = @transform_1, window_bounds = array<i64: 1000, 8>}]} {
    %get3A = arith.constant 0 : index
    %get3A_0 = arith.constant 0 : index
    %get3A_1 = vector.load %arg2[%get3A, %get3A_0] : memref<1000x2048xf32, #tpu.memory_space<vmem>>, vector<1000x2048xf32>
    %iota3A = tpu.iota {dimensions = array<i32: 1>} : vector<1000x2048xi32>
    %convert_element_type3A = arith.sitofp %iota3A : vector<1000x2048xi32> to vector<1000x2048xf32>
    %mul3A = arith.constant 2048 : i32
    %mul3A_2 = arith.muli %arg1, %mul3A : i32
    %sub3A = arith.constant 10000 : i32
    %sub3A_3 = arith.subi %sub3A, %mul3A_2 : i32
    %convert_element_type3A_4 = arith.sitofp %sub3A_3 : i32 to f32
    %lt3A = vector.broadcast %convert_element_type3A_4 : f32 to vector<1000x2048xf32>
    %lt3A_5 = arith.cmpf olt, %convert_element_type3A, %lt3A : vector<1000x2048xf32>
    %jit3A = arith.constant 0xFF800000 : f32
    %broadcast_in_dim3A = vector.broadcast %jit3A : f32 to vector<1000x2048xf32>
    %select_n3A = arith.select %lt3A_5, %get3A_1, %broadcast_in_dim3A : vector<1000x2048xi1>, vector<1000x2048xf32>
    %reduce_max3A = arith.constant dense<0xFF800000> : vector<1000xf32>
    %reduce_max3A_6 = vector.multi_reduction <maximumf>, %select_n3A, %reduce_max3A [1] : vector<1000x2048xf32> to vector<1000xf32>
    %broadcast_in_dim3A_7 = vector.shape_cast %reduce_max3A_6 : vector<1000xf32> to vector<1000x1xf32>
    %eq3A = vector.broadcast %broadcast_in_dim3A_7 : vector<1000x1xf32> to vector<1000x2048xf32>
    %eq3A_8 = arith.cmpf oeq, %select_n3A, %eq3A : vector<1000x2048xf32>
    %jit3A_9 = arith.constant 4.096000e+03 : f32
    %broadcast_in_dim3A_10 = vector.broadcast %jit3A_9 : f32 to vector<1000x2048xf32>
    %select_n3A_11 = arith.select %eq3A_8, %convert_element_type3A, %broadcast_in_dim3A_10 : vector<1000x2048xi1>, vector<1000x2048xf32>
    %reduce_min3A = arith.constant dense<0x7F800000> : vector<1000xf32>
    %reduce_min3A_12 = vector.multi_reduction <minimumf>, %select_n3A_11, %reduce_min3A [1] : vector<1000x2048xf32> to vector<1000xf32>
    %broadcast_in_dim3A_13 = vector.shape_cast %reduce_min3A_12 : vector<1000xf32> to vector<1000x1xf32>
    %eq3A_14 = vector.broadcast %broadcast_in_dim3A_13 : vector<1000x1xf32> to vector<1000x2048xf32>
    %eq3A_15 = arith.cmpf oeq, %convert_element_type3A, %eq3A_14 : vector<1000x2048xf32>
    %jit3A_16 = arith.constant 0xFF800000 : f32
    %broadcast_in_dim3A_17 = vector.broadcast %jit3A_16 : f32 to vector<1000x2048xf32>
    %select_n3A_18 = arith.select %eq3A_15, %broadcast_in_dim3A_17, %select_n3A : vector<1000x2048xi1>, vector<1000x2048xf32>
    %reduce_max3A_19 = arith.constant dense<0xFF800000> : vector<1000xf32>
    %reduce_max3A_20 = vector.multi_reduction <maximumf>, %select_n3A_18, %reduce_max3A_19 [1] : vector<1000x2048xf32> to vector<1000xf32>
    %broadcast_in_dim3A_21 = vector.shape_cast %reduce_max3A_20 : vector<1000xf32> to vector<1000x1xf32>
    %eq3A_22 = vector.broadcast %broadcast_in_dim3A_21 : vector<1000x1xf32> to vector<1000x2048xf32>
    %eq3A_23 = arith.cmpf oeq, %select_n3A_18, %eq3A_22 : vector<1000x2048xf32>
    %jit3A_24 = arith.constant 4.096000e+03 : f32
    %broadcast_in_dim3A_25 = vector.broadcast %jit3A_24 : f32 to vector<1000x2048xf32>
    %select_n3A_26 = arith.select %eq3A_23, %convert_element_type3A, %broadcast_in_dim3A_25 : vector<1000x2048xi1>, vector<1000x2048xf32>
    %reduce_min3A_27 = arith.constant dense<0x7F800000> : vector<1000xf32>
    %reduce_min3A_28 = vector.multi_reduction <minimumf>, %select_n3A_26, %reduce_min3A_27 [1] : vector<1000x2048xf32> to vector<1000xf32>
    %broadcast_in_dim3A_29 = vector.shape_cast %reduce_min3A_28 : vector<1000xf32> to vector<1000x1xf32>
    %mul3A_30 = arith.constant 2048 : i32
    %mul3A_31 = arith.muli %arg1, %mul3A_30 : i32
    %convert_element_type3A_32 = arith.fptosi %broadcast_in_dim3A_13 : vector<1000x1xf32> to vector<1000x1xi32>
    %add3A = vector.broadcast %mul3A_31 : i32 to vector<1000x1xi32>
    %add3A_33 = arith.addi %convert_element_type3A_32, %add3A : vector<1000x1xi32>
    %convert_element_type3A_34 = arith.fptosi %broadcast_in_dim3A_29 : vector<1000x1xf32> to vector<1000x1xi32>
    %add3A_35 = vector.broadcast %mul3A_31 : i32 to vector<1000x1xi32>
    %add3A_36 = arith.addi %convert_element_type3A_34, %add3A_35 : vector<1000x1xi32>
    %eq3A_37 = arith.constant 0 : i32
    %eq3A_38 = arith.cmpi eq, %arg1, %eq3A_37 : i32
    %convert_element_type3A_39 = arith.extui %eq3A_38 : i1 to i32
    %cond3A = arith.constant 0 : i32
    %cond3A_40 = arith.cmpi ne, %convert_element_type3A_39, %cond3A : i32
    scf.if %cond3A_40 {
      %swap3A = arith.constant 0 : index
      %swap3A_50 = arith.constant 0 : index
      %swap3A_51 = vector.load %arg4[%swap3A, %swap3A_50] : memref<1000x1xf32, #tpu.memory_space<vmem>>, vector<1000x1xf32>
      tpu.vector_store %arg4[%swap3A, %swap3A_50], %broadcast_in_dim3A_7 {strides = array<i32>} : memref<1000x1xf32, #tpu.memory_space<vmem>>, vector<1000x1xf32>,
      %swap3A_52 = arith.constant 0 : index
      %swap3A_53 = arith.constant 0 : index
      %swap3A_54 = vector.load %arg5[%swap3A_52, %swap3A_53] : memref<1000x1xi32, #tpu.memory_space<vmem>>, vector<1000x1xi32>
      tpu.vector_store %arg5[%swap3A_52, %swap3A_53], %add3A_33 {strides = array<i32>} : memref<1000x1xi32, #tpu.memory_space<vmem>>, vector<1000x1xi32>,
      %swap3A_55 = arith.constant 0 : index
      %swap3A_56 = arith.constant 0 : index
      %swap3A_57 = vector.load %arg6[%swap3A_55, %swap3A_56] : memref<1000x1xf32, #tpu.memory_space<vmem>>, vector<1000x1xf32>
      tpu.vector_store %arg6[%swap3A_55, %swap3A_56], %broadcast_in_dim3A_21 {strides = array<i32>} : memref<1000x1xf32, #tpu.memory_space<vmem>>, vector<1000x1xf32>,
      %swap3A_58 = arith.constant 0 : index
      %swap3A_59 = arith.constant 0 : index
      %swap3A_60 = vector.load %arg7[%swap3A_58, %swap3A_59] : memref<1000x1xi32, #tpu.memory_space<vmem>>, vector<1000x1xi32>
      tpu.vector_store %arg7[%swap3A_58, %swap3A_59], %add3A_36 {strides = array<i32>} : memref<1000x1xi32, #tpu.memory_space<vmem>>, vector<1000x1xi32>,
    } else {
    }
    %gt3A = arith.constant 0 : i32
    %gt3A_41 = arith.cmpi sgt, %arg1, %gt3A : i32
    %convert_element_type3A_42 = arith.extui %gt3A_41 : i1 to i32
    %cond3A_43 = arith.constant 0 : i32
    %cond3A_44 = arith.cmpi ne, %convert_element_type3A_42, %cond3A_43 : i32
    scf.if %cond3A_44 {
      %get3A_50 = arith.constant 0 : index
      %get3A_51 = arith.constant 0 : index
      %get3A_52 = vector.load %arg4[%get3A_50, %get3A_51] : memref<1000x1xf32, #tpu.memory_space<vmem>>, vector<1000x1xf32>
      %get3A_53 = arith.constant 0 : index
      %get3A_54 = arith.constant 0 : index
      %get3A_55 = vector.load %arg5[%get3A_53, %get3A_54] : memref<1000x1xi32, #tpu.memory_space<vmem>>, vector<1000x1xi32>
      %get3A_56 = arith.constant 0 : index
      %get3A_57 = arith.constant 0 : index
      %get3A_58 = vector.load %arg6[%get3A_56, %get3A_57] : memref<1000x1xf32, #tpu.memory_space<vmem>>, vector<1000x1xf32>
      %get3A_59 = arith.constant 0 : index
      %get3A_60 = arith.constant 0 : index
      %get3A_61 = vector.load %arg7[%get3A_59, %get3A_60] : memref<1000x1xi32, #tpu.memory_space<vmem>>, vector<1000x1xi32>
      %gt3A_62 = arith.cmpf ogt, %broadcast_in_dim3A_7, %get3A_52 : vector<1000x1xf32>
      %select_n3A_63 = arith.select %gt3A_62, %get3A_52, %get3A_58 : vector<1000x1xi1>, vector<1000x1xf32>
      %select_n3A_64 = arith.select %gt3A_62, %get3A_55, %get3A_61 : vector<1000x1xi1>, vector<1000x1xi32>
      %select_n3A_65 = arith.select %gt3A_62, %broadcast_in_dim3A_21, %broadcast_in_dim3A_7 : vector<1000x1xi1>, vector<1000x1xf32>
      %select_n3A_66 = arith.select %gt3A_62, %add3A_36, %add3A_33 : vector<1000x1xi1>, vector<1000x1xi32>
      %gt3A_67 = arith.cmpf ogt, %select_n3A_65, %select_n3A_63 : vector<1000x1xf32>
      %select_n3A_68 = arith.select %gt3A_62, %broadcast_in_dim3A_7, %get3A_52 : vector<1000x1xi1>, vector<1000x1xf32>
      %swap3A = arith.constant 0 : index
      %swap3A_69 = arith.constant 0 : index
      %swap3A_70 = vector.load %arg4[%swap3A, %swap3A_69] : memref<1000x1xf32, #tpu.memory_space<vmem>>, vector<1000x1xf32>
      tpu.vector_store %arg4[%swap3A, %swap3A_69], %select_n3A_68 {strides = array<i32>} : memref<1000x1xf32, #tpu.memory_space<vmem>>, vector<1000x1xf32>,
      %select_n3A_71 = arith.select %gt3A_62, %add3A_33, %get3A_55 : vector<1000x1xi1>, vector<1000x1xi32>
      %swap3A_72 = arith.constant 0 : index
      %swap3A_73 = arith.constant 0 : index
      %swap3A_74 = vector.load %arg5[%swap3A_72, %swap3A_73] : memref<1000x1xi32, #tpu.memory_space<vmem>>, vector<1000x1xi32>
      tpu.vector_store %arg5[%swap3A_72, %swap3A_73], %select_n3A_71 {strides = array<i32>} : memref<1000x1xi32, #tpu.memory_space<vmem>>, vector<1000x1xi32>,
      %select_n3A_75 = arith.select %gt3A_67, %select_n3A_65, %select_n3A_63 : vector<1000x1xi1>, vector<1000x1xf32>
      %swap3A_76 = arith.constant 0 : index
      %swap3A_77 = arith.constant 0 : index
      %swap3A_78 = vector.load %arg6[%swap3A_76, %swap3A_77] : memref<1000x1xf32, #tpu.memory_space<vmem>>, vector<1000x1xf32>
      tpu.vector_store %arg6[%swap3A_76, %swap3A_77], %select_n3A_75 {strides = array<i32>} : memref<1000x1xf32, #tpu.memory_space<vmem>>, vector<1000x1xf32>,
      %select_n3A_79 = arith.select %gt3A_67, %select_n3A_66, %select_n3A_64 : vector<1000x1xi1>, vector<1000x1xi32>
      %swap3A_80 = arith.constant 0 : index
      %swap3A_81 = arith.constant 0 : index
      %swap3A_82 = vector.load %arg7[%swap3A_80, %swap3A_81] : memref<1000x1xi32, #tpu.memory_space<vmem>>, vector<1000x1xi32>
      tpu.vector_store %arg7[%swap3A_80, %swap3A_81], %select_n3A_79 {strides = array<i32>} : memref<1000x1xi32, #tpu.memory_space<vmem>>, vector<1000x1xi32>,
    } else {
    }
    %eq3A_45 = arith.constant 4 : i32
    %eq3A_46 = arith.cmpi eq, %arg1, %eq3A_45 : i32
    %convert_element_type3A_47 = arith.extui %eq3A_46 : i1 to i32
    %cond3A_48 = arith.constant 0 : i32
    %cond3A_49 = arith.cmpi ne, %convert_element_type3A_47, %cond3A_48 : i32
    scf.if %cond3A_49 {
      %iota3A_50 = tpu.iota {dimensions = array<i32: 1>} : vector<1000x8xi32>
      %eq3A_51 = arith.constant 0 : i32
      %eq3A_52 = vector.broadcast %eq3A_51 : i32 to vector<1000x8xi32>
      %eq3A_53 = arith.cmpi eq, %iota3A_50, %eq3A_52 : vector<1000x8xi32>
      %get3A_54 = arith.constant 0 : index
      %get3A_55 = arith.constant 0 : index
      %get3A_56 = vector.load %arg5[%get3A_54, %get3A_55] : memref<1000x1xi32, #tpu.memory_space<vmem>>, vector<1000x1xi32>
      %eq3A_57 = arith.constant 1 : i32
      %eq3A_58 = vector.broadcast %eq3A_57 : i32 to vector<1000x8xi32>
      %eq3A_59 = arith.cmpi eq, %iota3A_50, %eq3A_58 : vector<1000x8xi32>
      %get3A_60 = arith.constant 0 : index
      %get3A_61 = arith.constant 0 : index
      %get3A_62 = vector.load %arg7[%get3A_60, %get3A_61] : memref<1000x1xi32, #tpu.memory_space<vmem>>, vector<1000x1xi32>
      %jit3A_63 = arith.constant 0 : i32
      %broadcast_in_dim3A_64 = vector.shape_cast %get3A_62 : vector<1000x1xi32> to vector<1000x1xi32>
      %broadcast_in_dim3A_65 = vector.broadcast %broadcast_in_dim3A_64 : vector<1000x1xi32> to vector<1000x8xi32>
      %broadcast_in_dim3A_66 = vector.broadcast %jit3A_63 : i32 to vector<1000x8xi32>
      %select_n3A_67 = arith.select %eq3A_59, %broadcast_in_dim3A_65, %broadcast_in_dim3A_66 : vector<1000x8xi1>, vector<1000x8xi32>
      %broadcast_in_dim3A_68 = vector.shape_cast %get3A_56 : vector<1000x1xi32> to vector<1000x1xi32>
      %broadcast_in_dim3A_69 = vector.broadcast %broadcast_in_dim3A_68 : vector<1000x1xi32> to vector<1000x8xi32>
      %select_n3A_70 = arith.select %eq3A_53, %broadcast_in_dim3A_69, %select_n3A_67 : vector<1000x8xi1>, vector<1000x8xi32>
      %swap3A = arith.constant 0 : index
      %swap3A_71 = arith.constant 0 : index
      %swap3A_72 = vector.load %arg3[%swap3A, %swap3A_71] : memref<1000x8xi32, #tpu.memory_space<vmem>>, vector<1000x8xi32>
      tpu.vector_store %arg3[%swap3A, %swap3A_71], %select_n3A_70 {strides = array<i32>} : memref<1000x8xi32, #tpu.memory_space<vmem>>, vector<1000x8xi32>,
    } else {
    }
    return
  }
  func.func @transform_0(%arg0: i32, %arg1: i32) -> (i32, i32) {
    %c0_i32 = arith.constant 0 : i32
    return %arg0, %arg1 : i32, i32
  }
  func.func @transform_1(%arg0: i32, %arg1: i32) -> (i32, i32) {
    %c0_i32 = arith.constant 0 : i32
    %c0_i32_0 = arith.constant 0 : i32
    return %arg0, %c0_i32 : i32, i32
  }
}

module attributes {stable_mosaic.version = 14 : i64} {
  func.func @_mlp1_body(%arg0: i32, %arg1: memref<2000x128xf32, #tpu.memory_space<vmem>>, %arg2: memref<4x128x64xf32, #tpu.memory_space<vmem>>, %arg3: memref<4x64xf32, #tpu.memory_space<vmem>>, %arg4: memref<4x64x64xf32, #tpu.memory_space<vmem>>, %arg5: memref<4x64xf32, #tpu.memory_space<vmem>>, %arg6: memref<1x4x64xf32, #tpu.memory_space<vmem>>) attributes {dimension_semantics = [#tpu.dimension_semantics<parallel>], iteration_bounds = array<i64: 5>, scalar_prefetch = 0 : i64, scratch_operands = 0 : i64, tpu.core_type = #tpu.core_type<tc>, window_params = [{transform_indices = @transform_0, window_bounds = array<i64: 2000, 128>}, {pipeline_mode = #tpu.pipeline_mode<synchronous>, transform_indices = @transform_1, window_bounds = array<i64: 4, 128, 64>}, {pipeline_mode = #tpu.pipeline_mode<synchronous>, transform_indices = @transform_2, window_bounds = array<i64: 4, 64>}, {pipeline_mode = #tpu.pipeline_mode<synchronous>, transform_indices = @transform_3, window_bounds = array<i64: 4, 64, 64>}, {pipeline_mode = #tpu.pipeline_mode<synchronous>, transform_indices = @transform_4, window_bounds = array<i64: 4, 64>}, {transform_indices = @transform_5, window_bounds = array<i64: 1, 4, 64>}]} {
    %get3A = arith.constant 0 : index
    %get3A_0 = arith.constant 0 : index
    %get3A_1 = vector.load %arg1[%get3A, %get3A_0] : memref<2000x128xf32, #tpu.memory_space<vmem>>, vector<2000x128xf32>
    %get3A_2 = arith.constant 0 : index
    %get3A_3 = arith.constant 0 : index
    %get3A_4 = arith.constant 0 : index
    %get3A_5 = vector.load %arg2[%get3A_2, %get3A_3, %get3A_4] : memref<4x128x64xf32, #tpu.memory_space<vmem>>, vector<1x128x64xf32>
    %get3A_6 = vector.shape_cast %get3A_5 : vector<1x128x64xf32> to vector<128x64xf32>
    %dot_general3A = arith.constant dense<0.000000e+00> : vector<2000x64xf32>
    %dot_general3A_7 = tpu.matmul %get3A_1, %get3A_6, %dot_general3A {dimension_numbers = #tpu.dot_dimension_numbers<[1], [0], [0], [1], [0, 0, 1, 1], [], []>, transpose_lhs_hint = false} : vector<2000x128xf32>, vector<128x64xf32>, vector<2000x64xf32> -> vector<2000x64xf32>
    %get3A_8 = arith.constant 0 : index
    %get3A_9 = arith.constant 0 : index
    %get3A_10 = vector.load %arg3[%get3A_8, %get3A_9] : memref<4x64xf32, #tpu.memory_space<vmem>>, vector<1x64xf32>
    %get3A_11 = vector.shape_cast %get3A_10 : vector<1x64xf32> to vector<64xf32>
    %broadcast_in_dim3A = vector.shape_cast %get3A_11 : vector<64xf32> to vector<1x64xf32>
    %add3A = vector.broadcast %broadcast_in_dim3A : vector<1x64xf32> to vector<2000x64xf32>
    %add3A_12 = arith.addf %dot_general3A_7, %add3A : vector<2000x64xf32>
    %max3A = arith.constant 0.000000e+00 : f32
    %max3A_13 = vector.broadcast %max3A : f32 to vector<2000x64xf32>
    %max3A_14 = arith.maximumf %add3A_12, %max3A_13 : vector<2000x64xf32>
    %get3A_15 = arith.constant 0 : index
    %get3A_16 = arith.constant 0 : index
    %get3A_17 = arith.constant 0 : index
    %get3A_18 = vector.load %arg4[%get3A_15, %get3A_16, %get3A_17] : memref<4x64x64xf32, #tpu.memory_space<vmem>>, vector<1x64x64xf32>
    %get3A_19 = vector.shape_cast %get3A_18 : vector<1x64x64xf32> to vector<64x64xf32>
    %dot_general3A_20 = arith.constant dense<0.000000e+00> : vector<2000x64xf32>
    %dot_general3A_21 = tpu.matmul %max3A_14, %get3A_19, %dot_general3A_20 {dimension_numbers = #tpu.dot_dimension_numbers<[1], [0], [0], [1], [0, 0, 1, 1], [], []>, transpose_lhs_hint = false} : vector<2000x64xf32>, vector<64x64xf32>, vector<2000x64xf32> -> vector<2000x64xf32>
    %get3A_22 = arith.constant 0 : index
    %get3A_23 = arith.constant 0 : index
    %get3A_24 = vector.load %arg5[%get3A_22, %get3A_23] : memref<4x64xf32, #tpu.memory_space<vmem>>, vector<1x64xf32>
    %get3A_25 = vector.shape_cast %get3A_24 : vector<1x64xf32> to vector<64xf32>
    %broadcast_in_dim3A_26 = vector.shape_cast %get3A_25 : vector<64xf32> to vector<1x64xf32>
    %add3A_27 = vector.broadcast %broadcast_in_dim3A_26 : vector<1x64xf32> to vector<2000x64xf32>
    %add3A_28 = arith.addf %dot_general3A_21, %add3A_27 : vector<2000x64xf32>
    %reduce_max3A = arith.constant dense<0xFF800000> : vector<64xf32>
    %reduce_max3A_29 = vector.multi_reduction <maximumf>, %add3A_28, %reduce_max3A [0] : vector<2000x64xf32> to vector<64xf32>
    %get3A_30 = arith.constant 1 : index
    %get3A_31 = arith.constant 0 : index
    %get3A_32 = arith.constant 0 : index
    %get3A_33 = vector.load %arg2[%get3A_30, %get3A_31, %get3A_32] : memref<4x128x64xf32, #tpu.memory_space<vmem>>, vector<1x128x64xf32>
    %get3A_34 = vector.shape_cast %get3A_33 : vector<1x128x64xf32> to vector<128x64xf32>
    %dot_general3A_35 = arith.constant dense<0.000000e+00> : vector<2000x64xf32>
    %dot_general3A_36 = tpu.matmul %get3A_1, %get3A_34, %dot_general3A_35 {dimension_numbers = #tpu.dot_dimension_numbers<[1], [0], [0], [1], [0, 0, 1, 1], [], []>, transpose_lhs_hint = false} : vector<2000x128xf32>, vector<128x64xf32>, vector<2000x64xf32> -> vector<2000x64xf32>
    %get3A_37 = arith.constant 1 : index
    %get3A_38 = arith.constant 0 : index
    %get3A_39 = vector.load %arg3[%get3A_37, %get3A_38] : memref<4x64xf32, #tpu.memory_space<vmem>>, vector<1x64xf32>
    %get3A_40 = vector.shape_cast %get3A_39 : vector<1x64xf32> to vector<64xf32>
    %broadcast_in_dim3A_41 = vector.shape_cast %get3A_40 : vector<64xf32> to vector<1x64xf32>
    %add3A_42 = vector.broadcast %broadcast_in_dim3A_41 : vector<1x64xf32> to vector<2000x64xf32>
    %add3A_43 = arith.addf %dot_general3A_36, %add3A_42 : vector<2000x64xf32>
    %max3A_44 = arith.constant 0.000000e+00 : f32
    %max3A_45 = vector.broadcast %max3A_44 : f32 to vector<2000x64xf32>
    %max3A_46 = arith.maximumf %add3A_43, %max3A_45 : vector<2000x64xf32>
    %get3A_47 = arith.constant 1 : index
    %get3A_48 = arith.constant 0 : index
    %get3A_49 = arith.constant 0 : index
    %get3A_50 = vector.load %arg4[%get3A_47, %get3A_48, %get3A_49] : memref<4x64x64xf32, #tpu.memory_space<vmem>>, vector<1x64x64xf32>
    %get3A_51 = vector.shape_cast %get3A_50 : vector<1x64x64xf32> to vector<64x64xf32>
    %dot_general3A_52 = arith.constant dense<0.000000e+00> : vector<2000x64xf32>
    %dot_general3A_53 = tpu.matmul %max3A_46, %get3A_51, %dot_general3A_52 {dimension_numbers = #tpu.dot_dimension_numbers<[1], [0], [0], [1], [0, 0, 1, 1], [], []>, transpose_lhs_hint = false} : vector<2000x64xf32>, vector<64x64xf32>, vector<2000x64xf32> -> vector<2000x64xf32>
    %get3A_54 = arith.constant 1 : index
    %get3A_55 = arith.constant 0 : index
    %get3A_56 = vector.load %arg5[%get3A_54, %get3A_55] : memref<4x64xf32, #tpu.memory_space<vmem>>, vector<1x64xf32>
    %get3A_57 = vector.shape_cast %get3A_56 : vector<1x64xf32> to vector<64xf32>
    %broadcast_in_dim3A_58 = vector.shape_cast %get3A_57 : vector<64xf32> to vector<1x64xf32>
    %add3A_59 = vector.broadcast %broadcast_in_dim3A_58 : vector<1x64xf32> to vector<2000x64xf32>
    %add3A_60 = arith.addf %dot_general3A_53, %add3A_59 : vector<2000x64xf32>
    %reduce_max3A_61 = arith.constant dense<0xFF800000> : vector<64xf32>
    %reduce_max3A_62 = vector.multi_reduction <maximumf>, %add3A_60, %reduce_max3A_61 [0] : vector<2000x64xf32> to vector<64xf32>
    %get3A_63 = arith.constant 2 : index
    %get3A_64 = arith.constant 0 : index
    %get3A_65 = arith.constant 0 : index
    %get3A_66 = vector.load %arg2[%get3A_63, %get3A_64, %get3A_65] : memref<4x128x64xf32, #tpu.memory_space<vmem>>, vector<1x128x64xf32>
    %get3A_67 = vector.shape_cast %get3A_66 : vector<1x128x64xf32> to vector<128x64xf32>
    %dot_general3A_68 = arith.constant dense<0.000000e+00> : vector<2000x64xf32>
    %dot_general3A_69 = tpu.matmul %get3A_1, %get3A_67, %dot_general3A_68 {dimension_numbers = #tpu.dot_dimension_numbers<[1], [0], [0], [1], [0, 0, 1, 1], [], []>, transpose_lhs_hint = false} : vector<2000x128xf32>, vector<128x64xf32>, vector<2000x64xf32> -> vector<2000x64xf32>
    %get3A_70 = arith.constant 2 : index
    %get3A_71 = arith.constant 0 : index
    %get3A_72 = vector.load %arg3[%get3A_70, %get3A_71] : memref<4x64xf32, #tpu.memory_space<vmem>>, vector<1x64xf32>
    %get3A_73 = vector.shape_cast %get3A_72 : vector<1x64xf32> to vector<64xf32>
    %broadcast_in_dim3A_74 = vector.shape_cast %get3A_73 : vector<64xf32> to vector<1x64xf32>
    %add3A_75 = vector.broadcast %broadcast_in_dim3A_74 : vector<1x64xf32> to vector<2000x64xf32>
    %add3A_76 = arith.addf %dot_general3A_69, %add3A_75 : vector<2000x64xf32>
    %max3A_77 = arith.constant 0.000000e+00 : f32
    %max3A_78 = vector.broadcast %max3A_77 : f32 to vector<2000x64xf32>
    %max3A_79 = arith.maximumf %add3A_76, %max3A_78 : vector<2000x64xf32>
    %get3A_80 = arith.constant 2 : index
    %get3A_81 = arith.constant 0 : index
    %get3A_82 = arith.constant 0 : index
    %get3A_83 = vector.load %arg4[%get3A_80, %get3A_81, %get3A_82] : memref<4x64x64xf32, #tpu.memory_space<vmem>>, vector<1x64x64xf32>
    %get3A_84 = vector.shape_cast %get3A_83 : vector<1x64x64xf32> to vector<64x64xf32>
    %dot_general3A_85 = arith.constant dense<0.000000e+00> : vector<2000x64xf32>
    %dot_general3A_86 = tpu.matmul %max3A_79, %get3A_84, %dot_general3A_85 {dimension_numbers = #tpu.dot_dimension_numbers<[1], [0], [0], [1], [0, 0, 1, 1], [], []>, transpose_lhs_hint = false} : vector<2000x64xf32>, vector<64x64xf32>, vector<2000x64xf32> -> vector<2000x64xf32>
    %get3A_87 = arith.constant 2 : index
    %get3A_88 = arith.constant 0 : index
    %get3A_89 = vector.load %arg5[%get3A_87, %get3A_88] : memref<4x64xf32, #tpu.memory_space<vmem>>, vector<1x64xf32>
    %get3A_90 = vector.shape_cast %get3A_89 : vector<1x64xf32> to vector<64xf32>
    %broadcast_in_dim3A_91 = vector.shape_cast %get3A_90 : vector<64xf32> to vector<1x64xf32>
    %add3A_92 = vector.broadcast %broadcast_in_dim3A_91 : vector<1x64xf32> to vector<2000x64xf32>
    %add3A_93 = arith.addf %dot_general3A_86, %add3A_92 : vector<2000x64xf32>
    %reduce_max3A_94 = arith.constant dense<0xFF800000> : vector<64xf32>
    %reduce_max3A_95 = vector.multi_reduction <maximumf>, %add3A_93, %reduce_max3A_94 [0] : vector<2000x64xf32> to vector<64xf32>
    %get3A_96 = arith.constant 3 : index
    %get3A_97 = arith.constant 0 : index
    %get3A_98 = arith.constant 0 : index
    %get3A_99 = vector.load %arg2[%get3A_96, %get3A_97, %get3A_98] : memref<4x128x64xf32, #tpu.memory_space<vmem>>, vector<1x128x64xf32>
    %get3A_100 = vector.shape_cast %get3A_99 : vector<1x128x64xf32> to vector<128x64xf32>
    %dot_general3A_101 = arith.constant dense<0.000000e+00> : vector<2000x64xf32>
    %dot_general3A_102 = tpu.matmul %get3A_1, %get3A_100, %dot_general3A_101 {dimension_numbers = #tpu.dot_dimension_numbers<[1], [0], [0], [1], [0, 0, 1, 1], [], []>, transpose_lhs_hint = false} : vector<2000x128xf32>, vector<128x64xf32>, vector<2000x64xf32> -> vector<2000x64xf32>
    %get3A_103 = arith.constant 3 : index
    %get3A_104 = arith.constant 0 : index
    %get3A_105 = vector.load %arg3[%get3A_103, %get3A_104] : memref<4x64xf32, #tpu.memory_space<vmem>>, vector<1x64xf32>
    %get3A_106 = vector.shape_cast %get3A_105 : vector<1x64xf32> to vector<64xf32>
    %broadcast_in_dim3A_107 = vector.shape_cast %get3A_106 : vector<64xf32> to vector<1x64xf32>
    %add3A_108 = vector.broadcast %broadcast_in_dim3A_107 : vector<1x64xf32> to vector<2000x64xf32>
    %add3A_109 = arith.addf %dot_general3A_102, %add3A_108 : vector<2000x64xf32>
    %max3A_110 = arith.constant 0.000000e+00 : f32
    %max3A_111 = vector.broadcast %max3A_110 : f32 to vector<2000x64xf32>
    %max3A_112 = arith.maximumf %add3A_109, %max3A_111 : vector<2000x64xf32>
    %get3A_113 = arith.constant 3 : index
    %get3A_114 = arith.constant 0 : index
    %get3A_115 = arith.constant 0 : index
    %get3A_116 = vector.load %arg4[%get3A_113, %get3A_114, %get3A_115] : memref<4x64x64xf32, #tpu.memory_space<vmem>>, vector<1x64x64xf32>
    %get3A_117 = vector.shape_cast %get3A_116 : vector<1x64x64xf32> to vector<64x64xf32>
    %dot_general3A_118 = arith.constant dense<0.000000e+00> : vector<2000x64xf32>
    %dot_general3A_119 = tpu.matmul %max3A_112, %get3A_117, %dot_general3A_118 {dimension_numbers = #tpu.dot_dimension_numbers<[1], [0], [0], [1], [0, 0, 1, 1], [], []>, transpose_lhs_hint = false} : vector<2000x64xf32>, vector<64x64xf32>, vector<2000x64xf32> -> vector<2000x64xf32>
    %get3A_120 = arith.constant 3 : index
    %get3A_121 = arith.constant 0 : index
    %get3A_122 = vector.load %arg5[%get3A_120, %get3A_121] : memref<4x64xf32, #tpu.memory_space<vmem>>, vector<1x64xf32>
    %get3A_123 = vector.shape_cast %get3A_122 : vector<1x64xf32> to vector<64xf32>
    %broadcast_in_dim3A_124 = vector.shape_cast %get3A_123 : vector<64xf32> to vector<1x64xf32>
    %add3A_125 = vector.broadcast %broadcast_in_dim3A_124 : vector<1x64xf32> to vector<2000x64xf32>
    %add3A_126 = arith.addf %dot_general3A_119, %add3A_125 : vector<2000x64xf32>
    %reduce_max3A_127 = arith.constant dense<0xFF800000> : vector<64xf32>
    %reduce_max3A_128 = vector.multi_reduction <maximumf>, %add3A_126, %reduce_max3A_127 [0] : vector<2000x64xf32> to vector<64xf32>
    %stack3A = vector.shape_cast %reduce_max3A_29 : vector<64xf32> to vector<1x64xf32>
    %stack3A_129 = vector.shape_cast %reduce_max3A_62 : vector<64xf32> to vector<1x64xf32>
    %stack3A_130 = vector.shape_cast %reduce_max3A_95 : vector<64xf32> to vector<1x64xf32>
    %stack3A_131 = vector.shape_cast %reduce_max3A_128 : vector<64xf32> to vector<1x64xf32>
    %stack3A_132 = tpu.concatenate %stack3A, %stack3A_129, %stack3A_130, %stack3A_131 in 0 : vector<1x64xf32>, vector<1x64xf32>, vector<1x64xf32>, vector<1x64xf32> -> vector<4x64xf32>
    %swap3A = arith.constant 0 : index
    %swap3A_133 = arith.constant 0 : index
    %swap3A_134 = arith.constant 0 : index
    %swap3A_135 = vector.load %arg6[%swap3A, %swap3A_133, %swap3A_134] : memref<1x4x64xf32, #tpu.memory_space<vmem>>, vector<1x4x64xf32>
    %swap3A_136 = vector.shape_cast %swap3A_135 : vector<1x4x64xf32> to vector<4x64xf32>
    %swap3A_137 = vector.shape_cast %stack3A_132 : vector<4x64xf32> to vector<1x4x64xf32>
    tpu.vector_store %arg6[%swap3A, %swap3A_133, %swap3A_134], %swap3A_137 {strides = array<i32>} : memref<1x4x64xf32, #tpu.memory_space<vmem>>, vector<1x4x64xf32>,
    return
  }
  func.func @transform_0(%arg0: i32) -> (i32, i32) {
    %c0_i32 = arith.constant 0 : i32
    %c0_i32_0 = arith.constant 0 : i32
    return %arg0, %c0_i32 : i32, i32
  }
  func.func @transform_1(%arg0: i32) -> (i32, i32, i32) {
    %c0_i32 = arith.constant 0 : i32
    %c0_i32_0 = arith.constant 0 : i32
    %c0_i32_1 = arith.constant 0 : i32
    %c0_i32_2 = arith.constant 0 : i32
    return %c0_i32, %c0_i32_0, %c0_i32_1 : i32, i32, i32
  }
  func.func @transform_2(%arg0: i32) -> (i32, i32) {
    %c0_i32 = arith.constant 0 : i32
    %c0_i32_0 = arith.constant 0 : i32
    %c0_i32_1 = arith.constant 0 : i32
    return %c0_i32, %c0_i32_0 : i32, i32
  }
  func.func @transform_3(%arg0: i32) -> (i32, i32, i32) {
    %c0_i32 = arith.constant 0 : i32
    %c0_i32_0 = arith.constant 0 : i32
    %c0_i32_1 = arith.constant 0 : i32
    %c0_i32_2 = arith.constant 0 : i32
    return %c0_i32, %c0_i32_0, %c0_i32_1 : i32, i32, i32
  }
  func.func @transform_4(%arg0: i32) -> (i32, i32) {
    %c0_i32 = arith.constant 0 : i32
    %c0_i32_0 = arith.constant 0 : i32
    %c0_i32_1 = arith.constant 0 : i32
    return %c0_i32, %c0_i32_0 : i32, i32
  }
  func.func @transform_5(%arg0: i32) -> (i32, i32, i32) {
    %c0_i32 = arith.constant 0 : i32
    %c0_i32_0 = arith.constant 0 : i32
    %c0_i32_1 = arith.constant 0 : i32
    return %arg0, %c0_i32, %c0_i32_0 : i32, i32, i32
  }
}

module attributes {stable_mosaic.version = 14 : i64} {
  func.func @_mlp2a_body(%arg0: i32, %arg1: memref<5x4x64xf32, #tpu.memory_space<vmem>>, %arg2: memref<2000x128xf32, #tpu.memory_space<vmem>>, %arg3: memref<4x128x64xf32, #tpu.memory_space<vmem>>, %arg4: memref<4x64xf32, #tpu.memory_space<vmem>>, %arg5: memref<4x64x64xf32, #tpu.memory_space<vmem>>, %arg6: memref<4x64xf32, #tpu.memory_space<vmem>>, %arg7: memref<128x64xf32, #tpu.memory_space<vmem>>, %arg8: memref<64xf32, #tpu.memory_space<vmem>>, %arg9: memref<64x64xf32, #tpu.memory_space<vmem>>, %arg10: memref<64xf32, #tpu.memory_space<vmem>>, %arg11: memref<2000x64xf32, #tpu.memory_space<vmem>>, %arg12: memref<1x8x128xf32, #tpu.memory_space<vmem>>) attributes {dimension_semantics = [#tpu.dimension_semantics<parallel>], iteration_bounds = array<i64: 5>, scalar_prefetch = 0 : i64, scratch_operands = 0 : i64, tpu.core_type = #tpu.core_type<tc>, window_params = [{pipeline_mode = #tpu.pipeline_mode<synchronous>, transform_indices = @transform_0, window_bounds = array<i64: 5, 4, 64>}, {transform_indices = @transform_1, window_bounds = array<i64: 2000, 128>}, {pipeline_mode = #tpu.pipeline_mode<synchronous>, transform_indices = @transform_2, window_bounds = array<i64: 4, 128, 64>}, {pipeline_mode = #tpu.pipeline_mode<synchronous>, transform_indices = @transform_3, window_bounds = array<i64: 4, 64>}, {pipeline_mode = #tpu.pipeline_mode<synchronous>, transform_indices = @transform_4, window_bounds = array<i64: 4, 64, 64>}, {pipeline_mode = #tpu.pipeline_mode<synchronous>, transform_indices = @transform_5, window_bounds = array<i64: 4, 64>}, {pipeline_mode = #tpu.pipeline_mode<synchronous>, transform_indices = @transform_6, window_bounds = array<i64: 128, 64>}, {pipeline_mode = #tpu.pipeline_mode<synchronous>, transform_indices = @transform_7, window_bounds = array<i64: 64>}, {pipeline_mode = #tpu.pipeline_mode<synchronous>, transform_indices = @transform_8, window_bounds = array<i64: 64, 64>}, {pipeline_mode = #tpu.pipeline_mode<synchronous>, transform_indices = @transform_9, window_bounds = array<i64: 64>}, {transform_indices = @transform_10, window_bounds = array<i64: 2000, 64>}, {transform_indices = @transform_11, window_bounds = array<i64: 1, 8, 128>}]} {
    %get3A = arith.constant 0 : index
    %get3A_0 = arith.constant 0 : index
    %get3A_1 = arith.constant 0 : index
    %get3A_2 = vector.load %arg1[%get3A, %get3A_0, %get3A_1] : memref<5x4x64xf32, #tpu.memory_space<vmem>>, vector<5x4x64xf32>
    %reduce_max3A = arith.constant dense<0xFF800000> : vector<4x64xf32>
    %reduce_max3A_3 = vector.multi_reduction <maximumf>, %get3A_2, %reduce_max3A [0] : vector<5x4x64xf32> to vector<4x64xf32>
    %get3A_4 = arith.constant 0 : index
    %get3A_5 = arith.constant 0 : index
    %get3A_6 = vector.load %arg2[%get3A_4, %get3A_5] : memref<2000x128xf32, #tpu.memory_space<vmem>>, vector<2000x128xf32>
    %broadcast_in_dim3A = arith.constant 0.000000e+00 : f32
    %broadcast_in_dim3A_7 = vector.broadcast %broadcast_in_dim3A : f32 to vector<2000x1xf32>
    %get3A_8 = arith.constant 0 : index
    %get3A_9 = arith.constant 0 : index
    %get3A_10 = arith.constant 0 : index
    %get3A_11 = vector.load %arg3[%get3A_8, %get3A_9, %get3A_10] : memref<4x128x64xf32, #tpu.memory_space<vmem>>, vector<1x128x64xf32>
    %get3A_12 = vector.shape_cast %get3A_11 : vector<1x128x64xf32> to vector<128x64xf32>
    %dot_general3A = arith.constant dense<0.000000e+00> : vector<2000x64xf32>
    %dot_general3A_13 = tpu.matmul %get3A_6, %get3A_12, %dot_general3A {dimension_numbers = #tpu.dot_dimension_numbers<[1], [0], [0], [1], [0, 0, 1, 1], [], []>, transpose_lhs_hint = false} : vector<2000x128xf32>, vector<128x64xf32>, vector<2000x64xf32> -> vector<2000x64xf32>
    %get3A_14 = arith.constant 0 : index
    %get3A_15 = arith.constant 0 : index
    %get3A_16 = vector.load %arg4[%get3A_14, %get3A_15] : memref<4x64xf32, #tpu.memory_space<vmem>>, vector<1x64xf32>
    %get3A_17 = vector.shape_cast %get3A_16 : vector<1x64xf32> to vector<64xf32>
    %broadcast_in_dim3A_18 = vector.shape_cast %get3A_17 : vector<64xf32> to vector<1x64xf32>
    %add3A = vector.broadcast %broadcast_in_dim3A_18 : vector<1x64xf32> to vector<2000x64xf32>
    %add3A_19 = arith.addf %dot_general3A_13, %add3A : vector<2000x64xf32>
    %max3A = arith.constant 0.000000e+00 : f32
    %max3A_20 = vector.broadcast %max3A : f32 to vector<2000x64xf32>
    %max3A_21 = arith.maximumf %add3A_19, %max3A_20 : vector<2000x64xf32>
    %get3A_22 = arith.constant 0 : index
    %get3A_23 = arith.constant 0 : index
    %get3A_24 = arith.constant 0 : index
    %get3A_25 = vector.load %arg5[%get3A_22, %get3A_23, %get3A_24] : memref<4x64x64xf32, #tpu.memory_space<vmem>>, vector<1x64x64xf32>
    %get3A_26 = vector.shape_cast %get3A_25 : vector<1x64x64xf32> to vector<64x64xf32>
    %dot_general3A_27 = arith.constant dense<0.000000e+00> : vector<2000x64xf32>
    %dot_general3A_28 = tpu.matmul %max3A_21, %get3A_26, %dot_general3A_27 {dimension_numbers = #tpu.dot_dimension_numbers<[1], [0], [0], [1], [0, 0, 1, 1], [], []>, transpose_lhs_hint = false} : vector<2000x64xf32>, vector<64x64xf32>, vector<2000x64xf32> -> vector<2000x64xf32>
    %get3A_29 = arith.constant 0 : index
    %get3A_30 = arith.constant 0 : index
    %get3A_31 = vector.load %arg6[%get3A_29, %get3A_30] : memref<4x64xf32, #tpu.memory_space<vmem>>, vector<1x64xf32>
    %get3A_32 = vector.shape_cast %get3A_31 : vector<1x64xf32> to vector<64xf32>
    %broadcast_in_dim3A_33 = vector.shape_cast %get3A_32 : vector<64xf32> to vector<1x64xf32>
    %add3A_34 = vector.broadcast %broadcast_in_dim3A_33 : vector<1x64xf32> to vector<2000x64xf32>
    %add3A_35 = arith.addf %dot_general3A_28, %add3A_34 : vector<2000x64xf32>
    %slice3A = vector.extract_strided_slice %reduce_max3A_3 {offsets = [0, 0], sizes = [1, 64], strides = [1, 1]} : vector<4x64xf32> to vector<1x64xf32>
    %squeeze3A = vector.shape_cast %slice3A : vector<1x64xf32> to vector<64xf32>
    %reduce_max3A_36 = vector.shape_cast %squeeze3A : vector<64xf32> to vector<1x64xf32>
    %reduce_max3A_37 = arith.constant dense<0xFF800000> : vector<1xf32>
    %reduce_max3A_38 = vector.multi_reduction <maximumf>, %reduce_max3A_36, %reduce_max3A_37 [1] : vector<1x64xf32> to vector<1xf32>
    %reduce_max3A_39 = vector.shape_cast %reduce_max3A_38 : vector<1xf32> to vector<1x1xf32>
    %reduce_max3A_40 = vector.extract %reduce_max3A_39[0, 0] : f32 from vector<1x1xf32>
    %sub3A = vector.broadcast %reduce_max3A_40 : f32 to vector<2000x64xf32>
    %sub3A_41 = arith.subf %add3A_35, %sub3A : vector<2000x64xf32>
    %exp3A = math.exp %sub3A_41 : vector<2000x64xf32>
    %reduce_sum3A = arith.constant dense<0.000000e+00> : vector<2000xf32>
    %reduce_sum3A_42 = vector.multi_reduction <add>, %exp3A, %reduce_sum3A [1] : vector<2000x64xf32> to vector<2000xf32>
    %broadcast_in_dim3A_43 = vector.shape_cast %reduce_sum3A_42 : vector<2000xf32> to vector<2000x1xf32>
    %div3A = vector.broadcast %broadcast_in_dim3A_43 : vector<2000x1xf32> to vector<2000x64xf32>
    %div3A_44 = arith.divf %exp3A, %div3A : vector<2000x64xf32>
    %reduce_max3A_45 = arith.constant dense<0xFF800000> : vector<2000xf32>
    %reduce_max3A_46 = vector.multi_reduction <maximumf>, %div3A_44, %reduce_max3A_45 [1] : vector<2000x64xf32> to vector<2000xf32>
    %broadcast_in_dim3A_47 = vector.shape_cast %reduce_max3A_46 : vector<2000xf32> to vector<2000x1xf32>
    %iota3A = tpu.iota {dimensions = array<i32: 1>} : vector<2000x64xi32>
    %eq3A = vector.broadcast %broadcast_in_dim3A_47 : vector<2000x1xf32> to vector<2000x64xf32>
    %eq3A_48 = arith.cmpf oeq, %div3A_44, %eq3A : vector<2000x64xf32>
    %jit3A = arith.constant 64 : i32
    %broadcast_in_dim3A_49 = vector.broadcast %jit3A : i32 to vector<2000x64xi32>
    %select_n3A = arith.select %eq3A_48, %iota3A, %broadcast_in_dim3A_49 : vector<2000x64xi1>, vector<2000x64xi32>
    %reduce_min3A = arith.constant dense<2147483647> : vector<2000xi32>
    %reduce_min3A_50 = vector.multi_reduction <minsi>, %select_n3A, %reduce_min3A [1] : vector<2000x64xi32> to vector<2000xi32>
    %broadcast_in_dim3A_51 = vector.shape_cast %reduce_min3A_50 : vector<2000xi32> to vector<2000x1xi32>
    %ne3A = arith.cmpf one, %broadcast_in_dim3A_47, %broadcast_in_dim3A_47 : vector<2000x1xf32>
    %jit3A_52 = arith.constant 0 : i32
    %broadcast_in_dim3A_53 = vector.broadcast %jit3A_52 : i32 to vector<2000x1xi32>
    %select_n3A_54 = arith.select %ne3A, %broadcast_in_dim3A_53, %broadcast_in_dim3A_51 : vector<2000x1xi1>, vector<2000x1xi32>
    %convert_element_type3A = arith.sitofp %select_n3A_54 : vector<2000x1xi32> to vector<2000x1xf32>
    %add3A_55 = arith.addf %broadcast_in_dim3A_7, %convert_element_type3A : vector<2000x1xf32>
    %get3A_56 = arith.constant 1 : index
    %get3A_57 = arith.constant 0 : index
    %get3A_58 = arith.constant 0 : index
    %get3A_59 = vector.load %arg3[%get3A_56, %get3A_57, %get3A_58] : memref<4x128x64xf32, #tpu.memory_space<vmem>>, vector<1x128x64xf32>
    %get3A_60 = vector.shape_cast %get3A_59 : vector<1x128x64xf32> to vector<128x64xf32>
    %dot_general3A_61 = arith.constant dense<0.000000e+00> : vector<2000x64xf32>
    %dot_general3A_62 = tpu.matmul %get3A_6, %get3A_60, %dot_general3A_61 {dimension_numbers = #tpu.dot_dimension_numbers<[1], [0], [0], [1], [0, 0, 1, 1], [], []>, transpose_lhs_hint = false} : vector<2000x128xf32>, vector<128x64xf32>, vector<2000x64xf32> -> vector<2000x64xf32>
    %get3A_63 = arith.constant 1 : index
    %get3A_64 = arith.constant 0 : index
    %get3A_65 = vector.load %arg4[%get3A_63, %get3A_64] : memref<4x64xf32, #tpu.memory_space<vmem>>, vector<1x64xf32>
    %get3A_66 = vector.shape_cast %get3A_65 : vector<1x64xf32> to vector<64xf32>
    %broadcast_in_dim3A_67 = vector.shape_cast %get3A_66 : vector<64xf32> to vector<1x64xf32>
    %add3A_68 = vector.broadcast %broadcast_in_dim3A_67 : vector<1x64xf32> to vector<2000x64xf32>
    %add3A_69 = arith.addf %dot_general3A_62, %add3A_68 : vector<2000x64xf32>
    %max3A_70 = arith.constant 0.000000e+00 : f32
    %max3A_71 = vector.broadcast %max3A_70 : f32 to vector<2000x64xf32>
    %max3A_72 = arith.maximumf %add3A_69, %max3A_71 : vector<2000x64xf32>
    %get3A_73 = arith.constant 1 : index
    %get3A_74 = arith.constant 0 : index
    %get3A_75 = arith.constant 0 : index
    %get3A_76 = vector.load %arg5[%get3A_73, %get3A_74, %get3A_75] : memref<4x64x64xf32, #tpu.memory_space<vmem>>, vector<1x64x64xf32>
    %get3A_77 = vector.shape_cast %get3A_76 : vector<1x64x64xf32> to vector<64x64xf32>
    %dot_general3A_78 = arith.constant dense<0.000000e+00> : vector<2000x64xf32>
    %dot_general3A_79 = tpu.matmul %max3A_72, %get3A_77, %dot_general3A_78 {dimension_numbers = #tpu.dot_dimension_numbers<[1], [0], [0], [1], [0, 0, 1, 1], [], []>, transpose_lhs_hint = false} : vector<2000x64xf32>, vector<64x64xf32>, vector<2000x64xf32> -> vector<2000x64xf32>
    %get3A_80 = arith.constant 1 : index
    %get3A_81 = arith.constant 0 : index
    %get3A_82 = vector.load %arg6[%get3A_80, %get3A_81] : memref<4x64xf32, #tpu.memory_space<vmem>>, vector<1x64xf32>
    %get3A_83 = vector.shape_cast %get3A_82 : vector<1x64xf32> to vector<64xf32>
    %broadcast_in_dim3A_84 = vector.shape_cast %get3A_83 : vector<64xf32> to vector<1x64xf32>
    %add3A_85 = vector.broadcast %broadcast_in_dim3A_84 : vector<1x64xf32> to vector<2000x64xf32>
    %add3A_86 = arith.addf %dot_general3A_79, %add3A_85 : vector<2000x64xf32>
    %slice3A_87 = vector.extract_strided_slice %reduce_max3A_3 {offsets = [1, 0], sizes = [1, 64], strides = [1, 1]} : vector<4x64xf32> to vector<1x64xf32>
    %squeeze3A_88 = vector.shape_cast %slice3A_87 : vector<1x64xf32> to vector<64xf32>
    %reduce_max3A_89 = vector.shape_cast %squeeze3A_88 : vector<64xf32> to vector<1x64xf32>
    %reduce_max3A_90 = arith.constant dense<0xFF800000> : vector<1xf32>
    %reduce_max3A_91 = vector.multi_reduction <maximumf>, %reduce_max3A_89, %reduce_max3A_90 [1] : vector<1x64xf32> to vector<1xf32>
    %reduce_max3A_92 = vector.shape_cast %reduce_max3A_91 : vector<1xf32> to vector<1x1xf32>
    %reduce_max3A_93 = vector.extract %reduce_max3A_92[0, 0] : f32 from vector<1x1xf32>
    %sub3A_94 = vector.broadcast %reduce_max3A_93 : f32 to vector<2000x64xf32>
    %sub3A_95 = arith.subf %add3A_86, %sub3A_94 : vector<2000x64xf32>
    %exp3A_96 = math.exp %sub3A_95 : vector<2000x64xf32>
    %reduce_sum3A_97 = arith.constant dense<0.000000e+00> : vector<2000xf32>
    %reduce_sum3A_98 = vector.multi_reduction <add>, %exp3A_96, %reduce_sum3A_97 [1] : vector<2000x64xf32> to vector<2000xf32>
    %broadcast_in_dim3A_99 = vector.shape_cast %reduce_sum3A_98 : vector<2000xf32> to vector<2000x1xf32>
    %div3A_100 = vector.broadcast %broadcast_in_dim3A_99 : vector<2000x1xf32> to vector<2000x64xf32>
    %div3A_101 = arith.divf %exp3A_96, %div3A_100 : vector<2000x64xf32>
    %reduce_max3A_102 = arith.constant dense<0xFF800000> : vector<2000xf32>
    %reduce_max3A_103 = vector.multi_reduction <maximumf>, %div3A_101, %reduce_max3A_102 [1] : vector<2000x64xf32> to vector<2000xf32>
    %broadcast_in_dim3A_104 = vector.shape_cast %reduce_max3A_103 : vector<2000xf32> to vector<2000x1xf32>
    %iota3A_105 = tpu.iota {dimensions = array<i32: 1>} : vector<2000x64xi32>
    %eq3A_106 = vector.broadcast %broadcast_in_dim3A_104 : vector<2000x1xf32> to vector<2000x64xf32>
    %eq3A_107 = arith.cmpf oeq, %div3A_101, %eq3A_106 : vector<2000x64xf32>
    %jit3A_108 = arith.constant 64 : i32
    %broadcast_in_dim3A_109 = vector.broadcast %jit3A_108 : i32 to vector<2000x64xi32>
    %select_n3A_110 = arith.select %eq3A_107, %iota3A_105, %broadcast_in_dim3A_109 : vector<2000x64xi1>, vector<2000x64xi32>
    %reduce_min3A_111 = arith.constant dense<2147483647> : vector<2000xi32>
    %reduce_min3A_112 = vector.multi_reduction <minsi>, %select_n3A_110, %reduce_min3A_111 [1] : vector<2000x64xi32> to vector<2000xi32>
    %broadcast_in_dim3A_113 = vector.shape_cast %reduce_min3A_112 : vector<2000xi32> to vector<2000x1xi32>
    %ne3A_114 = arith.cmpf one, %broadcast_in_dim3A_104, %broadcast_in_dim3A_104 : vector<2000x1xf32>
    %jit3A_115 = arith.constant 0 : i32
    %broadcast_in_dim3A_116 = vector.broadcast %jit3A_115 : i32 to vector<2000x1xi32>
    %select_n3A_117 = arith.select %ne3A_114, %broadcast_in_dim3A_116, %broadcast_in_dim3A_113 : vector<2000x1xi1>, vector<2000x1xi32>
    %convert_element_type3A_118 = arith.sitofp %select_n3A_117 : vector<2000x1xi32> to vector<2000x1xf32>
    %add3A_119 = arith.addf %add3A_55, %convert_element_type3A_118 : vector<2000x1xf32>
    %get3A_120 = arith.constant 2 : index
    %get3A_121 = arith.constant 0 : index
    %get3A_122 = arith.constant 0 : index
    %get3A_123 = vector.load %arg3[%get3A_120, %get3A_121, %get3A_122] : memref<4x128x64xf32, #tpu.memory_space<vmem>>, vector<1x128x64xf32>
    %get3A_124 = vector.shape_cast %get3A_123 : vector<1x128x64xf32> to vector<128x64xf32>
    %dot_general3A_125 = arith.constant dense<0.000000e+00> : vector<2000x64xf32>
    %dot_general3A_126 = tpu.matmul %get3A_6, %get3A_124, %dot_general3A_125 {dimension_numbers = #tpu.dot_dimension_numbers<[1], [0], [0], [1], [0, 0, 1, 1], [], []>, transpose_lhs_hint = false} : vector<2000x128xf32>, vector<128x64xf32>, vector<2000x64xf32> -> vector<2000x64xf32>
    %get3A_127 = arith.constant 2 : index
    %get3A_128 = arith.constant 0 : index
    %get3A_129 = vector.load %arg4[%get3A_127, %get3A_128] : memref<4x64xf32, #tpu.memory_space<vmem>>, vector<1x64xf32>
    %get3A_130 = vector.shape_cast %get3A_129 : vector<1x64xf32> to vector<64xf32>
    %broadcast_in_dim3A_131 = vector.shape_cast %get3A_130 : vector<64xf32> to vector<1x64xf32>
    %add3A_132 = vector.broadcast %broadcast_in_dim3A_131 : vector<1x64xf32> to vector<2000x64xf32>
    %add3A_133 = arith.addf %dot_general3A_126, %add3A_132 : vector<2000x64xf32>
    %max3A_134 = arith.constant 0.000000e+00 : f32
    %max3A_135 = vector.broadcast %max3A_134 : f32 to vector<2000x64xf32>
    %max3A_136 = arith.maximumf %add3A_133, %max3A_135 : vector<2000x64xf32>
    %get3A_137 = arith.constant 2 : index
    %get3A_138 = arith.constant 0 : index
    %get3A_139 = arith.constant 0 : index
    %get3A_140 = vector.load %arg5[%get3A_137, %get3A_138, %get3A_139] : memref<4x64x64xf32, #tpu.memory_space<vmem>>, vector<1x64x64xf32>
    %get3A_141 = vector.shape_cast %get3A_140 : vector<1x64x64xf32> to vector<64x64xf32>
    %dot_general3A_142 = arith.constant dense<0.000000e+00> : vector<2000x64xf32>
    %dot_general3A_143 = tpu.matmul %max3A_136, %get3A_141, %dot_general3A_142 {dimension_numbers = #tpu.dot_dimension_numbers<[1], [0], [0], [1], [0, 0, 1, 1], [], []>, transpose_lhs_hint = false} : vector<2000x64xf32>, vector<64x64xf32>, vector<2000x64xf32> -> vector<2000x64xf32>
    %get3A_144 = arith.constant 2 : index
    %get3A_145 = arith.constant 0 : index
    %get3A_146 = vector.load %arg6[%get3A_144, %get3A_145] : memref<4x64xf32, #tpu.memory_space<vmem>>, vector<1x64xf32>
    %get3A_147 = vector.shape_cast %get3A_146 : vector<1x64xf32> to vector<64xf32>
    %broadcast_in_dim3A_148 = vector.shape_cast %get3A_147 : vector<64xf32> to vector<1x64xf32>
    %add3A_149 = vector.broadcast %broadcast_in_dim3A_148 : vector<1x64xf32> to vector<2000x64xf32>
    %add3A_150 = arith.addf %dot_general3A_143, %add3A_149 : vector<2000x64xf32>
    %slice3A_151 = vector.extract_strided_slice %reduce_max3A_3 {offsets = [2, 0], sizes = [1, 64], strides = [1, 1]} : vector<4x64xf32> to vector<1x64xf32>
    %squeeze3A_152 = vector.shape_cast %slice3A_151 : vector<1x64xf32> to vector<64xf32>
    %reduce_max3A_153 = vector.shape_cast %squeeze3A_152 : vector<64xf32> to vector<1x64xf32>
    %reduce_max3A_154 = arith.constant dense<0xFF800000> : vector<1xf32>
    %reduce_max3A_155 = vector.multi_reduction <maximumf>, %reduce_max3A_153, %reduce_max3A_154 [1] : vector<1x64xf32> to vector<1xf32>
    %reduce_max3A_156 = vector.shape_cast %reduce_max3A_155 : vector<1xf32> to vector<1x1xf32>
    %reduce_max3A_157 = vector.extract %reduce_max3A_156[0, 0] : f32 from vector<1x1xf32>
    %sub3A_158 = vector.broadcast %reduce_max3A_157 : f32 to vector<2000x64xf32>
    %sub3A_159 = arith.subf %add3A_150, %sub3A_158 : vector<2000x64xf32>
    %exp3A_160 = math.exp %sub3A_159 : vector<2000x64xf32>
    %reduce_sum3A_161 = arith.constant dense<0.000000e+00> : vector<2000xf32>
    %reduce_sum3A_162 = vector.multi_reduction <add>, %exp3A_160, %reduce_sum3A_161 [1] : vector<2000x64xf32> to vector<2000xf32>
    %broadcast_in_dim3A_163 = vector.shape_cast %reduce_sum3A_162 : vector<2000xf32> to vector<2000x1xf32>
    %div3A_164 = vector.broadcast %broadcast_in_dim3A_163 : vector<2000x1xf32> to vector<2000x64xf32>
    %div3A_165 = arith.divf %exp3A_160, %div3A_164 : vector<2000x64xf32>
    %reduce_max3A_166 = arith.constant dense<0xFF800000> : vector<2000xf32>
    %reduce_max3A_167 = vector.multi_reduction <maximumf>, %div3A_165, %reduce_max3A_166 [1] : vector<2000x64xf32> to vector<2000xf32>
    %broadcast_in_dim3A_168 = vector.shape_cast %reduce_max3A_167 : vector<2000xf32> to vector<2000x1xf32>
    %iota3A_169 = tpu.iota {dimensions = array<i32: 1>} : vector<2000x64xi32>
    %eq3A_170 = vector.broadcast %broadcast_in_dim3A_168 : vector<2000x1xf32> to vector<2000x64xf32>
    %eq3A_171 = arith.cmpf oeq, %div3A_165, %eq3A_170 : vector<2000x64xf32>
    %jit3A_172 = arith.constant 64 : i32
    %broadcast_in_dim3A_173 = vector.broadcast %jit3A_172 : i32 to vector<2000x64xi32>
    %select_n3A_174 = arith.select %eq3A_171, %iota3A_169, %broadcast_in_dim3A_173 : vector<2000x64xi1>, vector<2000x64xi32>
    %reduce_min3A_175 = arith.constant dense<2147483647> : vector<2000xi32>
    %reduce_min3A_176 = vector.multi_reduction <minsi>, %select_n3A_174, %reduce_min3A_175 [1] : vector<2000x64xi32> to vector<2000xi32>
    %broadcast_in_dim3A_177 = vector.shape_cast %reduce_min3A_176 : vector<2000xi32> to vector<2000x1xi32>
    %ne3A_178 = arith.cmpf one, %broadcast_in_dim3A_168, %broadcast_in_dim3A_168 : vector<2000x1xf32>
    %jit3A_179 = arith.constant 0 : i32
    %broadcast_in_dim3A_180 = vector.broadcast %jit3A_179 : i32 to vector<2000x1xi32>
    %select_n3A_181 = arith.select %ne3A_178, %broadcast_in_dim3A_180, %broadcast_in_dim3A_177 : vector<2000x1xi1>, vector<2000x1xi32>
    %convert_element_type3A_182 = arith.sitofp %select_n3A_181 : vector<2000x1xi32> to vector<2000x1xf32>
    %add3A_183 = arith.addf %add3A_119, %convert_element_type3A_182 : vector<2000x1xf32>
    %get3A_184 = arith.constant 3 : index
    %get3A_185 = arith.constant 0 : index
    %get3A_186 = arith.constant 0 : index
    %get3A_187 = vector.load %arg3[%get3A_184, %get3A_185, %get3A_186] : memref<4x128x64xf32, #tpu.memory_space<vmem>>, vector<1x128x64xf32>
    %get3A_188 = vector.shape_cast %get3A_187 : vector<1x128x64xf32> to vector<128x64xf32>
    %dot_general3A_189 = arith.constant dense<0.000000e+00> : vector<2000x64xf32>
    %dot_general3A_190 = tpu.matmul %get3A_6, %get3A_188, %dot_general3A_189 {dimension_numbers = #tpu.dot_dimension_numbers<[1], [0], [0], [1], [0, 0, 1, 1], [], []>, transpose_lhs_hint = false} : vector<2000x128xf32>, vector<128x64xf32>, vector<2000x64xf32> -> vector<2000x64xf32>
    %get3A_191 = arith.constant 3 : index
    %get3A_192 = arith.constant 0 : index
    %get3A_193 = vector.load %arg4[%get3A_191, %get3A_192] : memref<4x64xf32, #tpu.memory_space<vmem>>, vector<1x64xf32>
    %get3A_194 = vector.shape_cast %get3A_193 : vector<1x64xf32> to vector<64xf32>
    %broadcast_in_dim3A_195 = vector.shape_cast %get3A_194 : vector<64xf32> to vector<1x64xf32>
    %add3A_196 = vector.broadcast %broadcast_in_dim3A_195 : vector<1x64xf32> to vector<2000x64xf32>
    %add3A_197 = arith.addf %dot_general3A_190, %add3A_196 : vector<2000x64xf32>
    %max3A_198 = arith.constant 0.000000e+00 : f32
    %max3A_199 = vector.broadcast %max3A_198 : f32 to vector<2000x64xf32>
    %max3A_200 = arith.maximumf %add3A_197, %max3A_199 : vector<2000x64xf32>
    %get3A_201 = arith.constant 3 : index
    %get3A_202 = arith.constant 0 : index
    %get3A_203 = arith.constant 0 : index
    %get3A_204 = vector.load %arg5[%get3A_201, %get3A_202, %get3A_203] : memref<4x64x64xf32, #tpu.memory_space<vmem>>, vector<1x64x64xf32>
    %get3A_205 = vector.shape_cast %get3A_204 : vector<1x64x64xf32> to vector<64x64xf32>
    %dot_general3A_206 = arith.constant dense<0.000000e+00> : vector<2000x64xf32>
    %dot_general3A_207 = tpu.matmul %max3A_200, %get3A_205, %dot_general3A_206 {dimension_numbers = #tpu.dot_dimension_numbers<[1], [0], [0], [1], [0, 0, 1, 1], [], []>, transpose_lhs_hint = false} : vector<2000x64xf32>, vector<64x64xf32>, vector<2000x64xf32> -> vector<2000x64xf32>
    %get3A_208 = arith.constant 3 : index
    %get3A_209 = arith.constant 0 : index
    %get3A_210 = vector.load %arg6[%get3A_208, %get3A_209] : memref<4x64xf32, #tpu.memory_space<vmem>>, vector<1x64xf32>
    %get3A_211 = vector.shape_cast %get3A_210 : vector<1x64xf32> to vector<64xf32>
    %broadcast_in_dim3A_212 = vector.shape_cast %get3A_211 : vector<64xf32> to vector<1x64xf32>
    %add3A_213 = vector.broadcast %broadcast_in_dim3A_212 : vector<1x64xf32> to vector<2000x64xf32>
    %add3A_214 = arith.addf %dot_general3A_207, %add3A_213 : vector<2000x64xf32>
    %slice3A_215 = vector.extract_strided_slice %reduce_max3A_3 {offsets = [3, 0], sizes = [1, 64], strides = [1, 1]} : vector<4x64xf32> to vector<1x64xf32>
    %squeeze3A_216 = vector.shape_cast %slice3A_215 : vector<1x64xf32> to vector<64xf32>
    %reduce_max3A_217 = vector.shape_cast %squeeze3A_216 : vector<64xf32> to vector<1x64xf32>
    %reduce_max3A_218 = arith.constant dense<0xFF800000> : vector<1xf32>
    %reduce_max3A_219 = vector.multi_reduction <maximumf>, %reduce_max3A_217, %reduce_max3A_218 [1] : vector<1x64xf32> to vector<1xf32>
    %reduce_max3A_220 = vector.shape_cast %reduce_max3A_219 : vector<1xf32> to vector<1x1xf32>
    %reduce_max3A_221 = vector.extract %reduce_max3A_220[0, 0] : f32 from vector<1x1xf32>
    %sub3A_222 = vector.broadcast %reduce_max3A_221 : f32 to vector<2000x64xf32>
    %sub3A_223 = arith.subf %add3A_214, %sub3A_222 : vector<2000x64xf32>
    %exp3A_224 = math.exp %sub3A_223 : vector<2000x64xf32>
    %reduce_sum3A_225 = arith.constant dense<0.000000e+00> : vector<2000xf32>
    %reduce_sum3A_226 = vector.multi_reduction <add>, %exp3A_224, %reduce_sum3A_225 [1] : vector<2000x64xf32> to vector<2000xf32>
    %broadcast_in_dim3A_227 = vector.shape_cast %reduce_sum3A_226 : vector<2000xf32> to vector<2000x1xf32>
    %div3A_228 = vector.broadcast %broadcast_in_dim3A_227 : vector<2000x1xf32> to vector<2000x64xf32>
    %div3A_229 = arith.divf %exp3A_224, %div3A_228 : vector<2000x64xf32>
    %reduce_max3A_230 = arith.constant dense<0xFF800000> : vector<2000xf32>
    %reduce_max3A_231 = vector.multi_reduction <maximumf>, %div3A_229, %reduce_max3A_230 [1] : vector<2000x64xf32> to vector<2000xf32>
    %broadcast_in_dim3A_232 = vector.shape_cast %reduce_max3A_231 : vector<2000xf32> to vector<2000x1xf32>
    %iota3A_233 = tpu.iota {dimensions = array<i32: 1>} : vector<2000x64xi32>
    %eq3A_234 = vector.broadcast %broadcast_in_dim3A_232 : vector<2000x1xf32> to vector<2000x64xf32>
    %eq3A_235 = arith.cmpf oeq, %div3A_229, %eq3A_234 : vector<2000x64xf32>
    %jit3A_236 = arith.constant 64 : i32
    %broadcast_in_dim3A_237 = vector.broadcast %jit3A_236 : i32 to vector<2000x64xi32>
    %select_n3A_238 = arith.select %eq3A_235, %iota3A_233, %broadcast_in_dim3A_237 : vector<2000x64xi1>, vector<2000x64xi32>
    %reduce_min3A_239 = arith.constant dense<2147483647> : vector<2000xi32>
    %reduce_min3A_240 = vector.multi_reduction <minsi>, %select_n3A_238, %reduce_min3A_239 [1] : vector<2000x64xi32> to vector<2000xi32>
    %broadcast_in_dim3A_241 = vector.shape_cast %reduce_min3A_240 : vector<2000xi32> to vector<2000x1xi32>
    %ne3A_242 = arith.cmpf one, %broadcast_in_dim3A_232, %broadcast_in_dim3A_232 : vector<2000x1xf32>
    %jit3A_243 = arith.constant 0 : i32
    %broadcast_in_dim3A_244 = vector.broadcast %jit3A_243 : i32 to vector<2000x1xi32>
    %select_n3A_245 = arith.select %ne3A_242, %broadcast_in_dim3A_244, %broadcast_in_dim3A_241 : vector<2000x1xi1>, vector<2000x1xi32>
    %convert_element_type3A_246 = arith.sitofp %select_n3A_245 : vector<2000x1xi32> to vector<2000x1xf32>
    %add3A_247 = arith.addf %add3A_183, %convert_element_type3A_246 : vector<2000x1xf32>
    %mul3A = arith.constant 2.500000e-01 : f32
    %mul3A_248 = vector.broadcast %mul3A : f32 to vector<2000x1xf32>
    %mul3A_249 = arith.mulf %add3A_247, %mul3A_248 : vector<2000x1xf32>
    %mul3A_250 = vector.broadcast %mul3A_249 : vector<2000x1xf32> to vector<2000x128xf32>
    %mul3A_251 = arith.mulf %get3A_6, %mul3A_250 : vector<2000x128xf32>
    %get3A_252 = arith.constant 0 : index
    %get3A_253 = arith.constant 0 : index
    %get3A_254 = vector.load %arg7[%get3A_252, %get3A_253] : memref<128x64xf32, #tpu.memory_space<vmem>>, vector<128x64xf32>
    %dot_general3A_255 = arith.constant dense<0.000000e+00> : vector<2000x64xf32>
    %dot_general3A_256 = tpu.matmul %mul3A_251, %get3A_254, %dot_general3A_255 {dimension_numbers = #tpu.dot_dimension_numbers<[1], [0], [0], [1], [0, 0, 1, 1], [], []>, transpose_lhs_hint = false} : vector<2000x128xf32>, vector<128x64xf32>, vector<2000x64xf32> -> vector<2000x64xf32>
    %get3A_257 = arith.constant 0 : index
    %get3A_258 = vector.load %arg8[%get3A_257] : memref<64xf32, #tpu.memory_space<vmem>>, vector<64xf32>
    %broadcast_in_dim3A_259 = vector.shape_cast %get3A_258 : vector<64xf32> to vector<1x64xf32>
    %add3A_260 = vector.broadcast %broadcast_in_dim3A_259 : vector<1x64xf32> to vector<2000x64xf32>
    %add3A_261 = arith.addf %dot_general3A_256, %add3A_260 : vector<2000x64xf32>
    %max3A_262 = arith.constant 0.000000e+00 : f32
    %max3A_263 = vector.broadcast %max3A_262 : f32 to vector<2000x64xf32>
    %max3A_264 = arith.maximumf %add3A_261, %max3A_263 : vector<2000x64xf32>
    %get3A_265 = arith.constant 0 : index
    %get3A_266 = arith.constant 0 : index
    %get3A_267 = vector.load %arg9[%get3A_265, %get3A_266] : memref<64x64xf32, #tpu.memory_space<vmem>>, vector<64x64xf32>
    %dot_general3A_268 = arith.constant dense<0.000000e+00> : vector<2000x64xf32>
    %dot_general3A_269 = tpu.matmul %max3A_264, %get3A_267, %dot_general3A_268 {dimension_numbers = #tpu.dot_dimension_numbers<[1], [0], [0], [1], [0, 0, 1, 1], [], []>, transpose_lhs_hint = false} : vector<2000x64xf32>, vector<64x64xf32>, vector<2000x64xf32> -> vector<2000x64xf32>
    %get3A_270 = arith.constant 0 : index
    %get3A_271 = vector.load %arg10[%get3A_270] : memref<64xf32, #tpu.memory_space<vmem>>, vector<64xf32>
    %broadcast_in_dim3A_272 = vector.shape_cast %get3A_271 : vector<64xf32> to vector<1x64xf32>
    %add3A_273 = vector.broadcast %broadcast_in_dim3A_272 : vector<1x64xf32> to vector<2000x64xf32>
    %add3A_274 = arith.addf %dot_general3A_269, %add3A_273 : vector<2000x64xf32>
    %swap3A = arith.constant 0 : index
    %swap3A_275 = arith.constant 0 : index
    %swap3A_276 = vector.load %arg11[%swap3A, %swap3A_275] : memref<2000x64xf32, #tpu.memory_space<vmem>>, vector<2000x64xf32>
    tpu.vector_store %arg11[%swap3A, %swap3A_275], %add3A_274 {strides = array<i32>} : memref<2000x64xf32, #tpu.memory_space<vmem>>, vector<2000x64xf32>,
    %reduce_max3A_277 = vector.shape_cast %add3A_274 : vector<2000x64xf32> to vector<1x2000x64xf32>
    %reduce_max3A_278 = arith.constant dense<0xFF800000> : vector<1xf32>
    %reduce_max3A_279 = vector.multi_reduction <maximumf>, %reduce_max3A_277, %reduce_max3A_278 [1, 2] : vector<1x2000x64xf32> to vector<1xf32>
    %reduce_max3A_280 = vector.shape_cast %reduce_max3A_279 : vector<1xf32> to vector<1x1x1xf32>
    %reduce_max3A_281 = vector.extract %reduce_max3A_280[0, 0, 0] : f32 from vector<1x1x1xf32>
    %broadcast_in_dim3A_282 = vector.broadcast %reduce_max3A_281 : f32 to vector<1x8x128xf32>
    %swap3A_283 = arith.constant 0 : index
    %swap3A_284 = arith.constant 0 : index
    %swap3A_285 = arith.constant 0 : index
    %swap3A_286 = vector.load %arg12[%swap3A_283, %swap3A_284, %swap3A_285] : memref<1x8x128xf32, #tpu.memory_space<vmem>>, vector<1x8x128xf32>
    tpu.vector_store %arg12[%swap3A_283, %swap3A_284, %swap3A_285], %broadcast_in_dim3A_282 {strides = array<i32>} : memref<1x8x128xf32, #tpu.memory_space<vmem>>, vector<1x8x128xf32>,
    return
  }
  func.func @transform_0(%arg0: i32) -> (i32, i32, i32) {
    %c0_i32 = arith.constant 0 : i32
    %c0_i32_0 = arith.constant 0 : i32
    %c0_i32_1 = arith.constant 0 : i32
    %c0_i32_2 = arith.constant 0 : i32
    return %c0_i32, %c0_i32_0, %c0_i32_1 : i32, i32, i32
  }
  func.func @transform_1(%arg0: i32) -> (i32, i32) {
    %c0_i32 = arith.constant 0 : i32
    %c0_i32_0 = arith.constant 0 : i32
    return %arg0, %c0_i32 : i32, i32
  }
  func.func @transform_2(%arg0: i32) -> (i32, i32, i32) {
    %c0_i32 = arith.constant 0 : i32
    %c0_i32_0 = arith.constant 0 : i32
    %c0_i32_1 = arith.constant 0 : i32
    %c0_i32_2 = arith.constant 0 : i32
    return %c0_i32, %c0_i32_0, %c0_i32_1 : i32, i32, i32
  }
  func.func @transform_3(%arg0: i32) -> (i32, i32) {
    %c0_i32 = arith.constant 0 : i32
    %c0_i32_0 = arith.constant 0 : i32
    %c0_i32_1 = arith.constant 0 : i32
    return %c0_i32, %c0_i32_0 : i32, i32
  }
  func.func @transform_4(%arg0: i32) -> (i32, i32, i32) {
    %c0_i32 = arith.constant 0 : i32
    %c0_i32_0 = arith.constant 0 : i32
    %c0_i32_1 = arith.constant 0 : i32
    %c0_i32_2 = arith.constant 0 : i32
    return %c0_i32, %c0_i32_0, %c0_i32_1 : i32, i32, i32
  }
  func.func @transform_5(%arg0: i32) -> (i32, i32) {
    %c0_i32 = arith.constant 0 : i32
    %c0_i32_0 = arith.constant 0 : i32
    %c0_i32_1 = arith.constant 0 : i32
    return %c0_i32, %c0_i32_0 : i32, i32
  }
  func.func @transform_6(%arg0: i32) -> (i32, i32) {
    %c0_i32 = arith.constant 0 : i32
    %c0_i32_0 = arith.constant 0 : i32
    %c0_i32_1 = arith.constant 0 : i32
    return %c0_i32, %c0_i32_0 : i32, i32
  }
  func.func @transform_7(%arg0: i32) -> i32 {
    %c0_i32 = arith.constant 0 : i32
    %c0_i32_0 = arith.constant 0 : i32
    return %c0_i32 : i32
  }
  func.func @transform_8(%arg0: i32) -> (i32, i32) {
    %c0_i32 = arith.constant 0 : i32
    %c0_i32_0 = arith.constant 0 : i32
    %c0_i32_1 = arith.constant 0 : i32
    return %c0_i32, %c0_i32_0 : i32, i32
  }
  func.func @transform_9(%arg0: i32) -> i32 {
    %c0_i32 = arith.constant 0 : i32
    %c0_i32_0 = arith.constant 0 : i32
    return %c0_i32 : i32
  }
  func.func @transform_10(%arg0: i32) -> (i32, i32) {
    %c0_i32 = arith.constant 0 : i32
    %c0_i32_0 = arith.constant 0 : i32
    return %arg0, %c0_i32 : i32, i32
  }
  func.func @transform_11(%arg0: i32) -> (i32, i32, i32) {
    %c0_i32 = arith.constant 0 : i32
    %c0_i32_0 = arith.constant 0 : i32
    %c0_i32_1 = arith.constant 0 : i32
    return %arg0, %c0_i32, %c0_i32_0 : i32, i32, i32
  }
}

module attributes {stable_mosaic.version = 14 : i64} {
  func.func @_mlp2b_body(%arg0: i32, %arg1: memref<2000x64xf32, #tpu.memory_space<vmem>>, %arg2: memref<5x8x128xf32, #tpu.memory_space<vmem>>, %arg3: memref<2000x64xf32, #tpu.memory_space<vmem>>) attributes {dimension_semantics = [#tpu.dimension_semantics<parallel>], iteration_bounds = array<i64: 5>, scalar_prefetch = 0 : i64, scratch_operands = 0 : i64, tpu.core_type = #tpu.core_type<tc>, window_params = [{transform_indices = @transform_0, window_bounds = array<i64: 2000, 64>}, {pipeline_mode = #tpu.pipeline_mode<synchronous>, transform_indices = @transform_1, window_bounds = array<i64: 5, 8, 128>}, {transform_indices = @transform_2, window_bounds = array<i64: 2000, 64>}]} {
    %get3A = arith.constant 0 : index
    %get3A_0 = arith.constant 0 : index
    %get3A_1 = arith.constant 0 : index
    %get3A_2 = vector.load %arg2[%get3A, %get3A_0, %get3A_1] : memref<5x8x128xf32, #tpu.memory_space<vmem>>, vector<5x8x128xf32>
    %reduce_max3A = vector.shape_cast %get3A_2 : vector<5x8x128xf32> to vector<1x5x8x128xf32>
    %reduce_max3A_3 = arith.constant dense<0xFF800000> : vector<1xf32>
    %reduce_max3A_4 = vector.multi_reduction <maximumf>, %reduce_max3A, %reduce_max3A_3 [1, 2, 3] : vector<1x5x8x128xf32> to vector<1xf32>
    %reduce_max3A_5 = vector.shape_cast %reduce_max3A_4 : vector<1xf32> to vector<1x1x1x1xf32>
    %reduce_max3A_6 = vector.extract %reduce_max3A_5[0, 0, 0, 0] : f32 from vector<1x1x1x1xf32>
    %get3A_7 = arith.constant 0 : index
    %get3A_8 = arith.constant 0 : index
    %get3A_9 = vector.load %arg1[%get3A_7, %get3A_8] : memref<2000x64xf32, #tpu.memory_space<vmem>>, vector<2000x64xf32>
    %sub3A = vector.broadcast %reduce_max3A_6 : f32 to vector<2000x64xf32>
    %sub3A_10 = arith.subf %get3A_9, %sub3A : vector<2000x64xf32>
    %exp3A = math.exp %sub3A_10 : vector<2000x64xf32>
    %reduce_sum3A = arith.constant dense<0.000000e+00> : vector<2000xf32>
    %reduce_sum3A_11 = vector.multi_reduction <add>, %exp3A, %reduce_sum3A [1] : vector<2000x64xf32> to vector<2000xf32>
    %broadcast_in_dim3A = vector.shape_cast %reduce_sum3A_11 : vector<2000xf32> to vector<2000x1xf32>
    %div3A = vector.broadcast %broadcast_in_dim3A : vector<2000x1xf32> to vector<2000x64xf32>
    %div3A_12 = arith.divf %exp3A, %div3A : vector<2000x64xf32>
    %swap3A = arith.constant 0 : index
    %swap3A_13 = arith.constant 0 : index
    %swap3A_14 = vector.load %arg3[%swap3A, %swap3A_13] : memref<2000x64xf32, #tpu.memory_space<vmem>>, vector<2000x64xf32>
    tpu.vector_store %arg3[%swap3A, %swap3A_13], %div3A_12 {strides = array<i32>} : memref<2000x64xf32, #tpu.memory_space<vmem>>, vector<2000x64xf32>,
    return
  }
  func.func @transform_0(%arg0: i32) -> (i32, i32) {
    %c0_i32 = arith.constant 0 : i32
    %c0_i32_0 = arith.constant 0 : i32
    return %arg0, %c0_i32 : i32, i32
  }
  func.func @transform_1(%arg0: i32) -> (i32, i32, i32) {
    %c0_i32 = arith.constant 0 : i32
    %c0_i32_0 = arith.constant 0 : i32
    %c0_i32_1 = arith.constant 0 : i32
    %c0_i32_2 = arith.constant 0 : i32
    return %c0_i32, %c0_i32_0, %c0_i32_1 : i32, i32, i32
  }
  func.func @transform_2(%arg0: i32) -> (i32, i32) {
    %c0_i32 = arith.constant 0 : i32
    %c0_i32_0 = arith.constant 0 : i32
    return %arg0, %c0_i32 : i32, i32
  }
}

</mosaic_0001>

<sc_bundles>
// kernel: kernel.11.cloned.1.call-start
scs
__scs_entry_jumppad:
0x0: {  	(pc) =	sbr.rel $0x88, $3  }
0x1: {  	(tag) =	ssettag $0x0;
	lr =	simm.s32 $0x1  }
0x2: {  	[smem:$0x3F97] =	sst lr;
	_ =	strace $0xD0000000  }
0x3: {  	_ = 	snop  }
0x4: {  	_ = 	snop  }
0x5: {  	_ = 	snop  }
0x6: {  	_ = 	snop  }
0x7: {  	_ = 	snop  }
__scs_overlays_trampoline_lowered:
0x8: {  	[smem:$0x3FA6] =	sst s0  }
0x9: {  	[smem:$0x3FA7] =	sst s1  }
0xa: {  	[smem:$0x3FA8] =	sst s2  }
0xb: {  	[smem:$0x3FA9] =	sst s3  }
0xc: {  	[smem:$0x3FAA] =	sst s4  }
0xd: {  	[smem:$0x3FAB] =	sst s5  }
0xe: {  	[smem:$0x3FAC] =	sst s6  }
0xf: {  	[smem:$0x3FAD] =	sst s7  }
0x10: {  	[smem:$0x3FAE] =	sst s8  }
0x11: {  	[smem:$0x3FAF] =	sst s9;
	s0 =	simm.s32 @!p0 $0x0  }
0x12: {  	s1 =	sld [smem:$0x3F95];
	s0 =	simm.s32 @p0 $0x1  }
0x13: {  	[smem:$0x3FB0] =	sst s0;
	s0 =	simm.s32 @!p1 $0x0  }
0x14: {  	s2 =	sld [smem:$0x3F94];
	s0 =	simm.s32 @p1 $0x1  }
0x15: {  	[smem:$0x3FB1] =	sst s0;
	s0 =	simm.s32 @!p2 $0x0  }
0x16: {  	s3 =	sld [smem:$0x3FDB];
	s0 =	simm.s32 @p2 $0x1  }
0x17: {  	s4 =	simm.s32 $0x1BF5;
	[smem:$0x3FB3] =	sst s0  }
0x18: {  	s0 =	sld [smem:$0x3F96];
	_ =	swait.ge [sflag:s4], $0x0  }
0x19: {  	s7 =	sld [smem:$0x3F97]  }
0x1a: {  	s8 =	sadd.s32 $0xFFFFE003, lr  }
0x1b: {  	s9 =	sadd.s32 $0xFFFFFEF7, lr;
	s5 =	simm.s32 $0xFFFFFFFF;
	p2 =	slt.u32 s8, $0xFFFFF086  }
0x1c: {  	p1 =	slt.u32 s9, $0xF7A;
	s5 =	simm.s32 @!p2 $0x0  }
0x1d: {  	s5 =	simm.s32 @p1 $0x1;
	p0 =	seq.s32 s7, s2  }
0x1e: {  	s7 =	smul.u32 @!p0 $0xF7A, s2;
	p2 =	seq.s32 @!p0 s5, $0x0  }
0x1f: {  	s9 =	smul.u32 $0xF7A, s1;
	s8 =	simm.s32 @!p0 $0x1BF5;
	p2 =	por !p2, p0  }
0x20: {  	[sflag:s8] =	ssyncset.s32 @!p0 $0xFFFFF086;
	s6 =	sadd.s32 @!p0 s3, s7;
	s7 =	simm.s32 @!p0 $0x108  }
0x21: {  	s3 =	sadd.s32 s3, s9;
	s6 =	sadd.s32 @!p0 $0x88, s6;
	s7 =	simm.s32 @p2 $0x1082  }
0x22: {  	[simem:s7], [sflag:s8] =	dma.local @!p0 [hbm:s6], $0xF7A  }
0x23: {  	s9 =	sor.u32 $0xD0000000, s2;
	s6 =	simm.s32 $0x108;
	_ =	swait.ge @!p0 [sflag:s8], $0x0  }
0x24: {  	s3 =	sadd.s32 $0x88, s3;
	s6 =	simm.s32 @!p1 $0x1082;
	[sflag:s4] =	ssyncset.s32 $0xFFFFF086  }
0x25: {  	[simem:s6], [sflag:s4] =	dma.local [hbm:s3], $0xF7A  }
0x26: {  	[smem:$0x3F97] =	sst s1;
	(tag) =	ssettag s2;
	_ =	strace s9  }
0x27: {  	s1 =	sld [smem:$0x3FA7]  }
0x28: {  	s2 =	sld [smem:$0x3FA8]  }
0x29: {  	s4 =	sld [smem:$0x3FAA]  }
0x2a: {  	p0 =	seq.s32 s5, $0x0;
	s5 =	sld [smem:$0x3FAB]  }
0x2b: {  	s6 =	sld [smem:$0x3FAC]  }
0x2c: {  	s7 =	sld [smem:$0x3FAD]  }
0x2d: {  	s3 =	simm.s32 $0x108;
	s8 =	sld [smem:$0x3FAE]  }
0x2e: {  	s3 =	simm.s32 @!p0 $0x1082;
	s9 =	sld [smem:$0x3FAF]  }
0x2f: {  	lr =	sadd.s32 s0, s3;
	s0 =	sld [smem:$0x3FA6]  }
0x30: {  	s3 =	sld [smem:$0x3FA9]  }
0x31: {  	[smem:$0x3FB2] =	sst s10  }
0x32: {  	s10 =	sld [smem:$0x3FB0];
	_ =	sdelay $0x3  }
0x33: {  	p0 =	seq.s32 s10, $0x1;
	s10 =	sld [smem:$0x3FB2];
	_ =	sdelay $0x3  }
0x34: {  	[smem:$0x3FB2] =	sst s10  }
0x35: {  	s10 =	sld [smem:$0x3FB1];
	_ =	sdelay $0x3  }
0x36: {  	p1 =	seq.s32 s10, $0x1;
	s10 =	sld [smem:$0x3FB2];
	_ =	sdelay $0x3  }
0x37: {  	[smem:$0x3FB2] =	sst s10  }
0x38: {  	s10 =	sld [smem:$0x3FB3]  }
0x39: {  	_ = 	snop;
	(pc) =	sbr.ind lr, $3  }
0x3a: {  	_ = 	snop  }
0x3b: {  	_ = 	snop  }
0x3c: {  	p2 =	seq.s32 s10, $0x1;
	s10 =	sld [smem:$0x3FB2]  }
0x3d: {  	_ =	shalt  }
0x3e: {  	_ =	shalt  }
0x3f: {  	_ =	shalt  }
0x40: {  	_ =	shalt  }
0x41: {  	_ =	shalt  }
0x42: {  	_ =	shalt  }
0x43: {  	_ =	shalt  }
0x44: {  	_ =	shalt  }
0x45: {  	_ =	shalt  }
0x46: {  	_ =	shalt  }
0x47: {  	_ =	shalt  }
0x48: {  	_ =	shalt  }
0x49: {  	_ =	shalt  }
0x4a: {  	_ =	shalt  }
0x4b: {  	_ =	shalt  }
0x4c: {  	_ =	shalt  }
0x4d: {  	_ =	shalt  }
0x4e: {  	_ =	shalt  }
0x4f: {  	_ =	shalt  }
0x50: {  	_ =	shalt  }
0x51: {  	_ =	shalt  }
0x52: {  	_ =	shalt  }
0x53: {  	_ =	shalt  }
0x54: {  	_ =	shalt  }
0x55: {  	_ =	shalt  }
0x56: {  	_ =	shalt  }
0x57: {  	_ =	shalt  }
0x58: {  	_ =	shalt  }
0x59: {  	_ =	shalt  }
0x5a: {  	_ =	shalt  }
0x5b: {  	_ =	shalt  }
0x5c: {  	_ =	shalt  }
0x5d: {  	_ =	shalt  }
0x5e: {  	_ =	shalt  }
0x5f: {  	_ =	shalt  }
0x60: {  	_ =	shalt  }
0x61: {  	_ =	shalt  }
0x62: {  	_ =	shalt  }
0x63: {  	_ =	shalt  }
0x64: {  	_ =	shalt  }
0x65: {  	_ =	shalt  }
0x66: {  	_ =	shalt  }
0x67: {  	_ =	shalt  }
0x68: {  	_ =	shalt  }
0x69: {  	_ =	shalt  }
0x6a: {  	_ =	shalt  }
0x6b: {  	_ =	shalt  }
0x6c: {  	_ =	shalt  }
0x6d: {  	_ =	shalt  }
0x6e: {  	_ =	shalt  }
0x6f: {  	_ =	shalt  }
0x70: {  	_ =	shalt  }
0x71: {  	_ =	shalt  }
0x72: {  	_ =	shalt  }
0x73: {  	_ =	shalt  }
0x74: {  	_ =	shalt  }
0x75: {  	_ =	shalt  }
0x76: {  	_ =	shalt  }
0x77: {  	_ =	shalt  }
0x78: {  	_ =	shalt  }
0x79: {  	_ =	shalt  }
0x7a: {  	_ =	shalt  }
0x7b: {  	_ =	shalt  }
0x7c: {  	_ =	shalt  }
0x7d: {  	_ =	shalt  }
0x7e: {  	_ =	shalt  }
0x7f: {  	_ =	shalt  }
0x80: {  	_ =	shalt  }
0x81: {  	_ =	shalt  }
0x82: {  	_ =	shalt  }
0x83: {  	_ =	shalt  }
0x84: {  	_ =	shalt  }
0x85: {  	_ =	shalt  }
0x86: {  	_ =	shalt  }
0x87: {  	_ =	shalt  }
.Lfunc_end0:
.L_simem_size_0:
called_computation.1_lowered:
.L_overlay_start_0:
0x88: {  	s2 =	sld [smem:$0x3FD9]  }
0x89: {  	s3 =	sld [smem:$0x3FFE];
	_ =	sdelay $0x1  }
0x8a: {  	s1 =	srdreg.scid  }
0x8b: {  	s0 =	sand.u32 $0x1, s1  }
0x8c: {  	s17 =	sshll.u32 s0, $0xA;
	s2 =	sadd.s32 s3, s2  }
0x8d: {  	s2 =	sadd.s32 s2, s17  }
0x8e: {  	[smem:$0x3FBE] =	sst s2  }
0x8f: {  	_ = 	snop  }
0x90: {  	s2 =	sld [smem:$0x3FD0];
	(tm) =	ssettm $0x1  }
0x91: {  	s18 =	sld [smem:$0x3FFB];
	_ =	sdelay $0x3  }
0x92: {  	_ =	strace s18  }
0x93: {  	s3 =	sld [smem:$0x3FFC];
	_ =	sdelay $0x3  }
0x94: {  	_ =	strace s3  }
0x95: {  	s3 =	sld [smem:$0x3FFD];
	_ =	sdelay $0x3  }
0x96: {  	_ =	strace s3  }
0x97: {  	_ =	strace $0x8FFFFFFF  }
0x98: {  	s19 =	sld [smem:$0x3FDB];
	_ =	sdelay $0x1  }
0x99: {  	s4 =	simm.s32 $_scs_section_size  }
0x9a: {  	s5 =	simm.s32 $_size__tile_overlayer_lowered;
	s6 =	simm.s32 $_tile_overlayer_lowered  }
0x9b: {  	s22 =	simm.s32 $0x1BFF;
	s21 =	sshll.u32 s6, $0x1;
	s3 =	sadd.s32 s4, s19  }
0x9c: {  	s7 =	simm.s32 $0x0;
	s20 =	sshll.u32 s5, $0x1;
	s5 =	sadd.s32 s21, s3  }
0x9d: {  	[timem:s7], [sflag:s22] =	dma.local [hbm:s5], s20  }
0x9e: {  	_ =	swait.ge [sflag:s22], s20  }
0x9f: {  	s4 =	ssub.s32 $0x0, s20;
	[sflag:s22] =	ssyncset.done $0x0  }
0xa0: {  	[sflag:s22] =	ssyncadd.s32 s4;
	_ =	sdelay $0x1  }
0xa1: {  	s23 =	simm.s32 $0x1B8B  }
0xa2: {  	_ =	swait.ge [sflag:s23], $0x1  }
0xa3: {  	[sflag:s23] =	ssyncset.done $0x0  }
0xa4: {  	s25 =	simm.s32 $0x1B8E;
	s24 =	sld [smem:$0x3FFE];
	[sflag:s23] =	ssyncadd.s32 $0xFFFFFFFF  }
0xa5: {  	s26 =	simm.s32 $execute0_lowered;
	[smem:$0x3FD2] =	sst s25  }
0xa6: {  	s5 =	sshll.u32 s26, $0x1;
	_ =	strace $0x80000049;
	[dreg:$0x1] =	wrdreg $0xFFFFFFFF  }
0xa7: {  	s28 =	simm.s32 $_size_execute0_lowered;
	s3 =	sadd.s32 s3, s5;
	[dreg:$0x0] =	wrdreg $0x0  }
0xa8: {  	s5 =	sshll.u32 s28, $0x1;
	[dreg:$0x2] =	wrdreg s3  }
0xa9: {  	[dreg:$0x3] =	wrdreg s5  }
0xaa: {  	[dreg:$0x4] =	wrdreg $0xC0  }
0xab: {  	_ =	task [dreg:s7], $0x5FFFF  }
0xac: {  	[dreg:$0x1] =	wrdreg $0xFFFFFFFF  }
0xad: {  	[dreg:$0x0] =	wrdreg $0x60  }
0xae: {  	[dreg:$0x2] =	wrdreg s24  }
0xaf: {  	[dreg:$0x3] =	wrdreg s2  }
0xb0: {  	[dreg:$0x4] =	wrdreg $0x9  }
0xb1: {  	_ =	task.clear_ibuf [dreg:s7], $0x5FFFF;
	_ =	strace $0x90000049  }
0xb2: {  	s29 =	simm.s32 $0x9;
	_ =	strace $0x8000004B  }
0xb3: {  	_ =	swait.ge [sflag:s29], $0x1  }
0xb4: {  	[sflag:s29] =	ssyncadd.s32 $0xFFFFFFFF  }
0xb5: {  	_ =	strace $0x9000004B  }
0xb6: {  	_ =	sfence  }
0xb7: {  	s30 =	sld [smem:$0x0];
	_ =	sdelay $0x2  }
0xb8: {  	s31 =	sshll.u32 s1, $0xD;
	s1 =	sshrl.u32 s1, $0x2  }
0xb9: {  	s3 =	sand.u32 $0x4000, s31;
	s1 =	sadd.s32 s1, s30  }
0xba: {  	s0 =	sor.u32 s3, s0;
	s1 =	sshll.u32 s1, $0x11  }
0xbb: {  	s0 =	sor.u32 s1, s0  }
0xbc: {  	s0 =	sadd.s32 $0x8F2B, s0  }
0xbd: {  	[sflag:s0] =	ssyncadd.remote.s32 $0x1  }
0xbe: {  	_ =	sfence.sel $0xFFFF  }
0xbf: {  	[dreg:$0x0] =	wrdreg $0xFFFFFFFF;
	(pc) =	sbr.abs _section_cstart, $3  }
0xc0: {  	[dreg:$0x1] =	wrdreg $0xFFFFFFFF  }
0xc1: {  	_ =	task.clear_ibuf [dreg:s7], $0x2FFFF;
	_ =	strace $0x9FFFFFFF  }
0xc2: {  	(tm) =	ssettm $0x7FFFFFFF  }
0xc3: {  	_ =	shalt  }
tec
execute0_lowered:
.L_overlay_start_1:
0x0: {  	(tag) =	ssettag $0x1  }
0x1: {  	s1 =	srdreg.scid;
	s0 =	stileid.u32  }
0x2: {  	s8 =	sand.u32 $0x1, s1;
	s3 =	sshll.u32 s0, $0x1  }
0x3: {  	s5 =	sor.u32 s8, s3  }
0x4: {  	p0 =	sgt.u32 s5, $0x18  }
.Ltmp0:
0x5: {  	_ = 	snop;
	(pc) =	sbr.rel @p0 .LBB2_7-.Ltmp0, $4  }
0x6: {  	s4 =	rddreg [dreg:$0x0]  }
0x7: {  	s10 =	rddreg [dreg:$0x1];
	s2 =	simm.s32 $0x0  }
0x8: {  	[smem:$0x7FF] =	sst s2  }
0x9: {  	s1 =	rddreg [dreg:$0x2];
	_ =	strace $0x8000004A  }
0xa: {  	s9 =	smul.u32 $0x190, s5  }
0xb: {  	s3 =	sadd.s32 $0x1A00, s4;
	s11 =	smul.u32 $0x1900, s5;
	s12 =	sadd.s32 $0x1400, s4  }
0xc: {  	s13 =	sadd.s32 $0x28C00, s4;
	s15 =	ssub.s32 $0x2, s8;
	s16 =	simm.s32 $0x2  }
0xd: {  	s17 =	simm.s32 $0xC8;
	s18 =	simm.s32 $0x6600;
	s19 =	simm.s32 $0xCA00  }
0xe: {  	s20 =	simm.s32 $0x3;
	s21 =	simm.s32 $0x4;
	s22 =	simm.s32 $0x0  }
0xf: {  	s30 =	sshrl.u32 s15, $0x1;
	s6 =	sadd.s32 $0xC8, s9;
	s4 =	sadd.s32 s13, s11  }
0x10: {  	s31 =	sshrl.u32 s9, $0x3;
	s9 =	sadd.s32 s3, s11;
	s7 =	sshrl.u32 s6, $0x3  }
0x11: {  	s14 =	sshll.u32 s6, $0x4;
	s11 =	sadd.s32 s12, s31;
	s5 =	sadd.s32 s12, s7  }
0x12: {  	s6 =	sadd.s32 s10, s7;
	s7 =	sadd.s32 s3, s14;
	s8 =	sadd.s32 s13, s14  }
0x13: {  	s13 =	ssub.s32 s15, s30;
	s10 =	sadd.s32 s10, s31;
	s14 =	simm.s32 $0x200  }
0x14: {  	s15 =	simm.s32 $0x1;
	s12 =	smax.u32 s13, $0x1;
	s13 =	simm.s32 $0x100  }
.LBB2_2:
0x15: {  	s23 =	simm.s32 $0x0  }
0x16: {  	[tilespmem:s23], [sflag:$0x1] =	stream.linear.gather [hbm4b:s11+s23], $0xC8, $0x38;
	[tilespmem:$0x12E00] =	vst v63  }
0x17: {  	_ = 	snop  }
0x18: {  	[tilespmem:s13], [sflag:$0x2] =	stream.linear.gather [hbm4b:s10+s23], $0xC8, $0x38;
	[tilespmem:$0x12E00] =	vst v63  }
0x19: {  	_ = 	snop  }
0x1a: {  	[tilespmem:s14], [sflag:$0x3] =	stream.linear.gather [hbm4b:s9+s23], $0x6400, $0x38;
	[tilespmem:$0x12E00] =	vst v63  }
0x1b: {  	_ =	swait.ge [sflag:s15], $0xC8  }
0x1c: {  	[sflag:s15] =	ssyncset.done $0x0  }
0x1d: {  	[sflag:s15] =	ssyncadd.s32 $0xFFFFFF38  }
0x1e: {  	_ =	swait.ge [sflag:s16], $0xC8  }
0x1f: {  	[sflag:s16] =	ssyncset.done $0x0  }
0x20: {  	[sflag:s16] =	ssyncadd.s32 $0xFFFFFF38  }
0x21: {  	[tilespmem:s18], [sflag:$0x1] =	stream.indirect.gather [hbm4b:s3+s17], $0x80, s23, s17, $0xb8;
	[tilespmem:$0x12E00] =	vst v63  }
0x22: {  	_ = 	snop  }
0x23: {  	[tilespmem:s19], [sflag:$0x2] =	stream.indirect.gather [hbm4b:s3+s17], $0x80, s13, s17, $0xb8;
	[tilespmem:$0x12E00] =	vst v63  }
0x24: {  	_ =	swait.ge [sflag:s20], $0x6400  }
0x25: {  	[sflag:s20] =	ssyncset.done $0x0  }
0x26: {  	[sflag:s20] =	ssyncadd.s32 $0xFFFF9C00  }
0x27: {  	_ =	swait.ge [sflag:s15], $0x6400  }
0x28: {  	[sflag:s15] =	ssyncset.done $0x0  }
0x29: {  	[sflag:s15] =	ssyncadd.s32 $0xFFFF9C00  }
0x2a: {  	_ =	swait.ge [sflag:s16], $0x6400  }
0x2b: {  	[sflag:s16] =	ssyncset.done $0x0  }
0x2c: {  	s23 =	simm.s32 $0x0;
	[sflag:s16] =	ssyncadd.s32 $0xFFFF9C00  }
0x2d: {  	v12 =	vld [tilespmem:s23+$0x6600]  }
0x2e: {  	v15 =	vld [tilespmem:s23+$0xCA00]  }
0x2f: {  	v17 =	vld [tilespmem:s23+$0x6610]  }
0x30: {  	v18 =	vld [tilespmem:s23+$0xCA10]  }
0x31: {  	v0 =	vld [tilespmem:s23+$0x6620]  }
0x32: {  	v1 =	vld [tilespmem:s23+$0xCA20]  }
0x33: {  	v2 =	vld [tilespmem:s23+$0x6630]  }
0x34: {  	v7 =	vld [tilespmem:s23+$0xCA30]  }
0x35: {  	v4 =	vld [tilespmem:s23+$0x6640]  }
0x36: {  	v10 =	vld [tilespmem:s23+$0xCA40]  }
0x37: {  	v8 =	vld [tilespmem:s23+$0x6650]  }
0x38: {  	v11 =	vld [tilespmem:s23+$0xCA50]  }
0x39: {  	v5 =	vld [tilespmem:s23+$0x6660]  }
0x3a: {  	v9 =	vld [tilespmem:s23+$0xCA60]  }
0x3b: {  	v3 =	vld [tilespmem:s23+$0x6670]  }
0x3c: {  	v6 =	vld [tilespmem:s23+$0xCA70]  }
0x3d: {  	v14 =	vld [tilespmem:s23+$0x200]  }
0x3e: {  	v13 =	vld [tilespmem:s23+$0x210];
	v16 =	vadd.f32 v15, v12  }
0x3f: {  	s24 =	simm.s32 $0x200;
	v15 =	vadd.f32 v18, v17;
	v12 =	vld [tilespmem:s23+$0x220]  }
.LBB2_3:
0x40: {  	p0 =	sne.s32 s24, $0x18E00;
	v16 =	vmul.f32 $5.000000000e-01, v16;
	v0 =	vadd.f32 v1, v0;
	v1 =	vadd.f32 v7, v2;
	v2 =	vld [tilespmem:s23+$0x230]  }
0x41: {  	v4 =	vadd.f32 v10, v4;
	v8 =	vadd.f32 v11, v8;
	v7 =	vmul.f32 $5.000000000e-01, v15;
	v10 =	vld [tilespmem:s23+$0x240]  }
0x42: {  	v5 =	vadd.f32 v9, v5;
	v11 =	vadd.f32 v16, v14;
	v0 =	vmul.f32 $5.000000000e-01, v0;
	v14 =	vld [tilespmem:s23+$0x250]  }
0x43: {  	v3 =	vadd.f32 v6, v3;
	v1 =	vmul.f32 $5.000000000e-01, v1;
	v7 =	vadd.f32 v7, v13;
	v9 =	vld [tilespmem:s23+$0x260]  }
0x44: {  	s25 =	sshra.s32 s24, $0x2;
	v4 =	vmul.f32 $5.000000000e-01, v4;
	v6 =	vmul.f32 $5.000000000e-01, v11;
	v0 =	vadd.f32 v0, v12;
	v11 =	vld [tilespmem:s23+$0x270]  }
0x45: {  	v12 =	vld [tilespmem:s25+$0x6600];
	v7 =	vmul.f32 $5.000000000e-01, v7;
	v1 =	vadd.f32 v1, v2;
	v2 =	vmul.f32 $5.000000000e-01, v8  }
0x46: {  	v5 =	vmul.f32 $5.000000000e-01, v5;
	v13 =	vld [tilespmem:s25+$0xCA00];
	[tilespmem:s23+$0x200] =	vst v6;
	v0 =	vmul.f32 $5.000000000e-01, v0;
	v4 =	vadd.f32 v4, v10  }
0x47: {  	v3 =	vmul.f32 $5.000000000e-01, v3;
	v15 =	vld [tilespmem:s25+$0x6610];
	[tilespmem:s23+$0x210] =	vst v7;
	v1 =	vmul.f32 $5.000000000e-01, v1;
	v2 =	vadd.f32 v2, v14  }
0x48: {  	v17 =	vld [tilespmem:s25+$0xCA10];
	[tilespmem:s23+$0x220] =	vst v0;
	v4 =	vmul.f32 $5.000000000e-01, v4;
	v5 =	vadd.f32 v5, v9  }
0x49: {  	v0 =	vld [tilespmem:s25+$0x6620];
	[tilespmem:s23+$0x230] =	vst v1;
	v6 =	vmul.f32 $5.000000000e-01, v2;
	v3 =	vadd.f32 v3, v11  }
0x4a: {  	v1 =	vld [tilespmem:s25+$0xCA20];
	[tilespmem:s23+$0x240] =	vst v4;
	v4 =	vmul.f32 $5.000000000e-01, v5  }
0x4b: {  	v2 =	vld [tilespmem:s25+$0x6630];
	[tilespmem:s23+$0x250] =	vst v6;
	v3 =	vmul.f32 $5.000000000e-01, v3  }
0x4c: {  	v7 =	vld [tilespmem:s25+$0xCA30];
	[tilespmem:s23+$0x260] =	vst v4  }
0x4d: {  	v4 =	vld [tilespmem:s25+$0x6640];
	[tilespmem:s23+$0x270] =	vst v3;
	s23 =	smov.u32 s25  }
0x4e: {  	v10 =	vld [tilespmem:s23+$0xCA40]  }
0x4f: {  	v8 =	vld [tilespmem:s23+$0x6650]  }
0x50: {  	v11 =	vld [tilespmem:s23+$0xCA50]  }
0x51: {  	v5 =	vld [tilespmem:s23+$0x6660]  }
0x52: {  	v9 =	vld [tilespmem:s23+$0xCA60]  }
.Ltmp1:
0x53: {  	v3 =	vld [tilespmem:s23+$0x6670];
	(pc) =	sbr.rel @p0 .LBB2_3-.Ltmp1, $4  }
0x54: {  	v6 =	vld [tilespmem:s23+$0xCA70]  }
0x55: {  	v14 =	vld [tilespmem:s23+$0x200]  }
0x56: {  	v16 =	vadd.f32 v13, v12;
	v13 =	vld [tilespmem:s23+$0x210]  }
0x57: {  	s24 =	sadd.s32 $0x200, s24;
	v15 =	vadd.f32 v17, v15;
	v12 =	vld [tilespmem:s23+$0x220]  }
0x58: {  	v16 =	vmul.f32 $5.000000000e-01, v16;
	v0 =	vadd.f32 v1, v0;
	v1 =	vadd.f32 v7, v2;
	v2 =	vld [tilespmem:s23+$0x230]  }
0x59: {  	v4 =	vadd.f32 v10, v4;
	v10 =	vld [tilespmem:s23+$0x240];
	v8 =	vadd.f32 v11, v8;
	v7 =	vmul.f32 $5.000000000e-01, v15  }
0x5a: {  	v5 =	vadd.f32 v9, v5;
	v11 =	vadd.f32 v16, v14;
	v0 =	vmul.f32 $5.000000000e-01, v0;
	v14 =	vld [tilespmem:s23+$0x250]  }
0x5b: {  	v9 =	vld [tilespmem:s23+$0x260];
	v3 =	vadd.f32 v6, v3;
	v1 =	vmul.f32 $5.000000000e-01, v1;
	v7 =	vadd.f32 v7, v13  }
0x5c: {  	v4 =	vmul.f32 $5.000000000e-01, v4;
	v6 =	vmul.f32 $5.000000000e-01, v11;
	v0 =	vadd.f32 v0, v12;
	v11 =	vld [tilespmem:s23+$0x270]  }
0x5d: {  	v7 =	vmul.f32 $5.000000000e-01, v7;
	v1 =	vadd.f32 v1, v2;
	v2 =	vmul.f32 $5.000000000e-01, v8  }
0x5e: {  	v5 =	vmul.f32 $5.000000000e-01, v5;
	v4 =	vadd.f32 v4, v10;
	[tilespmem:s23+$0x200] =	vst v6;
	v0 =	vmul.f32 $5.000000000e-01, v0  }
0x5f: {  	v3 =	vmul.f32 $5.000000000e-01, v3;
	[tilespmem:s23+$0x210] =	vst v7;
	v1 =	vmul.f32 $5.000000000e-01, v1;
	v2 =	vadd.f32 v2, v14  }
0x60: {  	[tilespmem:s23+$0x220] =	vst v0;
	v0 =	vmul.f32 $5.000000000e-01, v4;
	v4 =	vadd.f32 v5, v9  }
0x61: {  	[tilespmem:s23+$0x230] =	vst v1;
	v1 =	vmul.f32 $5.000000000e-01, v2;
	v2 =	vadd.f32 v3, v11  }
0x62: {  	[tilespmem:s23+$0x240] =	vst v0;
	v0 =	vmul.f32 $5.000000000e-01, v4  }
0x63: {  	[tilespmem:s23+$0x250] =	vst v1;
	v1 =	vmul.f32 $5.000000000e-01, v2  }
0x64: {  	[tilespmem:s23+$0x260] =	vst v0  }
0x65: {  	s31 =	simm.s32 $0x0;
	[tilespmem:s23+$0x270] =	vst v1  }
0x66: {  	[hbm4b:s4+s31] =	stream.linear.scatter [tilespmem:s14], [sflag:$0x4], $0x6400, $0x38;
	[tilespmem:$0x12E00] =	vst v63  }
0x67: {  	_ =	swait.ge [sflag:s21], $0x6400  }
0x68: {  	[sflag:s21] =	ssyncset.done $0x0  }
0x69: {  	[sflag:s21] =	ssyncadd.s32 $0xFFFF9C00  }
0x6a: {  	[tilespmem:s31], [sflag:$0x1] =	stream.linear.gather [hbm4b:s5+s31], $0xC8, $0x38;
	[tilespmem:$0x12E00] =	vst v63  }
0x6b: {  	_ = 	snop  }
0x6c: {  	[tilespmem:s13], [sflag:$0x2] =	stream.linear.gather [hbm4b:s6+s31], $0xC8, $0x38;
	[tilespmem:$0x12E00] =	vst v63  }
0x6d: {  	_ = 	snop  }
0x6e: {  	[tilespmem:s14], [sflag:$0x3] =	stream.linear.gather [hbm4b:s7+s31], $0x6400, $0x38;
	[tilespmem:$0x12E00] =	vst v63  }
0x6f: {  	_ =	swait.ge [sflag:s15], $0xC8  }
0x70: {  	[sflag:s15] =	ssyncset.done $0x0  }
0x71: {  	[sflag:s15] =	ssyncadd.s32 $0xFFFFFF38  }
0x72: {  	_ =	swait.ge [sflag:s16], $0xC8  }
0x73: {  	[sflag:s16] =	ssyncset.done $0x0  }
0x74: {  	[sflag:s16] =	ssyncadd.s32 $0xFFFFFF38  }
0x75: {  	[tilespmem:s18], [sflag:$0x1] =	stream.indirect.gather [hbm4b:s3+s17], $0x80, s31, s17, $0xb8;
	[tilespmem:$0x12E00] =	vst v63  }
0x76: {  	_ = 	snop  }
0x77: {  	[tilespmem:s19], [sflag:$0x2] =	stream.indirect.gather [hbm4b:s3+s17], $0x80, s13, s17, $0xb8;
	[tilespmem:$0x12E00] =	vst v63  }
0x78: {  	_ =	swait.ge [sflag:s20], $0x6400  }
0x79: {  	[sflag:s20] =	ssyncset.done $0x0  }
0x7a: {  	[sflag:s20] =	ssyncadd.s32 $0xFFFF9C00  }
0x7b: {  	_ =	swait.ge [sflag:s15], $0x6400  }
0x7c: {  	[sflag:s15] =	ssyncset.done $0x0  }
0x7d: {  	[sflag:s15] =	ssyncadd.s32 $0xFFFF9C00  }
0x7e: {  	_ =	swait.ge [sflag:s16], $0x6400  }
0x7f: {  	[sflag:s16] =	ssyncset.done $0x0  }
0x80: {  	s23 =	simm.s32 $0x0;
	[sflag:s16] =	ssyncadd.s32 $0xFFFF9C00  }
0x81: {  	v12 =	vld [tilespmem:s23+$0x6600]  }
0x82: {  	v15 =	vld [tilespmem:s23+$0xCA00]  }
0x83: {  	v17 =	vld [tilespmem:s23+$0x6610]  }
0x84: {  	v18 =	vld [tilespmem:s23+$0xCA10]  }
0x85: {  	v0 =	vld [tilespmem:s23+$0x6620]  }
0x86: {  	v1 =	vld [tilespmem:s23+$0xCA20]  }
0x87: {  	v2 =	vld [tilespmem:s23+$0x6630]  }
0x88: {  	v7 =	vld [tilespmem:s23+$0xCA30]  }
0x89: {  	v4 =	vld [tilespmem:s23+$0x6640]  }
0x8a: {  	v10 =	vld [tilespmem:s23+$0xCA40]  }
0x8b: {  	v8 =	vld [tilespmem:s23+$0x6650]  }
0x8c: {  	v11 =	vld [tilespmem:s23+$0xCA50]  }
0x8d: {  	v5 =	vld [tilespmem:s23+$0x6660]  }
0x8e: {  	v9 =	vld [tilespmem:s23+$0xCA60]  }
0x8f: {  	v3 =	vld [tilespmem:s23+$0x6670]  }
0x90: {  	v6 =	vld [tilespmem:s23+$0xCA70]  }
0x91: {  	v14 =	vld [tilespmem:s23+$0x200]  }
0x92: {  	v13 =	vld [tilespmem:s23+$0x210];
	v16 =	vadd.f32 v15, v12  }
0x93: {  	s24 =	simm.s32 $0x200;
	v15 =	vadd.f32 v18, v17;
	v12 =	vld [tilespmem:s23+$0x220]  }
.LBB2_5:
0x94: {  	p0 =	sne.s32 s24, $0x18E00;
	v16 =	vmul.f32 $5.000000000e-01, v16;
	v0 =	vadd.f32 v1, v0;
	v1 =	vadd.f32 v7, v2;
	v2 =	vld [tilespmem:s23+$0x230]  }
0x95: {  	v4 =	vadd.f32 v10, v4;
	v8 =	vadd.f32 v11, v8;
	v7 =	vmul.f32 $5.000000000e-01, v15;
	v10 =	vld [tilespmem:s23+$0x240]  }
0x96: {  	v5 =	vadd.f32 v9, v5;
	v11 =	vadd.f32 v16, v14;
	v0 =	vmul.f32 $5.000000000e-01, v0;
	v14 =	vld [tilespmem:s23+$0x250]  }
0x97: {  	v3 =	vadd.f32 v6, v3;
	v1 =	vmul.f32 $5.000000000e-01, v1;
	v7 =	vadd.f32 v7, v13;
	v9 =	vld [tilespmem:s23+$0x260]  }
0x98: {  	s25 =	sshra.s32 s24, $0x2;
	v4 =	vmul.f32 $5.000000000e-01, v4;
	v6 =	vmul.f32 $5.000000000e-01, v11;
	v0 =	vadd.f32 v0, v12;
	v11 =	vld [tilespmem:s23+$0x270]  }
0x99: {  	v12 =	vld [tilespmem:s25+$0x6600];
	v7 =	vmul.f32 $5.000000000e-01, v7;
	v1 =	vadd.f32 v1, v2;
	v2 =	vmul.f32 $5.000000000e-01, v8  }
0x9a: {  	v5 =	vmul.f32 $5.000000000e-01, v5;
	v13 =	vld [tilespmem:s25+$0xCA00];
	[tilespmem:s23+$0x200] =	vst v6;
	v0 =	vmul.f32 $5.000000000e-01, v0;
	v4 =	vadd.f32 v4, v10  }
0x9b: {  	v3 =	vmul.f32 $5.000000000e-01, v3;
	v15 =	vld [tilespmem:s25+$0x6610];
	[tilespmem:s23+$0x210] =	vst v7;
	v1 =	vmul.f32 $5.000000000e-01, v1;
	v2 =	vadd.f32 v2, v14  }
0x9c: {  	v17 =	vld [tilespmem:s25+$0xCA10];
	[tilespmem:s23+$0x220] =	vst v0;
	v4 =	vmul.f32 $5.000000000e-01, v4;
	v5 =	vadd.f32 v5, v9  }
0x9d: {  	v0 =	vld [tilespmem:s25+$0x6620];
	[tilespmem:s23+$0x230] =	vst v1;
	v6 =	vmul.f32 $5.000000000e-01, v2;
	v3 =	vadd.f32 v3, v11  }
0x9e: {  	v1 =	vld [tilespmem:s25+$0xCA20];
	[tilespmem:s23+$0x240] =	vst v4;
	v4 =	vmul.f32 $5.000000000e-01, v5  }
0x9f: {  	v2 =	vld [tilespmem:s25+$0x6630];
	[tilespmem:s23+$0x250] =	vst v6;
	v3 =	vmul.f32 $5.000000000e-01, v3  }
0xa0: {  	v7 =	vld [tilespmem:s25+$0xCA30];
	[tilespmem:s23+$0x260] =	vst v4  }
0xa1: {  	v4 =	vld [tilespmem:s25+$0x6640];
	[tilespmem:s23+$0x270] =	vst v3;
	s23 =	smov.u32 s25  }
0xa2: {  	v10 =	vld [tilespmem:s23+$0xCA40]  }
0xa3: {  	v8 =	vld [tilespmem:s23+$0x6650]  }
0xa4: {  	v11 =	vld [tilespmem:s23+$0xCA50]  }
0xa5: {  	v5 =	vld [tilespmem:s23+$0x6660]  }
0xa6: {  	v9 =	vld [tilespmem:s23+$0xCA60]  }
.Ltmp2:
0xa7: {  	v3 =	vld [tilespmem:s23+$0x6670];
	(pc) =	sbr.rel @p0 .LBB2_5-.Ltmp2, $4  }
0xa8: {  	v6 =	vld [tilespmem:s23+$0xCA70]  }
0xa9: {  	v14 =	vld [tilespmem:s23+$0x200]  }
0xaa: {  	v16 =	vadd.f32 v13, v12;
	v13 =	vld [tilespmem:s23+$0x210]  }
0xab: {  	s24 =	sadd.s32 $0x200, s24;
	v15 =	vadd.f32 v17, v15;
	v12 =	vld [tilespmem:s23+$0x220]  }
0xac: {  	v16 =	vmul.f32 $5.000000000e-01, v16;
	v0 =	vadd.f32 v1, v0;
	v48 =	vadd.f32 v7, v2;
	v49 =	vld [tilespmem:s23+$0x230]  }
0xad: {  	v4 =	vadd.f32 v10, v4;
	v51 =	vld [tilespmem:s23+$0x240];
	v8 =	vadd.f32 v11, v8;
	v50 =	vmul.f32 $5.000000000e-01, v15  }
0xae: {  	v53 =	vld [tilespmem:s23+$0x250];
	v5 =	vadd.f32 v9, v5;
	v52 =	vadd.f32 v16, v14;
	v0 =	vmul.f32 $5.000000000e-01, v0  }
0xaf: {  	v54 =	vld [tilespmem:s23+$0x260];
	v3 =	vadd.f32 v6, v3;
	v1 =	vmul.f32 $5.000000000e-01, v48;
	v7 =	vadd.f32 v50, v13  }
0xb0: {  	v56 =	vld [tilespmem:s23+$0x270];
	v4 =	vmul.f32 $5.000000000e-01, v4;
	v55 =	vmul.f32 $5.000000000e-01, v52;
	v0 =	vadd.f32 v0, v12  }
0xb1: {  	v57 =	vmul.f32 $5.000000000e-01, v8;
	v7 =	vmul.f32 $5.000000000e-01, v7;
	v1 =	vadd.f32 v1, v49  }
0xb2: {  	v5 =	vmul.f32 $5.000000000e-01, v5;
	v4 =	vadd.f32 v4, v51;
	[tilespmem:s23+$0x200] =	vst v55;
	v0 =	vmul.f32 $5.000000000e-01, v0  }
0xb3: {  	v3 =	vmul.f32 $5.000000000e-01, v3;
	v2 =	vadd.f32 v57, v53;
	[tilespmem:s23+$0x210] =	vst v7;
	v1 =	vmul.f32 $5.000000000e-01, v1  }
0xb4: {  	v59 =	vadd.f32 v5, v54;
	v58 =	vmul.f32 $5.000000000e-01, v4;
	[tilespmem:s23+$0x220] =	vst v0  }
0xb5: {  	v61 =	vadd.f32 v3, v56;
	v60 =	vmul.f32 $5.000000000e-01, v2;
	[tilespmem:s23+$0x230] =	vst v1  }
0xb6: {  	v62 =	vmul.f32 $5.000000000e-01, v59;
	[tilespmem:s23+$0x240] =	vst v58  }
0xb7: {  	s22 =	sadd.s32 $0x1, s22;
	v63 =	vmul.f32 $5.000000000e-01, v61;
	[tilespmem:s23+$0x250] =	vst v60  }
0xb8: {  	p0 =	sne.s32 s22, s12;
	[tilespmem:s23+$0x260] =	vst v62  }
.Ltmp3:
0xb9: {  	[tilespmem:s23+$0x270] =	vst v63;
	(pc) =	sbr.rel @p0 .LBB2_2-.Ltmp3, $4  }
0xba: {  	[hbm4b:s8+s2] =	stream.linear.scatter [tilespmem:s14], [sflag:$0x4], $0x6400, $0x38;
	[tilespmem:$0x12E00] =	vst v63  }
0xbb: {  	_ =	swait.ge [sflag:s21], $0x6400  }
0xbc: {  	[sflag:s21] =	ssyncset.done $0x0  }
0xbd: {  	[sflag:s21] =	ssyncadd.s32 $0xFFFF9C00  }
.LBB2_7:
0xbe: {  	_ =	sfence.sel $0x180000  }
0xbf: {  	[bflag:$0x0] =	sbarrier.arrive $0xFFFF  }
0xc0: {  	p0 =	sne.s32 s0, $0x0;
	_ =	strace $0x9000004A  }
0xc1: {  	s0 =	sadd.s32 @!p0 $0x100000, s1;
	[bflag:$0x2] =	sbarrier.arrive $0xFFFF  }
0xc2: {  	[sflag:s0] =	ssyncadd.tile.s32 @!p0 $0x1;
	_ =	shalt  }
.Lfunc_end2:
_tile_overlayer_lowered:
.L_overlay_start_2:
0xc3: {  	(tag) =	ssettag $0x2  }
0xc4: {  	s0 =	rddreg [dreg:$0x0];
	s2 =	stileid.u32  }
0xc5: {  	s1 =	rddreg [dreg:$0x1];
	p0 =	sne.s32 s2, $0x0  }
0xc6: {  	s3 =	rddreg [dreg:$0x2];
	[bflag:$0x3] =	sbarrier.arrive $0xFFFF;
	s2 =	simm.s32 @!p0 $0x1C04  }
0xc7: {  	[timem:s3], [sflag:s2] =	dma.local @!p0 [hbm:s0], s1  }
0xc8: {  	s0 =	simm.s32 @!p0 $0x4  }
0xc9: {  	_ =	swait.ge @!p0 [sflag:s0], s1  }
0xca: {  	s1 =	ssub.s32 @!p0 $0x0, s1;
	[sflag:s0] =	ssyncset.done @!p0 $0x0  }
0xcb: {  	[sflag:s0] =	ssyncadd.s32 @!p0 s1  }
0xcc: {  	[bflag:$0x3] =	sbarrier.arrive $0xFFFF  }
0xcd: {  	_ =	shalt  }

// kernel: kernel.8.cloned.1.call-start
scs
__scs_entry_jumppad:
0x0: {  	(pc) =	sbr.rel $0x88, $3  }
0x1: {  	(tag) =	ssettag $0x0;
	lr =	simm.s32 $0x1  }
0x2: {  	[smem:$0x3F97] =	sst lr;
	_ =	strace $0xD0000000  }
0x3: {  	_ = 	snop  }
0x4: {  	_ = 	snop  }
0x5: {  	_ = 	snop  }
0x6: {  	_ = 	snop  }
0x7: {  	_ = 	snop  }
__scs_overlays_trampoline_lowered:
0x8: {  	[smem:$0x3FA6] =	sst s0  }
0x9: {  	[smem:$0x3FA7] =	sst s1  }
0xa: {  	[smem:$0x3FA8] =	sst s2  }
0xb: {  	[smem:$0x3FA9] =	sst s3  }
0xc: {  	[smem:$0x3FAA] =	sst s4  }
0xd: {  	[smem:$0x3FAB] =	sst s5  }
0xe: {  	[smem:$0x3FAC] =	sst s6  }
0xf: {  	[smem:$0x3FAD] =	sst s7  }
0x10: {  	[smem:$0x3FAE] =	sst s8  }
0x11: {  	[smem:$0x3FAF] =	sst s9;
	s0 =	simm.s32 @!p0 $0x0  }
0x12: {  	s1 =	sld [smem:$0x3F95];
	s0 =	simm.s32 @p0 $0x1  }
0x13: {  	[smem:$0x3FB0] =	sst s0;
	s0 =	simm.s32 @!p1 $0x0  }
0x14: {  	s2 =	sld [smem:$0x3F94];
	s0 =	simm.s32 @p1 $0x1  }
0x15: {  	[smem:$0x3FB1] =	sst s0;
	s0 =	simm.s32 @!p2 $0x0  }
0x16: {  	s3 =	sld [smem:$0x3FDB];
	s0 =	simm.s32 @p2 $0x1  }
0x17: {  	s4 =	simm.s32 $0x1BF5;
	[smem:$0x3FB3] =	sst s0  }
0x18: {  	s0 =	sld [smem:$0x3F96];
	_ =	swait.ge [sflag:s4], $0x0  }
0x19: {  	s7 =	sld [smem:$0x3F97]  }
0x1a: {  	s8 =	sadd.s32 $0xFFFFE003, lr  }
0x1b: {  	s9 =	sadd.s32 $0xFFFFFEF7, lr;
	s5 =	simm.s32 $0xFFFFFFFF;
	p2 =	slt.u32 s8, $0xFFFFF086  }
0x1c: {  	p1 =	slt.u32 s9, $0xF7A;
	s5 =	simm.s32 @!p2 $0x0  }
0x1d: {  	s5 =	simm.s32 @p1 $0x1;
	p0 =	seq.s32 s7, s2  }
0x1e: {  	s7 =	smul.u32 @!p0 $0xF7A, s2;
	p2 =	seq.s32 @!p0 s5, $0x0  }
0x1f: {  	s9 =	smul.u32 $0xF7A, s1;
	s8 =	simm.s32 @!p0 $0x1BF5;
	p2 =	por !p2, p0  }
0x20: {  	[sflag:s8] =	ssyncset.s32 @!p0 $0xFFFFF086;
	s6 =	sadd.s32 @!p0 s3, s7;
	s7 =	simm.s32 @!p0 $0x108  }
0x21: {  	s3 =	sadd.s32 s3, s9;
	s6 =	sadd.s32 @!p0 $0x88, s6;
	s7 =	simm.s32 @p2 $0x1082  }
0x22: {  	[simem:s7], [sflag:s8] =	dma.local @!p0 [hbm:s6], $0xF7A  }
0x23: {  	s9 =	sor.u32 $0xD0000000, s2;
	s6 =	simm.s32 $0x108;
	_ =	swait.ge @!p0 [sflag:s8], $0x0  }
0x24: {  	s3 =	sadd.s32 $0x88, s3;
	s6 =	simm.s32 @!p1 $0x1082;
	[sflag:s4] =	ssyncset.s32 $0xFFFFF086  }
0x25: {  	[simem:s6], [sflag:s4] =	dma.local [hbm:s3], $0xF7A  }
0x26: {  	[smem:$0x3F97] =	sst s1;
	(tag) =	ssettag s2;
	_ =	strace s9  }
0x27: {  	s1 =	sld [smem:$0x3FA7]  }
0x28: {  	s2 =	sld [smem:$0x3FA8]  }
0x29: {  	s4 =	sld [smem:$0x3FAA]  }
0x2a: {  	p0 =	seq.s32 s5, $0x0;
	s5 =	sld [smem:$0x3FAB]  }
0x2b: {  	s6 =	sld [smem:$0x3FAC]  }
0x2c: {  	s7 =	sld [smem:$0x3FAD]  }
0x2d: {  	s3 =	simm.s32 $0x108;
	s8 =	sld [smem:$0x3FAE]  }
0x2e: {  	s3 =	simm.s32 @!p0 $0x1082;
	s9 =	sld [smem:$0x3FAF]  }
0x2f: {  	lr =	sadd.s32 s0, s3;
	s0 =	sld [smem:$0x3FA6]  }
0x30: {  	s3 =	sld [smem:$0x3FA9]  }
0x31: {  	[smem:$0x3FB2] =	sst s10  }
0x32: {  	s10 =	sld [smem:$0x3FB0];
	_ =	sdelay $0x3  }
0x33: {  	p0 =	seq.s32 s10, $0x1;
	s10 =	sld [smem:$0x3FB2];
	_ =	sdelay $0x3  }
0x34: {  	[smem:$0x3FB2] =	sst s10  }
0x35: {  	s10 =	sld [smem:$0x3FB1];
	_ =	sdelay $0x3  }
0x36: {  	p1 =	seq.s32 s10, $0x1;
	s10 =	sld [smem:$0x3FB2];
	_ =	sdelay $0x3  }
0x37: {  	[smem:$0x3FB2] =	sst s10  }
0x38: {  	s10 =	sld [smem:$0x3FB3]  }
0x39: {  	_ = 	snop;
	(pc) =	sbr.ind lr, $3  }
0x3a: {  	_ = 	snop  }
0x3b: {  	_ = 	snop  }
0x3c: {  	p2 =	seq.s32 s10, $0x1;
	s10 =	sld [smem:$0x3FB2]  }
0x3d: {  	_ =	shalt  }
0x3e: {  	_ =	shalt  }
0x3f: {  	_ =	shalt  }
0x40: {  	_ =	shalt  }
0x41: {  	_ =	shalt  }
0x42: {  	_ =	shalt  }
0x43: {  	_ =	shalt  }
0x44: {  	_ =	shalt  }
0x45: {  	_ =	shalt  }
0x46: {  	_ =	shalt  }
0x47: {  	_ =	shalt  }
0x48: {  	_ =	shalt  }
0x49: {  	_ =	shalt  }
0x4a: {  	_ =	shalt  }
0x4b: {  	_ =	shalt  }
0x4c: {  	_ =	shalt  }
0x4d: {  	_ =	shalt  }
0x4e: {  	_ =	shalt  }
0x4f: {  	_ =	shalt  }
0x50: {  	_ =	shalt  }
0x51: {  	_ =	shalt  }
0x52: {  	_ =	shalt  }
0x53: {  	_ =	shalt  }
0x54: {  	_ =	shalt  }
0x55: {  	_ =	shalt  }
0x56: {  	_ =	shalt  }
0x57: {  	_ =	shalt  }
0x58: {  	_ =	shalt  }
0x59: {  	_ =	shalt  }
0x5a: {  	_ =	shalt  }
0x5b: {  	_ =	shalt  }
0x5c: {  	_ =	shalt  }
0x5d: {  	_ =	shalt  }
0x5e: {  	_ =	shalt  }
0x5f: {  	_ =	shalt  }
0x60: {  	_ =	shalt  }
0x61: {  	_ =	shalt  }
0x62: {  	_ =	shalt  }
0x63: {  	_ =	shalt  }
0x64: {  	_ =	shalt  }
0x65: {  	_ =	shalt  }
0x66: {  	_ =	shalt  }
0x67: {  	_ =	shalt  }
0x68: {  	_ =	shalt  }
0x69: {  	_ =	shalt  }
0x6a: {  	_ =	shalt  }
0x6b: {  	_ =	shalt  }
0x6c: {  	_ =	shalt  }
0x6d: {  	_ =	shalt  }
0x6e: {  	_ =	shalt  }
0x6f: {  	_ =	shalt  }
0x70: {  	_ =	shalt  }
0x71: {  	_ =	shalt  }
0x72: {  	_ =	shalt  }
0x73: {  	_ =	shalt  }
0x74: {  	_ =	shalt  }
0x75: {  	_ =	shalt  }
0x76: {  	_ =	shalt  }
0x77: {  	_ =	shalt  }
0x78: {  	_ =	shalt  }
0x79: {  	_ =	shalt  }
0x7a: {  	_ =	shalt  }
0x7b: {  	_ =	shalt  }
0x7c: {  	_ =	shalt  }
0x7d: {  	_ =	shalt  }
0x7e: {  	_ =	shalt  }
0x7f: {  	_ =	shalt  }
0x80: {  	_ =	shalt  }
0x81: {  	_ =	shalt  }
0x82: {  	_ =	shalt  }
0x83: {  	_ =	shalt  }
0x84: {  	_ =	shalt  }
0x85: {  	_ =	shalt  }
0x86: {  	_ =	shalt  }
0x87: {  	_ =	shalt  }
.Lfunc_end0:
.L_simem_size_0:
called_computation_lowered:
.L_overlay_start_0:
0x88: {  	s2 =	sld [smem:$0x3FD9]  }
0x89: {  	s3 =	sld [smem:$0x3FFE];
	_ =	sdelay $0x1  }
0x8a: {  	s1 =	srdreg.scid  }
0x8b: {  	s0 =	sand.u32 $0x1, s1  }
0x8c: {  	s17 =	sshll.u32 s0, $0xA;
	s2 =	sadd.s32 s3, s2  }
0x8d: {  	s2 =	sadd.s32 s2, s17  }
0x8e: {  	[smem:$0x3FBE] =	sst s2  }
0x8f: {  	_ = 	snop  }
0x90: {  	s2 =	sld [smem:$0x3FC8]  }
0x91: {  	s18 =	sld [smem:$0x3FD0];
	(tm) =	ssettm $0x1  }
0x92: {  	s4 =	sld [smem:$0x3FFB];
	_ =	sdelay $0x3  }
0x93: {  	_ =	strace s4  }
0x94: {  	s4 =	sld [smem:$0x3FFC];
	_ =	sdelay $0x3  }
0x95: {  	_ =	strace s4  }
0x96: {  	s4 =	sld [smem:$0x3FFD];
	_ =	sdelay $0x3  }
0x97: {  	_ =	strace s4  }
0x98: {  	_ =	strace $0x8FFFFFFF  }
0x99: {  	s19 =	sld [smem:$0x3FDB];
	_ =	sdelay $0x1  }
0x9a: {  	s5 =	simm.s32 $_scs_section_size  }
0x9b: {  	s6 =	simm.s32 $_size__tile_overlayer_lowered;
	s7 =	simm.s32 $_tile_overlayer_lowered  }
0x9c: {  	s22 =	simm.s32 $0x1BFF;
	s21 =	sshll.u32 s7, $0x1;
	s4 =	sadd.s32 s5, s19  }
0x9d: {  	s8 =	simm.s32 $0x0;
	s20 =	sshll.u32 s6, $0x1;
	s6 =	sadd.s32 s21, s4  }
0x9e: {  	[timem:s8], [sflag:s22] =	dma.local [hbm:s6], s20  }
0x9f: {  	_ =	swait.ge [sflag:s22], s20  }
0xa0: {  	s5 =	ssub.s32 $0x0, s20;
	[sflag:s22] =	ssyncset.done $0x0  }
0xa1: {  	[sflag:s22] =	ssyncadd.s32 s5;
	_ =	sdelay $0x1  }
0xa2: {  	s23 =	simm.s32 $0x1B8B  }
0xa3: {  	_ =	swait.ge [sflag:s23], $0x1  }
0xa4: {  	[sflag:s23] =	ssyncset.done $0x0  }
0xa5: {  	s25 =	simm.s32 $0x1B8E;
	s24 =	sld [smem:$0x3FFE];
	[sflag:s23] =	ssyncadd.s32 $0xFFFFFFFF  }
0xa6: {  	s26 =	simm.s32 $execute0_lowered;
	[smem:$0x3FD2] =	sst s25  }
0xa7: {  	s6 =	sshll.u32 s26, $0x1;
	_ =	strace $0x80000046;
	[dreg:$0x1] =	wrdreg $0xFFFFFFFF  }
0xa8: {  	s28 =	simm.s32 $_size_execute0_lowered;
	s4 =	sadd.s32 s4, s6;
	[dreg:$0x0] =	wrdreg $0x0  }
0xa9: {  	s6 =	sshll.u32 s28, $0x1;
	[dreg:$0x2] =	wrdreg s4  }
0xaa: {  	[dreg:$0x3] =	wrdreg s6  }
0xab: {  	[dreg:$0x4] =	wrdreg $0xC0  }
0xac: {  	_ =	task [dreg:s8], $0x5FFFF  }
0xad: {  	[dreg:$0x1] =	wrdreg $0xFFFFFFFF  }
0xae: {  	[dreg:$0x0] =	wrdreg $0x60  }
0xaf: {  	[dreg:$0x2] =	wrdreg s2  }
0xb0: {  	[dreg:$0x3] =	wrdreg s24  }
0xb1: {  	[dreg:$0x4] =	wrdreg s18  }
0xb2: {  	[dreg:$0x5] =	wrdreg $0x9  }
0xb3: {  	_ =	task.clear_ibuf [dreg:s8], $0x6FFFF;
	_ =	strace $0x90000046  }
0xb4: {  	s29 =	simm.s32 $0x9;
	_ =	strace $0x80000048  }
0xb5: {  	_ =	swait.ge [sflag:s29], $0x1  }
0xb6: {  	[sflag:s29] =	ssyncadd.s32 $0xFFFFFFFF  }
0xb7: {  	_ =	strace $0x90000048  }
0xb8: {  	_ =	sfence  }
0xb9: {  	s30 =	sld [smem:$0x0];
	_ =	sdelay $0x2  }
0xba: {  	s31 =	sshll.u32 s1, $0xD;
	s1 =	sshrl.u32 s1, $0x2  }
0xbb: {  	s3 =	sand.u32 $0x4000, s31;
	s1 =	sadd.s32 s1, s30  }
0xbc: {  	s0 =	sor.u32 s3, s0;
	s1 =	sshll.u32 s1, $0x11  }
0xbd: {  	s0 =	sor.u32 s1, s0  }
0xbe: {  	s0 =	sadd.s32 $0x8F2B, s0  }
0xbf: {  	[sflag:s0] =	ssyncadd.remote.s32 $0x1  }
0xc0: {  	_ =	sfence.sel $0xFFFF  }
0xc1: {  	[dreg:$0x0] =	wrdreg $0xFFFFFFFF;
	(pc) =	sbr.abs _section_cstart, $3  }
0xc2: {  	[dreg:$0x1] =	wrdreg $0xFFFFFFFF  }
0xc3: {  	_ =	task.clear_ibuf [dreg:s8], $0x2FFFF;
	_ =	strace $0x9FFFFFFF  }
0xc4: {  	(tm) =	ssettm $0x7FFFFFFF  }
0xc5: {  	_ =	shalt  }
tec
execute0_lowered:
.L_overlay_start_1:
0x0: {  	(tag) =	ssettag $0x1  }
0x1: {  	s2 =	srdreg.scid;
	s0 =	stileid.u32  }
0x2: {  	s8 =	sand.u32 $0x1, s2;
	s5 =	sshll.u32 s0, $0x1  }
0x3: {  	s5 =	sor.u32 s8, s5  }
0x4: {  	p0 =	sgt.u32 s5, $0x18  }
.Ltmp0:
0x5: {  	s1 =	rddreg [dreg:$0x0];
	(pc) =	sbr.rel @p0 .LBB2_7-.Ltmp0, $4  }
0x6: {  	s4 =	rddreg [dreg:$0x1]  }
0x7: {  	s10 =	rddreg [dreg:$0x2];
	s3 =	simm.s32 $0x0  }
0x8: {  	[smem:$0x7FF] =	sst s3  }
0x9: {  	s2 =	rddreg [dreg:$0x3];
	_ =	strace $0x80000047  }
0xa: {  	s9 =	smul.u32 $0x190, s5  }
0xb: {  	s11 =	smul.u32 $0x1900, s5;
	s12 =	sadd.s32 $0x1400, s4  }
0xc: {  	s13 =	sadd.s32 $0x1A00, s4;
	s15 =	ssub.s32 $0x2, s8;
	s16 =	simm.s32 $0x2  }
0xd: {  	s17 =	simm.s32 $0xC8;
	s18 =	simm.s32 $0x6600;
	s19 =	simm.s32 $0xCA00  }
0xe: {  	s20 =	simm.s32 $0x3;
	s21 =	simm.s32 $0x4;
	s22 =	simm.s32 $0x0  }
0xf: {  	s30 =	sshrl.u32 s15, $0x1;
	s6 =	sadd.s32 $0xC8, s9;
	s4 =	sadd.s32 s13, s11  }
0x10: {  	s31 =	sshrl.u32 s9, $0x3;
	s9 =	sadd.s32 s1, s11;
	s7 =	sshrl.u32 s6, $0x3  }
0x11: {  	s14 =	sshll.u32 s6, $0x4;
	s11 =	sadd.s32 s12, s31;
	s5 =	sadd.s32 s12, s7  }
0x12: {  	s6 =	sadd.s32 s10, s7;
	s7 =	sadd.s32 s1, s14;
	s8 =	sadd.s32 s13, s14  }
0x13: {  	s13 =	ssub.s32 s15, s30;
	s10 =	sadd.s32 s10, s31;
	s14 =	simm.s32 $0x200  }
0x14: {  	s15 =	simm.s32 $0x1;
	s12 =	smax.u32 s13, $0x1;
	s13 =	simm.s32 $0x100  }
.LBB2_2:
0x15: {  	s23 =	simm.s32 $0x0  }
0x16: {  	[tilespmem:s23], [sflag:$0x1] =	stream.linear.gather [hbm4b:s11+s23], $0xC8, $0x38;
	[tilespmem:$0x12E00] =	vst v63  }
0x17: {  	_ = 	snop  }
0x18: {  	[tilespmem:s13], [sflag:$0x2] =	stream.linear.gather [hbm4b:s10+s23], $0xC8, $0x38;
	[tilespmem:$0x12E00] =	vst v63  }
0x19: {  	_ = 	snop  }
0x1a: {  	[tilespmem:s14], [sflag:$0x3] =	stream.linear.gather [hbm4b:s9+s23], $0x6400, $0x38;
	[tilespmem:$0x12E00] =	vst v63  }
0x1b: {  	_ =	swait.ge [sflag:s15], $0xC8  }
0x1c: {  	[sflag:s15] =	ssyncset.done $0x0  }
0x1d: {  	[sflag:s15] =	ssyncadd.s32 $0xFFFFFF38  }
0x1e: {  	_ =	swait.ge [sflag:s16], $0xC8  }
0x1f: {  	[sflag:s16] =	ssyncset.done $0x0  }
0x20: {  	[sflag:s16] =	ssyncadd.s32 $0xFFFFFF38  }
0x21: {  	[tilespmem:s18], [sflag:$0x1] =	stream.indirect.gather [hbm4b:s1+s17], $0x80, s23, s17, $0xb8;
	[tilespmem:$0x12E00] =	vst v63  }
0x22: {  	_ = 	snop  }
0x23: {  	[tilespmem:s19], [sflag:$0x2] =	stream.indirect.gather [hbm4b:s1+s17], $0x80, s13, s17, $0xb8;
	[tilespmem:$0x12E00] =	vst v63  }
0x24: {  	_ =	swait.ge [sflag:s20], $0x6400  }
0x25: {  	[sflag:s20] =	ssyncset.done $0x0  }
0x26: {  	[sflag:s20] =	ssyncadd.s32 $0xFFFF9C00  }
0x27: {  	_ =	swait.ge [sflag:s15], $0x6400  }
0x28: {  	[sflag:s15] =	ssyncset.done $0x0  }
0x29: {  	[sflag:s15] =	ssyncadd.s32 $0xFFFF9C00  }
0x2a: {  	_ =	swait.ge [sflag:s16], $0x6400  }
0x2b: {  	[sflag:s16] =	ssyncset.done $0x0  }
0x2c: {  	s23 =	simm.s32 $0x0;
	[sflag:s16] =	ssyncadd.s32 $0xFFFF9C00  }
0x2d: {  	v12 =	vld [tilespmem:s23+$0x6600]  }
0x2e: {  	v15 =	vld [tilespmem:s23+$0xCA00]  }
0x2f: {  	v17 =	vld [tilespmem:s23+$0x6610]  }
0x30: {  	v18 =	vld [tilespmem:s23+$0xCA10]  }
0x31: {  	v0 =	vld [tilespmem:s23+$0x6620]  }
0x32: {  	v1 =	vld [tilespmem:s23+$0xCA20]  }
0x33: {  	v2 =	vld [tilespmem:s23+$0x6630]  }
0x34: {  	v7 =	vld [tilespmem:s23+$0xCA30]  }
0x35: {  	v4 =	vld [tilespmem:s23+$0x6640]  }
0x36: {  	v10 =	vld [tilespmem:s23+$0xCA40]  }
0x37: {  	v8 =	vld [tilespmem:s23+$0x6650]  }
0x38: {  	v11 =	vld [tilespmem:s23+$0xCA50]  }
0x39: {  	v5 =	vld [tilespmem:s23+$0x6660]  }
0x3a: {  	v9 =	vld [tilespmem:s23+$0xCA60]  }
0x3b: {  	v3 =	vld [tilespmem:s23+$0x6670]  }
0x3c: {  	v6 =	vld [tilespmem:s23+$0xCA70]  }
0x3d: {  	v14 =	vld [tilespmem:s23+$0x200]  }
0x3e: {  	v13 =	vld [tilespmem:s23+$0x210];
	v16 =	vadd.f32 v15, v12  }
0x3f: {  	s24 =	simm.s32 $0x200;
	v15 =	vadd.f32 v18, v17;
	v12 =	vld [tilespmem:s23+$0x220]  }
.LBB2_3:
0x40: {  	p0 =	sne.s32 s24, $0x18E00;
	v16 =	vmul.f32 $5.000000000e-01, v16;
	v0 =	vadd.f32 v1, v0;
	v1 =	vadd.f32 v7, v2;
	v2 =	vld [tilespmem:s23+$0x230]  }
0x41: {  	v4 =	vadd.f32 v10, v4;
	v8 =	vadd.f32 v11, v8;
	v7 =	vmul.f32 $5.000000000e-01, v15;
	v10 =	vld [tilespmem:s23+$0x240]  }
0x42: {  	v5 =	vadd.f32 v9, v5;
	v11 =	vadd.f32 v16, v14;
	v0 =	vmul.f32 $5.000000000e-01, v0;
	v14 =	vld [tilespmem:s23+$0x250]  }
0x43: {  	v3 =	vadd.f32 v6, v3;
	v1 =	vmul.f32 $5.000000000e-01, v1;
	v7 =	vadd.f32 v7, v13;
	v9 =	vld [tilespmem:s23+$0x260]  }
0x44: {  	s25 =	sshra.s32 s24, $0x2;
	v4 =	vmul.f32 $5.000000000e-01, v4;
	v6 =	vmul.f32 $5.000000000e-01, v11;
	v0 =	vadd.f32 v0, v12;
	v11 =	vld [tilespmem:s23+$0x270]  }
0x45: {  	v12 =	vld [tilespmem:s25+$0x6600];
	v7 =	vmul.f32 $5.000000000e-01, v7;
	v1 =	vadd.f32 v1, v2;
	v2 =	vmul.f32 $5.000000000e-01, v8  }
0x46: {  	v5 =	vmul.f32 $5.000000000e-01, v5;
	v13 =	vld [tilespmem:s25+$0xCA00];
	[tilespmem:s23+$0x200] =	vst v6;
	v0 =	vmul.f32 $5.000000000e-01, v0;
	v4 =	vadd.f32 v4, v10  }
0x47: {  	v3 =	vmul.f32 $5.000000000e-01, v3;
	v15 =	vld [tilespmem:s25+$0x6610];
	[tilespmem:s23+$0x210] =	vst v7;
	v1 =	vmul.f32 $5.000000000e-01, v1;
	v2 =	vadd.f32 v2, v14  }
0x48: {  	v17 =	vld [tilespmem:s25+$0xCA10];
	[tilespmem:s23+$0x220] =	vst v0;
	v4 =	vmul.f32 $5.000000000e-01, v4;
	v5 =	vadd.f32 v5, v9  }
0x49: {  	v0 =	vld [tilespmem:s25+$0x6620];
	[tilespmem:s23+$0x230] =	vst v1;
	v6 =	vmul.f32 $5.000000000e-01, v2;
	v3 =	vadd.f32 v3, v11  }
0x4a: {  	v1 =	vld [tilespmem:s25+$0xCA20];
	[tilespmem:s23+$0x240] =	vst v4;
	v4 =	vmul.f32 $5.000000000e-01, v5  }
0x4b: {  	v2 =	vld [tilespmem:s25+$0x6630];
	[tilespmem:s23+$0x250] =	vst v6;
	v3 =	vmul.f32 $5.000000000e-01, v3  }
0x4c: {  	v7 =	vld [tilespmem:s25+$0xCA30];
	[tilespmem:s23+$0x260] =	vst v4  }
0x4d: {  	v4 =	vld [tilespmem:s25+$0x6640];
	[tilespmem:s23+$0x270] =	vst v3;
	s23 =	smov.u32 s25  }
0x4e: {  	v10 =	vld [tilespmem:s23+$0xCA40]  }
0x4f: {  	v8 =	vld [tilespmem:s23+$0x6650]  }
0x50: {  	v11 =	vld [tilespmem:s23+$0xCA50]  }
0x51: {  	v5 =	vld [tilespmem:s23+$0x6660]  }
0x52: {  	v9 =	vld [tilespmem:s23+$0xCA60]  }
.Ltmp1:
0x53: {  	v3 =	vld [tilespmem:s23+$0x6670];
	(pc) =	sbr.rel @p0 .LBB2_3-.Ltmp1, $4  }
0x54: {  	v6 =	vld [tilespmem:s23+$0xCA70]  }
0x55: {  	v14 =	vld [tilespmem:s23+$0x200]  }
0x56: {  	v16 =	vadd.f32 v13, v12;
	v13 =	vld [tilespmem:s23+$0x210]  }
0x57: {  	s24 =	sadd.s32 $0x200, s24;
	v15 =	vadd.f32 v17, v15;
	v12 =	vld [tilespmem:s23+$0x220]  }
0x58: {  	v16 =	vmul.f32 $5.000000000e-01, v16;
	v0 =	vadd.f32 v1, v0;
	v1 =	vadd.f32 v7, v2;
	v2 =	vld [tilespmem:s23+$0x230]  }
0x59: {  	v4 =	vadd.f32 v10, v4;
	v10 =	vld [tilespmem:s23+$0x240];
	v8 =	vadd.f32 v11, v8;
	v7 =	vmul.f32 $5.000000000e-01, v15  }
0x5a: {  	v5 =	vadd.f32 v9, v5;
	v11 =	vadd.f32 v16, v14;
	v0 =	vmul.f32 $5.000000000e-01, v0;
	v14 =	vld [tilespmem:s23+$0x250]  }
0x5b: {  	v9 =	vld [tilespmem:s23+$0x260];
	v3 =	vadd.f32 v6, v3;
	v1 =	vmul.f32 $5.000000000e-01, v1;
	v7 =	vadd.f32 v7, v13  }
0x5c: {  	v4 =	vmul.f32 $5.000000000e-01, v4;
	v6 =	vmul.f32 $5.000000000e-01, v11;
	v0 =	vadd.f32 v0, v12;
	v11 =	vld [tilespmem:s23+$0x270]  }
0x5d: {  	v7 =	vmul.f32 $5.000000000e-01, v7;
	v1 =	vadd.f32 v1, v2;
	v2 =	vmul.f32 $5.000000000e-01, v8  }
0x5e: {  	v5 =	vmul.f32 $5.000000000e-01, v5;
	v4 =	vadd.f32 v4, v10;
	[tilespmem:s23+$0x200] =	vst v6;
	v0 =	vmul.f32 $5.000000000e-01, v0  }
0x5f: {  	v3 =	vmul.f32 $5.000000000e-01, v3;
	[tilespmem:s23+$0x210] =	vst v7;
	v1 =	vmul.f32 $5.000000000e-01, v1;
	v2 =	vadd.f32 v2, v14  }
0x60: {  	[tilespmem:s23+$0x220] =	vst v0;
	v0 =	vmul.f32 $5.000000000e-01, v4;
	v4 =	vadd.f32 v5, v9  }
0x61: {  	[tilespmem:s23+$0x230] =	vst v1;
	v1 =	vmul.f32 $5.000000000e-01, v2;
	v2 =	vadd.f32 v3, v11  }
0x62: {  	[tilespmem:s23+$0x240] =	vst v0;
	v0 =	vmul.f32 $5.000000000e-01, v4  }
0x63: {  	[tilespmem:s23+$0x250] =	vst v1;
	v1 =	vmul.f32 $5.000000000e-01, v2  }
0x64: {  	[tilespmem:s23+$0x260] =	vst v0  }
0x65: {  	s31 =	simm.s32 $0x0;
	[tilespmem:s23+$0x270] =	vst v1  }
0x66: {  	[hbm4b:s4+s31] =	stream.linear.scatter [tilespmem:s14], [sflag:$0x4], $0x6400, $0x38;
	[tilespmem:$0x12E00] =	vst v63  }
0x67: {  	_ =	swait.ge [sflag:s21], $0x6400  }
0x68: {  	[sflag:s21] =	ssyncset.done $0x0  }
0x69: {  	[sflag:s21] =	ssyncadd.s32 $0xFFFF9C00  }
0x6a: {  	[tilespmem:s31], [sflag:$0x1] =	stream.linear.gather [hbm4b:s5+s31], $0xC8, $0x38;
	[tilespmem:$0x12E00] =	vst v63  }
0x6b: {  	_ = 	snop  }
0x6c: {  	[tilespmem:s13], [sflag:$0x2] =	stream.linear.gather [hbm4b:s6+s31], $0xC8, $0x38;
	[tilespmem:$0x12E00] =	vst v63  }
0x6d: {  	_ = 	snop  }
0x6e: {  	[tilespmem:s14], [sflag:$0x3] =	stream.linear.gather [hbm4b:s7+s31], $0x6400, $0x38;
	[tilespmem:$0x12E00] =	vst v63  }
0x6f: {  	_ =	swait.ge [sflag:s15], $0xC8  }
0x70: {  	[sflag:s15] =	ssyncset.done $0x0  }
0x71: {  	[sflag:s15] =	ssyncadd.s32 $0xFFFFFF38  }
0x72: {  	_ =	swait.ge [sflag:s16], $0xC8  }
0x73: {  	[sflag:s16] =	ssyncset.done $0x0  }
0x74: {  	[sflag:s16] =	ssyncadd.s32 $0xFFFFFF38  }
0x75: {  	[tilespmem:s18], [sflag:$0x1] =	stream.indirect.gather [hbm4b:s1+s17], $0x80, s31, s17, $0xb8;
	[tilespmem:$0x12E00] =	vst v63  }
0x76: {  	_ = 	snop  }
0x77: {  	[tilespmem:s19], [sflag:$0x2] =	stream.indirect.gather [hbm4b:s1+s17], $0x80, s13, s17, $0xb8;
	[tilespmem:$0x12E00] =	vst v63  }
0x78: {  	_ =	swait.ge [sflag:s20], $0x6400  }
0x79: {  	[sflag:s20] =	ssyncset.done $0x0  }
0x7a: {  	[sflag:s20] =	ssyncadd.s32 $0xFFFF9C00  }
0x7b: {  	_ =	swait.ge [sflag:s15], $0x6400  }
0x7c: {  	[sflag:s15] =	ssyncset.done $0x0  }
0x7d: {  	[sflag:s15] =	ssyncadd.s32 $0xFFFF9C00  }
0x7e: {  	_ =	swait.ge [sflag:s16], $0x6400  }
0x7f: {  	[sflag:s16] =	ssyncset.done $0x0  }
0x80: {  	s23 =	simm.s32 $0x0;
	[sflag:s16] =	ssyncadd.s32 $0xFFFF9C00  }
0x81: {  	v12 =	vld [tilespmem:s23+$0x6600]  }
0x82: {  	v15 =	vld [tilespmem:s23+$0xCA00]  }
0x83: {  	v17 =	vld [tilespmem:s23+$0x6610]  }
0x84: {  	v18 =	vld [tilespmem:s23+$0xCA10]  }
0x85: {  	v0 =	vld [tilespmem:s23+$0x6620]  }
0x86: {  	v1 =	vld [tilespmem:s23+$0xCA20]  }
0x87: {  	v2 =	vld [tilespmem:s23+$0x6630]  }
0x88: {  	v7 =	vld [tilespmem:s23+$0xCA30]  }
0x89: {  	v4 =	vld [tilespmem:s23+$0x6640]  }
0x8a: {  	v10 =	vld [tilespmem:s23+$0xCA40]  }
0x8b: {  	v8 =	vld [tilespmem:s23+$0x6650]  }
0x8c: {  	v11 =	vld [tilespmem:s23+$0xCA50]  }
0x8d: {  	v5 =	vld [tilespmem:s23+$0x6660]  }
0x8e: {  	v9 =	vld [tilespmem:s23+$0xCA60]  }
0x8f: {  	v3 =	vld [tilespmem:s23+$0x6670]  }
0x90: {  	v6 =	vld [tilespmem:s23+$0xCA70]  }
0x91: {  	v14 =	vld [tilespmem:s23+$0x200]  }
0x92: {  	v13 =	vld [tilespmem:s23+$0x210];
	v16 =	vadd.f32 v15, v12  }
0x93: {  	s24 =	simm.s32 $0x200;
	v15 =	vadd.f32 v18, v17;
	v12 =	vld [tilespmem:s23+$0x220]  }
.LBB2_5:
0x94: {  	p0 =	sne.s32 s24, $0x18E00;
	v16 =	vmul.f32 $5.000000000e-01, v16;
	v0 =	vadd.f32 v1, v0;
	v1 =	vadd.f32 v7, v2;
	v2 =	vld [tilespmem:s23+$0x230]  }
0x95: {  	v4 =	vadd.f32 v10, v4;
	v8 =	vadd.f32 v11, v8;
	v7 =	vmul.f32 $5.000000000e-01, v15;
	v10 =	vld [tilespmem:s23+$0x240]  }
0x96: {  	v5 =	vadd.f32 v9, v5;
	v11 =	vadd.f32 v16, v14;
	v0 =	vmul.f32 $5.000000000e-01, v0;
	v14 =	vld [tilespmem:s23+$0x250]  }
0x97: {  	v3 =	vadd.f32 v6, v3;
	v1 =	vmul.f32 $5.000000000e-01, v1;
	v7 =	vadd.f32 v7, v13;
	v9 =	vld [tilespmem:s23+$0x260]  }
0x98: {  	s25 =	sshra.s32 s24, $0x2;
	v4 =	vmul.f32 $5.000000000e-01, v4;
	v6 =	vmul.f32 $5.000000000e-01, v11;
	v0 =	vadd.f32 v0, v12;
	v11 =	vld [tilespmem:s23+$0x270]  }
0x99: {  	v12 =	vld [tilespmem:s25+$0x6600];
	v7 =	vmul.f32 $5.000000000e-01, v7;
	v1 =	vadd.f32 v1, v2;
	v2 =	vmul.f32 $5.000000000e-01, v8  }
0x9a: {  	v5 =	vmul.f32 $5.000000000e-01, v5;
	v13 =	vld [tilespmem:s25+$0xCA00];
	[tilespmem:s23+$0x200] =	vst v6;
	v0 =	vmul.f32 $5.000000000e-01, v0;
	v4 =	vadd.f32 v4, v10  }
0x9b: {  	v3 =	vmul.f32 $5.000000000e-01, v3;
	v15 =	vld [tilespmem:s25+$0x6610];
	[tilespmem:s23+$0x210] =	vst v7;
	v1 =	vmul.f32 $5.000000000e-01, v1;
	v2 =	vadd.f32 v2, v14  }
0x9c: {  	v17 =	vld [tilespmem:s25+$0xCA10];
	[tilespmem:s23+$0x220] =	vst v0;
	v4 =	vmul.f32 $5.000000000e-01, v4;
	v5 =	vadd.f32 v5, v9  }
0x9d: {  	v0 =	vld [tilespmem:s25+$0x6620];
	[tilespmem:s23+$0x230] =	vst v1;
	v6 =	vmul.f32 $5.000000000e-01, v2;
	v3 =	vadd.f32 v3, v11  }
0x9e: {  	v1 =	vld [tilespmem:s25+$0xCA20];
	[tilespmem:s23+$0x240] =	vst v4;
	v4 =	vmul.f32 $5.000000000e-01, v5  }
0x9f: {  	v2 =	vld [tilespmem:s25+$0x6630];
	[tilespmem:s23+$0x250] =	vst v6;
	v3 =	vmul.f32 $5.000000000e-01, v3  }
0xa0: {  	v7 =	vld [tilespmem:s25+$0xCA30];
	[tilespmem:s23+$0x260] =	vst v4  }
0xa1: {  	v4 =	vld [tilespmem:s25+$0x6640];
	[tilespmem:s23+$0x270] =	vst v3;
	s23 =	smov.u32 s25  }
0xa2: {  	v10 =	vld [tilespmem:s23+$0xCA40]  }
0xa3: {  	v8 =	vld [tilespmem:s23+$0x6650]  }
0xa4: {  	v11 =	vld [tilespmem:s23+$0xCA50]  }
0xa5: {  	v5 =	vld [tilespmem:s23+$0x6660]  }
0xa6: {  	v9 =	vld [tilespmem:s23+$0xCA60]  }
.Ltmp2:
0xa7: {  	v3 =	vld [tilespmem:s23+$0x6670];
	(pc) =	sbr.rel @p0 .LBB2_5-.Ltmp2, $4  }
0xa8: {  	v6 =	vld [tilespmem:s23+$0xCA70]  }
0xa9: {  	v14 =	vld [tilespmem:s23+$0x200]  }
0xaa: {  	v16 =	vadd.f32 v13, v12;
	v13 =	vld [tilespmem:s23+$0x210]  }
0xab: {  	s24 =	sadd.s32 $0x200, s24;
	v15 =	vadd.f32 v17, v15;
	v12 =	vld [tilespmem:s23+$0x220]  }
0xac: {  	v16 =	vmul.f32 $5.000000000e-01, v16;
	v0 =	vadd.f32 v1, v0;
	v48 =	vadd.f32 v7, v2;
	v49 =	vld [tilespmem:s23+$0x230]  }
0xad: {  	v4 =	vadd.f32 v10, v4;
	v51 =	vld [tilespmem:s23+$0x240];
	v8 =	vadd.f32 v11, v8;
	v50 =	vmul.f32 $5.000000000e-01, v15  }
0xae: {  	v53 =	vld [tilespmem:s23+$0x250];
	v5 =	vadd.f32 v9, v5;
	v52 =	vadd.f32 v16, v14;
	v0 =	vmul.f32 $5.000000000e-01, v0  }
0xaf: {  	v54 =	vld [tilespmem:s23+$0x260];
	v3 =	vadd.f32 v6, v3;
	v1 =	vmul.f32 $5.000000000e-01, v48;
	v7 =	vadd.f32 v50, v13  }
0xb0: {  	v56 =	vld [tilespmem:s23+$0x270];
	v4 =	vmul.f32 $5.000000000e-01, v4;
	v55 =	vmul.f32 $5.000000000e-01, v52;
	v0 =	vadd.f32 v0, v12  }
0xb1: {  	v57 =	vmul.f32 $5.000000000e-01, v8;
	v7 =	vmul.f32 $5.000000000e-01, v7;
	v1 =	vadd.f32 v1, v49  }
0xb2: {  	v5 =	vmul.f32 $5.000000000e-01, v5;
	v4 =	vadd.f32 v4, v51;
	[tilespmem:s23+$0x200] =	vst v55;
	v0 =	vmul.f32 $5.000000000e-01, v0  }
0xb3: {  	v3 =	vmul.f32 $5.000000000e-01, v3;
	v2 =	vadd.f32 v57, v53;
	[tilespmem:s23+$0x210] =	vst v7;
	v1 =	vmul.f32 $5.000000000e-01, v1  }
0xb4: {  	v59 =	vadd.f32 v5, v54;
	v58 =	vmul.f32 $5.000000000e-01, v4;
	[tilespmem:s23+$0x220] =	vst v0  }
0xb5: {  	v61 =	vadd.f32 v3, v56;
	v60 =	vmul.f32 $5.000000000e-01, v2;
	[tilespmem:s23+$0x230] =	vst v1  }
0xb6: {  	v62 =	vmul.f32 $5.000000000e-01, v59;
	[tilespmem:s23+$0x240] =	vst v58  }
0xb7: {  	s22 =	sadd.s32 $0x1, s22;
	v63 =	vmul.f32 $5.000000000e-01, v61;
	[tilespmem:s23+$0x250] =	vst v60  }
0xb8: {  	p0 =	sne.s32 s22, s12;
	[tilespmem:s23+$0x260] =	vst v62  }
.Ltmp3:
0xb9: {  	[tilespmem:s23+$0x270] =	vst v63;
	(pc) =	sbr.rel @p0 .LBB2_2-.Ltmp3, $4  }
0xba: {  	[hbm4b:s8+s3] =	stream.linear.scatter [tilespmem:s14], [sflag:$0x4], $0x6400, $0x38;
	[tilespmem:$0x12E00] =	vst v63  }
0xbb: {  	_ =	swait.ge [sflag:s21], $0x6400  }
0xbc: {  	[sflag:s21] =	ssyncset.done $0x0  }
0xbd: {  	[sflag:s21] =	ssyncadd.s32 $0xFFFF9C00  }
.LBB2_7:
0xbe: {  	_ =	sfence.sel $0x180000  }
0xbf: {  	[bflag:$0x0] =	sbarrier.arrive $0xFFFF  }
0xc0: {  	p0 =	sne.s32 s0, $0x0;
	_ =	strace $0x90000047  }
0xc1: {  	s0 =	sadd.s32 @!p0 $0x100000, s2;
	[bflag:$0x2] =	sbarrier.arrive $0xFFFF  }
0xc2: {  	[sflag:s0] =	ssyncadd.tile.s32 @!p0 $0x1;
	_ =	shalt  }
.Lfunc_end2:
_tile_overlayer_lowered:
.L_overlay_start_2:
0xc3: {  	(tag) =	ssettag $0x2  }
0xc4: {  	s0 =	rddreg [dreg:$0x0];
	s2 =	stileid.u32  }
0xc5: {  	s1 =	rddreg [dreg:$0x1];
	p0 =	sne.s32 s2, $0x0  }
0xc6: {  	s3 =	rddreg [dreg:$0x2];
	[bflag:$0x3] =	sbarrier.arrive $0xFFFF;
	s2 =	simm.s32 @!p0 $0x1C04  }
0xc7: {  	[timem:s3], [sflag:s2] =	dma.local @!p0 [hbm:s0], s1  }
0xc8: {  	s0 =	simm.s32 @!p0 $0x4  }
0xc9: {  	_ =	swait.ge @!p0 [sflag:s0], s1  }
0xca: {  	s1 =	ssub.s32 @!p0 $0x0, s1;
	[sflag:s0] =	ssyncset.done @!p0 $0x0  }
0xcb: {  	[sflag:s0] =	ssyncadd.s32 @!p0 s1  }
0xcc: {  	[bflag:$0x3] =	sbarrier.arrive $0xFFFF  }
0xcd: {  	_ =	shalt  }

</sc_bundles>
